<compile_context>
chip_gen: v7x
topology: tpu7x:2x2x1
jax: 0.10.2.dev20260603
libtpu: 0.0.44.dev20260713+nightly
codegen_flags: <defaults>
</compile_context>

<pallas_src>
import jax
import jax.numpy as jnp
import numpy as np
from jax import lax
from jax.experimental import pallas as pl
from jax.experimental.pallas import tpu as pltpu
from jax.experimental.pallas import tpu_sc as plsc

B, T, D, FDIM = 8, 256, 768, 256
N_NEG = 100
LOGIT_TEMP = 0.1
NPAD = 112
NW = 32
ROWS_PER_W = T * B // NW
GROUPS = ROWS_PER_W // 16

_IDXT = None


def _rotl32(x, r):
    return ((x << np.uint32(r)) | (x >> np.uint32(32 - r))).astype(np.uint32)


def _threefry2x32(k1, k2, x0, x1):
    x0 = x0.astype(np.uint32).copy()
    x1 = x1.astype(np.uint32).copy()
    ks0, ks1 = np.uint32(k1), np.uint32(k2)
    ks2 = np.uint32(ks0 ^ ks1 ^ np.uint32(0x1BD11BDA))
    rot_a, rot_b = (13, 15, 26, 6), (17, 29, 16, 24)
    x0 += ks0
    x1 += ks1
    sched = ((rot_a, ks1, ks2, 1), (rot_b, ks2, ks0, 2), (rot_a, ks0, ks1, 3),
             (rot_b, ks1, ks2, 4), (rot_a, ks2, ks0, 5))
    for rots, a0, a1, i in sched:
        for r in rots:
            x0 += x1
            x1 = _rotl32(x1, r)
            x1 ^= x0
        x0 += a0
        x1 += a1 + np.uint32(i)
    return x0, x1


def _np_random_bits(k1, k2, size):
    c1 = np.zeros(size, np.uint32)
    c2 = np.arange(size, dtype=np.uint32)
    o0, o1 = _threefry2x32(k1, k2, c1, c2)
    return o0 ^ o1


def _np_randint(seed, shape, minval, maxval):
    k1, k2 = np.uint32(seed >> 32), np.uint32(seed & 0xFFFFFFFF)
    c1 = np.zeros(2, np.uint32)
    c2 = np.arange(2, dtype=np.uint32)
    b1, b2 = _threefry2x32(k1, k2, c1, c2)
    size = int(np.prod(shape))
    hi = _np_random_bits(b1[0], b2[0], size).reshape(shape)
    lo = _np_random_bits(b1[1], b2[1], size).reshape(shape)
    span = np.uint32(maxval - minval)
    mult = np.uint32(np.uint32(65536) % span)
    mult = np.uint32((np.uint64(mult) * np.uint64(mult)) % np.uint64(span))
    out = ((hi % span) * mult + (lo % span)) % span
    return (np.int32(minval) + out.astype(np.int32)).astype(np.int32)


def _neg_index_table():
    global _IDXT
    if _IDXT is None:
        tszs = np.repeat(np.arange(T), N_NEG)
        neg = _np_randint(1, (B, N_NEG * T), 0, T - 1)
        neg = (neg + (neg >= tszs[None, :])).astype(np.int32)
        idx = neg.reshape(B, T, N_NEG)
        diag = np.broadcast_to(np.arange(T, dtype=np.int32)[None, :, None], (B, T, NPAD - N_NEG))
        cols = np.concatenate([idx, diag], axis=2)
        p = np.arange(B * T).reshape(NW, GROUPS, 16)
        c = cols[p // T, p % T]
        flat = (p % ROWS_PER_W)[..., None] * T + c
        _IDXT = np.ascontiguousarray(np.transpose(flat, (0, 1, 3, 2))).reshape(NW, -1).astype(np.int32)
    return _IDXT


def _stage1(cnn_ref, mask_ref, qnt_ref, wp_ref, bp_ref, wf_ref, bf_ref, cm_ref, pos_ref):
    bf = jnp.bfloat16
    nt = (((1,), (1,)), ((), ()))
    wpb = wp_ref[...].astype(bf)
    wfb = wf_ref[...].astype(bf)
    rows = lax.broadcasted_iota(jnp.int32, (T, T), 0)
    cols = lax.broadcasted_iota(jnp.int32, (T, T), 1)
    eye = rows == cols
    for b in range(B):
        m = mask_ref[b].astype(jnp.float32)
        y = jnp.dot((cnn_ref[b] * m).astype(bf), wpb,
                    preferred_element_type=jnp.float32) + bp_ref[...]
        x = jnp.dot((qnt_ref[b] * m).astype(bf), wfb,
                    preferred_element_type=jnp.float32) + bf_ref[...]
        yb, xb = y.astype(bf), x.astype(bf)
        g = lax.dot_general(yb, yb, nt, preferred_element_type=jnp.float32)
        s = lax.dot_general(xb, yb, nt, preferred_element_type=jnp.float32)
        gd_r = jnp.sum(jnp.where(eye, g, 0.0), axis=1, keepdims=True)
        gd_c = jnp.sum(jnp.where(eye, g, 0.0), axis=0, keepdims=True)
        d2 = gd_r + gd_c - 2.0 * g
        nx2 = jnp.sum(x * x, axis=1, keepdims=True)
        c = s / (jnp.maximum(jnp.sqrt(nx2 * gd_c), 1e-8) * LOGIT_TEMP)
        posv = jnp.sum(jnp.where(eye, c, 0.0), axis=0, keepdims=True)
        pos_ref[pl.ds(2 * b, 2), :] = posv.reshape(2, 128)
        cm_ref[pl.ds(2 * T * b, 2 * T), :] = jnp.where(d2 == 0.0, -jnp.inf, c).reshape(2 * T, 128)


def _sc_lse(cm_hbm, pos_hbm, idx_hbm, z_hbm, c_v, idx_v, pos_v, z_v, sem):
    wid = lax.axis_index("s") * 2 + lax.axis_index("c")
    h1 = pltpu.async_copy(cm_hbm.at[pl.ds(wid * (ROWS_PER_W * T), ROWS_PER_W * T)], c_v, sem)
    h2 = pltpu.async_copy(idx_hbm.at[wid], idx_v, sem)
    h3 = pltpu.async_copy(pos_hbm.at[pl.ds(wid * ROWS_PER_W, ROWS_PER_W)], pos_v, sem)
    h1.wait()
    h2.wait()
    h3.wait()
    zero = jnp.zeros((16,), jnp.float32)
    for grp in range(GROUPS):
        base = grp * NPAD

        def zbody(j, zs, base=base):
            acc = []
            for q in range(4):
                iv = idx_v[pl.ds((base + 4 * j + q) * 16, 16)]
                acc.append(zs[q] + jnp.exp(plsc.load_gather(c_v, [iv])))
            return tuple(acc)

        z0, z1, z2, z3 = lax.fori_loop(
            0, NPAD // 4, zbody,
            (jnp.exp(pos_v[pl.ds(grp * 16, 16)]), zero, zero, zero), unroll=7)
        z_v[pl.ds(grp * 16, 16)] = (z0 + z1) + (z2 + z3)
    pltpu.sync_copy(z_v, z_hbm.at[pl.ds(wid * ROWS_PER_W, ROWS_PER_W)])


def _stage3(z_ref, pos_ref, out_ref):
    out_ref[0, 0] = jnp.sum(jnp.log(z_ref[...]) - pos_ref[...])


def kernel(cnn_feat, mask_indices, quantized, W_proj_y, b_proj_y, W_final, b_final):
    maskf = mask_indices.reshape(B, T, 1)
    cm, pos = pl.pallas_call(
        _stage1,
        out_shape=[
            jax.ShapeDtypeStruct((B * 2 * T, 128), jnp.float32),
            jax.ShapeDtypeStruct((B * 2, 128), jnp.float32),
        ],
    )(cnn_feat, maskf, quantized, W_proj_y, b_proj_y.reshape(1, FDIM),
      W_final, b_final.reshape(1, FDIM))

    idxt = jnp.asarray(_neg_index_table())
    sc = pl.kernel(
        _sc_lse,
        mesh=plsc.VectorSubcoreMesh(core_axis_name="c", subcore_axis_name="s"),
        compiler_params=pltpu.CompilerParams(needs_layout_passes=False),
        out_type=jax.ShapeDtypeStruct((B * T,), jnp.float32),
        scratch_types=[
            pltpu.VMEM((ROWS_PER_W * T,), jnp.float32),
            pltpu.VMEM((GROUPS * NPAD * 16,), jnp.int32),
            pltpu.VMEM((ROWS_PER_W,), jnp.float32),
            pltpu.VMEM((ROWS_PER_W,), jnp.float32),
            pltpu.SemaphoreType.DMA,
        ],
    )
    z = sc(cm.reshape(B * T * T), pos.reshape(B * T), idxt)

    out = pl.pallas_call(
        _stage3,
        out_shape=jax.ShapeDtypeStruct((1, 1), jnp.float32),
        out_specs=pl.BlockSpec(memory_space=pltpu.SMEM),
    )(z.reshape(16, 128), pos)
    return out[0, 0]

# --- scband reference (transcript-rebuilt; emitter-appended) ---
"""Pipeline reference for scband-wav2vec-criterion-torch-26044681683248 (READ-ONLY COPY).

The authoritative reference and input builder live on the scoring server;
editing this copy changes nothing except your own understanding.
"""

import jax, jax.numpy as jnp
import numpy as np

B, T, D, FDIM = 8, 256, 768, 256
N_NEG = 100
LOGIT_TEMP = 0.1


def setup_inputs(seed: int = 0) -> dict:
    key = jax.random.key(seed)
    k1, k2, k3, k4, k5, k6 = jax.random.split(key, 6)
    cnn_feat = jax.random.normal(k1, (B, T, D), jnp.float32)
    quantized = jax.random.normal(k2, (B, T, D), jnp.float32)
    mask_indices = np.ones((B, T), dtype=bool)
    s = 1.0 / np.sqrt(D)
    W_proj_y = jax.random.uniform(k3, (D, FDIM), jnp.float32, -s, s)
    b_proj_y = jax.random.uniform(k4, (FDIM,), jnp.float32, -s, s)
    W_final = jax.random.uniform(k5, (D, FDIM), jnp.float32, -s, s)
    b_final = jax.random.uniform(k6, (FDIM,), jnp.float32, -s, s)
    return {"cnn_feat": cnn_feat, "mask_indices": mask_indices, "quantized": quantized,
            "W_proj_y": W_proj_y, "b_proj_y": b_proj_y, "W_final": W_final, "b_final": b_final}


def _normalize(v, axis=-1, eps=1e-12):
    n = jnp.linalg.norm(v, axis=axis, keepdims=True)
    return v / jnp.maximum(n, eps)


def _sample_negatives(y, neg_key):
    Bb, M, Fd = y.shape
    y_flat = jax.lax.stop_gradient(y).reshape(-1, Fd)
    high = M
    tszs = jnp.broadcast_to(jnp.arange(M)[:, None], (M, N_NEG)).reshape(-1)
    neg_idxs = jax.random.randint(neg_key, (Bb, N_NEG * M), 0, high - 1)
    neg_idxs = neg_idxs + (neg_idxs >= tszs[None, :]).astype(neg_idxs.dtype)
    neg_idxs = neg_idxs + jnp.arange(Bb)[:, None] * high
    negs = y_flat[neg_idxs.reshape(-1)].reshape(Bb, M, N_NEG, Fd)
    return jnp.transpose(negs, (2, 0, 1, 3))


def reference(cnn_feat, mask_indices, quantized, W_proj_y, b_proj_y, W_final, b_final):
    Bb, Tt, Dd = cnn_feat.shape
    mask = mask_indices[:, :, None]
    y = jnp.where(mask, cnn_feat, 0.0).reshape(Bb, -1, Dd)
    y = y @ W_proj_y + b_proj_y
    negs = _sample_negatives(y, jax.random.key(1))
    x = jnp.where(mask, quantized, 0.0).reshape(Bb, -1, Dd)
    x = x @ W_final + b_final
    neg_is_pos = jnp.all(y[None] == negs, axis=-1)
    targets = jnp.concatenate([y[None], negs], axis=0)
    xn = _normalize(x.astype(jnp.float32))
    tn = _normalize(targets.astype(jnp.float32))
    an = jnp.linalg.norm(xn, axis=-1)
    bn = jnp.linalg.norm(tn, axis=-1)
    logits3d = jnp.sum(xn[None] * tn, axis=-1) / jnp.maximum(an[None] * bn, 1e-8)
    logits3d = logits3d / LOGIT_TEMP
    logits3d = logits3d.at[1:].set(jnp.where(neg_is_pos, -jnp.inf, logits3d[1:]))
    logits = jnp.transpose(logits3d, (2, 1, 0)).reshape(-1, logits3d.shape[0])
    # cross_entropy with target class 0, reduction='sum'
    loss = jnp.sum(jax.nn.logsumexp(logits, axis=-1) - logits[:, 0])
    return loss

if __name__ == "__main__":
    import jax
    _d = setup_inputs()
    print(jax.jit(kernel)(*tuple(_d.values())))

</pallas_src>

<mosaic_0001>
#map = affine_map<(d0, d1) -> (0)>
#map1 = affine_map<(d0, d1) -> (0, 0)>
module attributes {stable_mosaic.version = 14 : i64} {
  func.func @_sc_lse(%arg0: i32, %arg1: i32, %arg2: memref<524288xf32, #tpu.memory_space<hbm>>, %arg3: memref<2048xf32, #tpu.memory_space<hbm>>, %arg4: memref<32x7168xi32, #tpu.memory_space<hbm>>, %arg5: memref<2048xf32, #tpu.memory_space<hbm>>, %arg6: memref<16384xf32, #tpu.memory_space<vmem>>, %arg7: memref<7168xi32, #tpu.memory_space<vmem>>, %arg8: memref<64xf32, #tpu.memory_space<vmem>>, %arg9: memref<64xf32, #tpu.memory_space<vmem>>, %arg10: memref<!tpu.dma_semaphore, #tpu.memory_space<semaphore_mem>>) attributes {dimension_semantics = [#tpu.dimension_semantics<core_parallel>, #tpu.dimension_semantics<subcore_parallel>], iteration_bounds = array<i64: 2, 16>, scalar_prefetch = 0 : i64, scratch_operands = 5 : i64, tpu.core_type = #tpu.core_type<sc_vector_subcore>, window_params = [{transform_indices = #map}, {transform_indices = #map}, {transform_indices = #map1}, {transform_indices = #map}]} {
    %mul3A = arith.constant 2 : i32
    %mul3A_0 = arith.muli %arg1, %mul3A : i32
    %add3A = arith.addi %mul3A_0, %arg0 : i32
    %mul3A_1 = arith.constant 16384 : i32
    %mul3A_2 = arith.muli %add3A, %mul3A_1 : i32
    %dma_start3A = tpu.memref_slice %arg2[%mul3A_2] : memref<524288xf32, #tpu.memory_space<hbm>> -> memref<16384xf32, #tpu.memory_space<hbm>>
    %dma_start3A_3 = tpu.memref_slice %arg2[%mul3A_2] : memref<524288xf32, #tpu.memory_space<hbm>> -> memref<16384xf32, #tpu.memory_space<hbm>>
    tpu.enqueue_dma source(%dma_start3A_3 : memref<16384xf32, #tpu.memory_space<hbm>>) target(%arg6 : memref<16384xf32, #tpu.memory_space<vmem>>) target_semaphore(%arg10 : memref<!tpu.dma_semaphore, #tpu.memory_space<semaphore_mem>>)
    %dma_start3A_4 = arith.constant 0 : i32
    %dma_start3A_5 = tpu.memref_slice %arg4[%add3A, %dma_start3A_4] : memref<32x7168xi32, #tpu.memory_space<hbm>> -> memref<1x7168xi32, #tpu.memory_space<hbm>>
    %dma_start3A_6 = tpu.memref_squeeze %dma_start3A_5 : memref<1x7168xi32, #tpu.memory_space<hbm>> -> memref<7168xi32, #tpu.memory_space<hbm>>
    %dma_start3A_7 = arith.constant 0 : i32
    %dma_start3A_8 = tpu.memref_slice %arg4[%add3A, %dma_start3A_7] : memref<32x7168xi32, #tpu.memory_space<hbm>> -> memref<1x7168xi32, #tpu.memory_space<hbm>>
    %dma_start3A_9 = tpu.memref_squeeze %dma_start3A_8 : memref<1x7168xi32, #tpu.memory_space<hbm>> -> memref<7168xi32, #tpu.memory_space<hbm>>
    tpu.enqueue_dma source(%dma_start3A_9 : memref<7168xi32, #tpu.memory_space<hbm>>) target(%arg7 : memref<7168xi32, #tpu.memory_space<vmem>>) target_semaphore(%arg10 : memref<!tpu.dma_semaphore, #tpu.memory_space<semaphore_mem>>)
    %mul3A_10 = arith.constant 64 : i32
    %mul3A_11 = arith.muli %add3A, %mul3A_10 : i32
    %dma_start3A_12 = tpu.memref_slice %arg3[%mul3A_11] : memref<2048xf32, #tpu.memory_space<hbm>> -> memref<64xf32, #tpu.memory_space<hbm>>
    %dma_start3A_13 = tpu.memref_slice %arg3[%mul3A_11] : memref<2048xf32, #tpu.memory_space<hbm>> -> memref<64xf32, #tpu.memory_space<hbm>>
    tpu.enqueue_dma source(%dma_start3A_13 : memref<64xf32, #tpu.memory_space<hbm>>) target(%arg8 : memref<64xf32, #tpu.memory_space<vmem>>) target_semaphore(%arg10 : memref<!tpu.dma_semaphore, #tpu.memory_space<semaphore_mem>>)
    %dma_wait3A = tpu.memref_slice %arg2[%mul3A_2] : memref<524288xf32, #tpu.memory_space<hbm>> -> memref<16384xf32, #tpu.memory_space<hbm>>
    %dma_wait3A_14 = tpu.memref_slice %arg2[%mul3A_2] : memref<524288xf32, #tpu.memory_space<hbm>> -> memref<16384xf32, #tpu.memory_space<hbm>>
    tpu.wait_dma2 semaphore(%arg10 : memref<!tpu.dma_semaphore, #tpu.memory_space<semaphore_mem>>) src(%dma_wait3A_14 : memref<16384xf32, #tpu.memory_space<hbm>>) dst(%arg6 : memref<16384xf32, #tpu.memory_space<vmem>>)
    %dma_wait3A_15 = arith.constant 0 : i32
    %dma_wait3A_16 = tpu.memref_slice %arg4[%add3A, %dma_wait3A_15] : memref<32x7168xi32, #tpu.memory_space<hbm>> -> memref<1x7168xi32, #tpu.memory_space<hbm>>
    %dma_wait3A_17 = tpu.memref_squeeze %dma_wait3A_16 : memref<1x7168xi32, #tpu.memory_space<hbm>> -> memref<7168xi32, #tpu.memory_space<hbm>>
    %dma_wait3A_18 = arith.constant 0 : i32
    %dma_wait3A_19 = tpu.memref_slice %arg4[%add3A, %dma_wait3A_18] : memref<32x7168xi32, #tpu.memory_space<hbm>> -> memref<1x7168xi32, #tpu.memory_space<hbm>>
    %dma_wait3A_20 = tpu.memref_squeeze %dma_wait3A_19 : memref<1x7168xi32, #tpu.memory_space<hbm>> -> memref<7168xi32, #tpu.memory_space<hbm>>
    tpu.wait_dma2 semaphore(%arg10 : memref<!tpu.dma_semaphore, #tpu.memory_space<semaphore_mem>>) src(%dma_wait3A_20 : memref<7168xi32, #tpu.memory_space<hbm>>) dst(%arg7 : memref<7168xi32, #tpu.memory_space<vmem>>)
    %dma_wait3A_21 = tpu.memref_slice %arg3[%mul3A_11] : memref<2048xf32, #tpu.memory_space<hbm>> -> memref<64xf32, #tpu.memory_space<hbm>>
    %dma_wait3A_22 = tpu.memref_slice %arg3[%mul3A_11] : memref<2048xf32, #tpu.memory_space<hbm>> -> memref<64xf32, #tpu.memory_space<hbm>>
    tpu.wait_dma2 semaphore(%arg10 : memref<!tpu.dma_semaphore, #tpu.memory_space<semaphore_mem>>) src(%dma_wait3A_22 : memref<64xf32, #tpu.memory_space<hbm>>) dst(%arg8 : memref<64xf32, #tpu.memory_space<vmem>>)
    %broadcast_in_dim3A = arith.constant 0.000000e+00 : f32
    %broadcast_in_dim3A_23 = vector.broadcast %broadcast_in_dim3A : f32 to vector<16xf32>
    %get3A = arith.constant 0 : index
    %get3A_24 = tpu.vector_load %arg8[%get3A] {strides = array<i32>} : memref<64xf32, #tpu.memory_space<vmem>>, vector<16xf32>,
    %exp3A = math.exp %get3A_24 : vector<16xf32>
    %scan3A = arith.constant 0 : i32
    %scan3A_25 = arith.constant 28 : i32
    %scan3A_26 = arith.addi %scan3A, %scan3A_25 : i32
    %scan3A_27 = arith.constant 7 : i32
    %scan3A_28:4 = scf.for %scan3A_78 = %scan3A to %scan3A_26 step %scan3A_27 iter_args(%scan3A_79 = %exp3A, %scan3A_80 = %broadcast_in_dim3A_23, %scan3A_81 = %broadcast_in_dim3A_23, %scan3A_82 = %broadcast_in_dim3A_23) -> (vector<16xf32>, vector<16xf32>, vector<16xf32>, vector<16xf32>)  : i32 {
      %mul3A_83 = arith.constant 4 : i32
      %mul3A_84 = arith.muli %mul3A_83, %scan3A_78 : i32
      %add3A_85 = arith.constant 0 : i32
      %add3A_86 = arith.addi %add3A_85, %mul3A_84 : i32
      %add3A_87 = arith.constant 0 : i32
      %add3A_88 = arith.addi %add3A_86, %add3A_87 : i32
      %mul3A_89 = arith.constant 16 : i32
      %mul3A_90 = arith.muli %add3A_88, %mul3A_89 : i32
      %get3A_91 = arith.index_cast %mul3A_90 : i32 to index
      %get3A_92 = tpu.vector_load %arg7[%get3A_91] {strides = array<i32>} : memref<7168xi32, #tpu.memory_space<vmem>>, vector<16xi32>,
      %gather3A = tpu.vector_load_idx %arg6[%get3A_92] : memref<16384xf32, #tpu.memory_space<vmem>>[vector<16xi32>], vector<16xf32>,
      %exp3A_93 = math.exp %gather3A : vector<16xf32>
      %add3A_94 = arith.addf %scan3A_79, %exp3A_93 : vector<16xf32>
      %mul3A_95 = arith.constant 4 : i32
      %mul3A_96 = arith.muli %mul3A_95, %scan3A_78 : i32
      %add3A_97 = arith.constant 0 : i32
      %add3A_98 = arith.addi %add3A_97, %mul3A_96 : i32
      %add3A_99 = arith.constant 1 : i32
      %add3A_100 = arith.addi %add3A_98, %add3A_99 : i32
      %mul3A_101 = arith.constant 16 : i32
      %mul3A_102 = arith.muli %add3A_100, %mul3A_101 : i32
      %get3A_103 = arith.index_cast %mul3A_102 : i32 to index
      %get3A_104 = tpu.vector_load %arg7[%get3A_103] {strides = array<i32>} : memref<7168xi32, #tpu.memory_space<vmem>>, vector<16xi32>,
      %gather3A_105 = tpu.vector_load_idx %arg6[%get3A_104] : memref<16384xf32, #tpu.memory_space<vmem>>[vector<16xi32>], vector<16xf32>,
      %exp3A_106 = math.exp %gather3A_105 : vector<16xf32>
      %add3A_107 = arith.addf %scan3A_80, %exp3A_106 : vector<16xf32>
      %mul3A_108 = arith.constant 4 : i32
      %mul3A_109 = arith.muli %mul3A_108, %scan3A_78 : i32
      %add3A_110 = arith.constant 0 : i32
      %add3A_111 = arith.addi %add3A_110, %mul3A_109 : i32
      %add3A_112 = arith.constant 2 : i32
      %add3A_113 = arith.addi %add3A_111, %add3A_112 : i32
      %mul3A_114 = arith.constant 16 : i32
      %mul3A_115 = arith.muli %add3A_113, %mul3A_114 : i32
      %get3A_116 = arith.index_cast %mul3A_115 : i32 to index
      %get3A_117 = tpu.vector_load %arg7[%get3A_116] {strides = array<i32>} : memref<7168xi32, #tpu.memory_space<vmem>>, vector<16xi32>,
      %gather3A_118 = tpu.vector_load_idx %arg6[%get3A_117] : memref<16384xf32, #tpu.memory_space<vmem>>[vector<16xi32>], vector<16xf32>,
      %exp3A_119 = math.exp %gather3A_118 : vector<16xf32>
      %add3A_120 = arith.addf %scan3A_81, %exp3A_119 : vector<16xf32>
      %mul3A_121 = arith.constant 4 : i32
      %mul3A_122 = arith.muli %mul3A_121, %scan3A_78 : i32
      %add3A_123 = arith.constant 0 : i32
      %add3A_124 = arith.addi %add3A_123, %mul3A_122 : i32
      %add3A_125 = arith.constant 3 : i32
      %add3A_126 = arith.addi %add3A_124, %add3A_125 : i32
      %mul3A_127 = arith.constant 16 : i32
      %mul3A_128 = arith.muli %add3A_126, %mul3A_127 : i32
      %get3A_129 = arith.index_cast %mul3A_128 : i32 to index
      %get3A_130 = tpu.vector_load %arg7[%get3A_129] {strides = array<i32>} : memref<7168xi32, #tpu.memory_space<vmem>>, vector<16xi32>,
      %gather3A_131 = tpu.vector_load_idx %arg6[%get3A_130] : memref<16384xf32, #tpu.memory_space<vmem>>[vector<16xi32>], vector<16xf32>,
      %exp3A_132 = math.exp %gather3A_131 : vector<16xf32>
      %add3A_133 = arith.addf %scan3A_82, %exp3A_132 : vector<16xf32>
      %scan3A_134 = arith.constant 1 : i32
      %scan3A_135 = arith.addi %scan3A_78, %scan3A_134 : i32
      %mul3A_136 = arith.constant 4 : i32
      %mul3A_137 = arith.muli %mul3A_136, %scan3A_135 : i32
      %add3A_138 = arith.constant 0 : i32
      %add3A_139 = arith.addi %add3A_138, %mul3A_137 : i32
      %add3A_140 = arith.constant 0 : i32
      %add3A_141 = arith.addi %add3A_139, %add3A_140 : i32
      %mul3A_142 = arith.constant 16 : i32
      %mul3A_143 = arith.muli %add3A_141, %mul3A_142 : i32
      %get3A_144 = arith.index_cast %mul3A_143 : i32 to index
      %get3A_145 = tpu.vector_load %arg7[%get3A_144] {strides = array<i32>} : memref<7168xi32, #tpu.memory_space<vmem>>, vector<16xi32>,
      %gather3A_146 = tpu.vector_load_idx %arg6[%get3A_145] : memref<16384xf32, #tpu.memory_space<vmem>>[vector<16xi32>], vector<16xf32>,
      %exp3A_147 = math.exp %gather3A_146 : vector<16xf32>
      %add3A_148 = arith.addf %add3A_94, %exp3A_147 : vector<16xf32>
      %mul3A_149 = arith.constant 4 : i32
      %mul3A_150 = arith.muli %mul3A_149, %scan3A_135 : i32
      %add3A_151 = arith.constant 0 : i32
      %add3A_152 = arith.addi %add3A_151, %mul3A_150 : i32
      %add3A_153 = arith.constant 1 : i32
      %add3A_154 = arith.addi %add3A_152, %add3A_153 : i32
      %mul3A_155 = arith.constant 16 : i32
      %mul3A_156 = arith.muli %add3A_154, %mul3A_155 : i32
      %get3A_157 = arith.index_cast %mul3A_156 : i32 to index
      %get3A_158 = tpu.vector_load %arg7[%get3A_157] {strides = array<i32>} : memref<7168xi32, #tpu.memory_space<vmem>>, vector<16xi32>,
      %gather3A_159 = tpu.vector_load_idx %arg6[%get3A_158] : memref<16384xf32, #tpu.memory_space<vmem>>[vector<16xi32>], vector<16xf32>,
      %exp3A_160 = math.exp %gather3A_159 : vector<16xf32>
      %add3A_161 = arith.addf %add3A_107, %exp3A_160 : vector<16xf32>
      %mul3A_162 = arith.constant 4 : i32
      %mul3A_163 = arith.muli %mul3A_162, %scan3A_135 : i32
      %add3A_164 = arith.constant 0 : i32
      %add3A_165 = arith.addi %add3A_164, %mul3A_163 : i32
      %add3A_166 = arith.constant 2 : i32
      %add3A_167 = arith.addi %add3A_165, %add3A_166 : i32
      %mul3A_168 = arith.constant 16 : i32
      %mul3A_169 = arith.muli %add3A_167, %mul3A_168 : i32
      %get3A_170 = arith.index_cast %mul3A_169 : i32 to index
      %get3A_171 = tpu.vector_load %arg7[%get3A_170] {strides = array<i32>} : memref<7168xi32, #tpu.memory_space<vmem>>, vector<16xi32>,
      %gather3A_172 = tpu.vector_load_idx %arg6[%get3A_171] : memref<16384xf32, #tpu.memory_space<vmem>>[vector<16xi32>], vector<16xf32>,
      %exp3A_173 = math.exp %gather3A_172 : vector<16xf32>
      %add3A_174 = arith.addf %add3A_120, %exp3A_173 : vector<16xf32>
      %mul3A_175 = arith.constant 4 : i32
      %mul3A_176 = arith.muli %mul3A_175, %scan3A_135 : i32
      %add3A_177 = arith.constant 0 : i32
      %add3A_178 = arith.addi %add3A_177, %mul3A_176 : i32
      %add3A_179 = arith.constant 3 : i32
      %add3A_180 = arith.addi %add3A_178, %add3A_179 : i32
      %mul3A_181 = arith.constant 16 : i32
      %mul3A_182 = arith.muli %add3A_180, %mul3A_181 : i32
      %get3A_183 = arith.index_cast %mul3A_182 : i32 to index
      %get3A_184 = tpu.vector_load %arg7[%get3A_183] {strides = array<i32>} : memref<7168xi32, #tpu.memory_space<vmem>>, vector<16xi32>,
      %gather3A_185 = tpu.vector_load_idx %arg6[%get3A_184] : memref<16384xf32, #tpu.memory_space<vmem>>[vector<16xi32>], vector<16xf32>,
      %exp3A_186 = math.exp %gather3A_185 : vector<16xf32>
      %add3A_187 = arith.addf %add3A_133, %exp3A_186 : vector<16xf32>
      %scan3A_188 = arith.constant 2 : i32
      %scan3A_189 = arith.addi %scan3A_78, %scan3A_188 : i32
      %mul3A_190 = arith.constant 4 : i32
      %mul3A_191 = arith.muli %mul3A_190, %scan3A_189 : i32
      %add3A_192 = arith.constant 0 : i32
      %add3A_193 = arith.addi %add3A_192, %mul3A_191 : i32
      %add3A_194 = arith.constant 0 : i32
      %add3A_195 = arith.addi %add3A_193, %add3A_194 : i32
      %mul3A_196 = arith.constant 16 : i32
      %mul3A_197 = arith.muli %add3A_195, %mul3A_196 : i32
      %get3A_198 = arith.index_cast %mul3A_197 : i32 to index
      %get3A_199 = tpu.vector_load %arg7[%get3A_198] {strides = array<i32>} : memref<7168xi32, #tpu.memory_space<vmem>>, vector<16xi32>,
      %gather3A_200 = tpu.vector_load_idx %arg6[%get3A_199] : memref<16384xf32, #tpu.memory_space<vmem>>[vector<16xi32>], vector<16xf32>,
      %exp3A_201 = math.exp %gather3A_200 : vector<16xf32>
      %add3A_202 = arith.addf %add3A_148, %exp3A_201 : vector<16xf32>
      %mul3A_203 = arith.constant 4 : i32
      %mul3A_204 = arith.muli %mul3A_203, %scan3A_189 : i32
      %add3A_205 = arith.constant 0 : i32
      %add3A_206 = arith.addi %add3A_205, %mul3A_204 : i32
      %add3A_207 = arith.constant 1 : i32
      %add3A_208 = arith.addi %add3A_206, %add3A_207 : i32
      %mul3A_209 = arith.constant 16 : i32
      %mul3A_210 = arith.muli %add3A_208, %mul3A_209 : i32
      %get3A_211 = arith.index_cast %mul3A_210 : i32 to index
      %get3A_212 = tpu.vector_load %arg7[%get3A_211] {strides = array<i32>} : memref<7168xi32, #tpu.memory_space<vmem>>, vector<16xi32>,
      %gather3A_213 = tpu.vector_load_idx %arg6[%get3A_212] : memref<16384xf32, #tpu.memory_space<vmem>>[vector<16xi32>], vector<16xf32>,
      %exp3A_214 = math.exp %gather3A_213 : vector<16xf32>
      %add3A_215 = arith.addf %add3A_161, %exp3A_214 : vector<16xf32>
      %mul3A_216 = arith.constant 4 : i32
      %mul3A_217 = arith.muli %mul3A_216, %scan3A_189 : i32
      %add3A_218 = arith.constant 0 : i32
      %add3A_219 = arith.addi %add3A_218, %mul3A_217 : i32
      %add3A_220 = arith.constant 2 : i32
      %add3A_221 = arith.addi %add3A_219, %add3A_220 : i32
      %mul3A_222 = arith.constant 16 : i32
      %mul3A_223 = arith.muli %add3A_221, %mul3A_222 : i32
      %get3A_224 = arith.index_cast %mul3A_223 : i32 to index
      %get3A_225 = tpu.vector_load %arg7[%get3A_224] {strides = array<i32>} : memref<7168xi32, #tpu.memory_space<vmem>>, vector<16xi32>,
      %gather3A_226 = tpu.vector_load_idx %arg6[%get3A_225] : memref<16384xf32, #tpu.memory_space<vmem>>[vector<16xi32>], vector<16xf32>,
      %exp3A_227 = math.exp %gather3A_226 : vector<16xf32>
      %add3A_228 = arith.addf %add3A_174, %exp3A_227 : vector<16xf32>
      %mul3A_229 = arith.constant 4 : i32
      %mul3A_230 = arith.muli %mul3A_229, %scan3A_189 : i32
      %add3A_231 = arith.constant 0 : i32
      %add3A_232 = arith.addi %add3A_231, %mul3A_230 : i32
      %add3A_233 = arith.constant 3 : i32
      %add3A_234 = arith.addi %add3A_232, %add3A_233 : i32
      %mul3A_235 = arith.constant 16 : i32
      %mul3A_236 = arith.muli %add3A_234, %mul3A_235 : i32
      %get3A_237 = arith.index_cast %mul3A_236 : i32 to index
      %get3A_238 = tpu.vector_load %arg7[%get3A_237] {strides = array<i32>} : memref<7168xi32, #tpu.memory_space<vmem>>, vector<16xi32>,
      %gather3A_239 = tpu.vector_load_idx %arg6[%get3A_238] : memref<16384xf32, #tpu.memory_space<vmem>>[vector<16xi32>], vector<16xf32>,
      %exp3A_240 = math.exp %gather3A_239 : vector<16xf32>
      %add3A_241 = arith.addf %add3A_187, %exp3A_240 : vector<16xf32>
      %scan3A_242 = arith.constant 3 : i32
      %scan3A_243 = arith.addi %scan3A_78, %scan3A_242 : i32
      %mul3A_244 = arith.constant 4 : i32
      %mul3A_245 = arith.muli %mul3A_244, %scan3A_243 : i32
      %add3A_246 = arith.constant 0 : i32
      %add3A_247 = arith.addi %add3A_246, %mul3A_245 : i32
      %add3A_248 = arith.constant 0 : i32
      %add3A_249 = arith.addi %add3A_247, %add3A_248 : i32
      %mul3A_250 = arith.constant 16 : i32
      %mul3A_251 = arith.muli %add3A_249, %mul3A_250 : i32
      %get3A_252 = arith.index_cast %mul3A_251 : i32 to index
      %get3A_253 = tpu.vector_load %arg7[%get3A_252] {strides = array<i32>} : memref<7168xi32, #tpu.memory_space<vmem>>, vector<16xi32>,
      %gather3A_254 = tpu.vector_load_idx %arg6[%get3A_253] : memref<16384xf32, #tpu.memory_space<vmem>>[vector<16xi32>], vector<16xf32>,
      %exp3A_255 = math.exp %gather3A_254 : vector<16xf32>
      %add3A_256 = arith.addf %add3A_202, %exp3A_255 : vector<16xf32>
      %mul3A_257 = arith.constant 4 : i32
      %mul3A_258 = arith.muli %mul3A_257, %scan3A_243 : i32
      %add3A_259 = arith.constant 0 : i32
      %add3A_260 = arith.addi %add3A_259, %mul3A_258 : i32
      %add3A_261 = arith.constant 1 : i32
      %add3A_262 = arith.addi %add3A_260, %add3A_261 : i32
      %mul3A_263 = arith.constant 16 : i32
      %mul3A_264 = arith.muli %add3A_262, %mul3A_263 : i32
      %get3A_265 = arith.index_cast %mul3A_264 : i32 to index
      %get3A_266 = tpu.vector_load %arg7[%get3A_265] {strides = array<i32>} : memref<7168xi32, #tpu.memory_space<vmem>>, vector<16xi32>,
      %gather3A_267 = tpu.vector_load_idx %arg6[%get3A_266] : memref<16384xf32, #tpu.memory_space<vmem>>[vector<16xi32>], vector<16xf32>,
      %exp3A_268 = math.exp %gather3A_267 : vector<16xf32>
      %add3A_269 = arith.addf %add3A_215, %exp3A_268 : vector<16xf32>
      %mul3A_270 = arith.constant 4 : i32
      %mul3A_271 = arith.muli %mul3A_270, %scan3A_243 : i32
      %add3A_272 = arith.constant 0 : i32
      %add3A_273 = arith.addi %add3A_272, %mul3A_271 : i32
      %add3A_274 = arith.constant 2 : i32
      %add3A_275 = arith.addi %add3A_273, %add3A_274 : i32
      %mul3A_276 = arith.constant 16 : i32
      %mul3A_277 = arith.muli %add3A_275, %mul3A_276 : i32
      %get3A_278 = arith.index_cast %mul3A_277 : i32 to index
      %get3A_279 = tpu.vector_load %arg7[%get3A_278] {strides = array<i32>} : memref<7168xi32, #tpu.memory_space<vmem>>, vector<16xi32>,
      %gather3A_280 = tpu.vector_load_idx %arg6[%get3A_279] : memref<16384xf32, #tpu.memory_space<vmem>>[vector<16xi32>], vector<16xf32>,
      %exp3A_281 = math.exp %gather3A_280 : vector<16xf32>
      %add3A_282 = arith.addf %add3A_228, %exp3A_281 : vector<16xf32>
      %mul3A_283 = arith.constant 4 : i32
      %mul3A_284 = arith.muli %mul3A_283, %scan3A_243 : i32
      %add3A_285 = arith.constant 0 : i32
      %add3A_286 = arith.addi %add3A_285, %mul3A_284 : i32
      %add3A_287 = arith.constant 3 : i32
      %add3A_288 = arith.addi %add3A_286, %add3A_287 : i32
      %mul3A_289 = arith.constant 16 : i32
      %mul3A_290 = arith.muli %add3A_288, %mul3A_289 : i32
      %get3A_291 = arith.index_cast %mul3A_290 : i32 to index
      %get3A_292 = tpu.vector_load %arg7[%get3A_291] {strides = array<i32>} : memref<7168xi32, #tpu.memory_space<vmem>>, vector<16xi32>,
      %gather3A_293 = tpu.vector_load_idx %arg6[%get3A_292] : memref<16384xf32, #tpu.memory_space<vmem>>[vector<16xi32>], vector<16xf32>,
      %exp3A_294 = math.exp %gather3A_293 : vector<16xf32>
      %add3A_295 = arith.addf %add3A_241, %exp3A_294 : vector<16xf32>
      %scan3A_296 = arith.constant 4 : i32
      %scan3A_297 = arith.addi %scan3A_78, %scan3A_296 : i32
      %mul3A_298 = arith.constant 4 : i32
      %mul3A_299 = arith.muli %mul3A_298, %scan3A_297 : i32
      %add3A_300 = arith.constant 0 : i32
      %add3A_301 = arith.addi %add3A_300, %mul3A_299 : i32
      %add3A_302 = arith.constant 0 : i32
      %add3A_303 = arith.addi %add3A_301, %add3A_302 : i32
      %mul3A_304 = arith.constant 16 : i32
      %mul3A_305 = arith.muli %add3A_303, %mul3A_304 : i32
      %get3A_306 = arith.index_cast %mul3A_305 : i32 to index
      %get3A_307 = tpu.vector_load %arg7[%get3A_306] {strides = array<i32>} : memref<7168xi32, #tpu.memory_space<vmem>>, vector<16xi32>,
      %gather3A_308 = tpu.vector_load_idx %arg6[%get3A_307] : memref<16384xf32, #tpu.memory_space<vmem>>[vector<16xi32>], vector<16xf32>,
      %exp3A_309 = math.exp %gather3A_308 : vector<16xf32>
      %add3A_310 = arith.addf %add3A_256, %exp3A_309 : vector<16xf32>
      %mul3A_311 = arith.constant 4 : i32
      %mul3A_312 = arith.muli %mul3A_311, %scan3A_297 : i32
      %add3A_313 = arith.constant 0 : i32
      %add3A_314 = arith.addi %add3A_313, %mul3A_312 : i32
      %add3A_315 = arith.constant 1 : i32
      %add3A_316 = arith.addi %add3A_314, %add3A_315 : i32
      %mul3A_317 = arith.constant 16 : i32
      %mul3A_318 = arith.muli %add3A_316, %mul3A_317 : i32
      %get3A_319 = arith.index_cast %mul3A_318 : i32 to index
      %get3A_320 = tpu.vector_load %arg7[%get3A_319] {strides = array<i32>} : memref<7168xi32, #tpu.memory_space<vmem>>, vector<16xi32>,
      %gather3A_321 = tpu.vector_load_idx %arg6[%get3A_320] : memref<16384xf32, #tpu.memory_space<vmem>>[vector<16xi32>], vector<16xf32>,
      %exp3A_322 = math.exp %gather3A_321 : vector<16xf32>
      %add3A_323 = arith.addf %add3A_269, %exp3A_322 : vector<16xf32>
      %mul3A_324 = arith.constant 4 : i32
      %mul3A_325 = arith.muli %mul3A_324, %scan3A_297 : i32
      %add3A_326 = arith.constant 0 : i32
      %add3A_327 = arith.addi %add3A_326, %mul3A_325 : i32
      %add3A_328 = arith.constant 2 : i32
      %add3A_329 = arith.addi %add3A_327, %add3A_328 : i32
      %mul3A_330 = arith.constant 16 : i32
      %mul3A_331 = arith.muli %add3A_329, %mul3A_330 : i32
      %get3A_332 = arith.index_cast %mul3A_331 : i32 to index
      %get3A_333 = tpu.vector_load %arg7[%get3A_332] {strides = array<i32>} : memref<7168xi32, #tpu.memory_space<vmem>>, vector<16xi32>,
      %gather3A_334 = tpu.vector_load_idx %arg6[%get3A_333] : memref<16384xf32, #tpu.memory_space<vmem>>[vector<16xi32>], vector<16xf32>,
      %exp3A_335 = math.exp %gather3A_334 : vector<16xf32>
      %add3A_336 = arith.addf %add3A_282, %exp3A_335 : vector<16xf32>
      %mul3A_337 = arith.constant 4 : i32
      %mul3A_338 = arith.muli %mul3A_337, %scan3A_297 : i32
      %add3A_339 = arith.constant 0 : i32
      %add3A_340 = arith.addi %add3A_339, %mul3A_338 : i32
      %add3A_341 = arith.constant 3 : i32
      %add3A_342 = arith.addi %add3A_340, %add3A_341 : i32
      %mul3A_343 = arith.constant 16 : i32
      %mul3A_344 = arith.muli %add3A_342, %mul3A_343 : i32
      %get3A_345 = arith.index_cast %mul3A_344 : i32 to index
      %get3A_346 = tpu.vector_load %arg7[%get3A_345] {strides = array<i32>} : memref<7168xi32, #tpu.memory_space<vmem>>, vector<16xi32>,
      %gather3A_347 = tpu.vector_load_idx %arg6[%get3A_346] : memref<16384xf32, #tpu.memory_space<vmem>>[vector<16xi32>], vector<16xf32>,
      %exp3A_348 = math.exp %gather3A_347 : vector<16xf32>
      %add3A_349 = arith.addf %add3A_295, %exp3A_348 : vector<16xf32>
      %scan3A_350 = arith.constant 5 : i32
      %scan3A_351 = arith.addi %scan3A_78, %scan3A_350 : i32
      %mul3A_352 = arith.constant 4 : i32
      %mul3A_353 = arith.muli %mul3A_352, %scan3A_351 : i32
      %add3A_354 = arith.constant 0 : i32
      %add3A_355 = arith.addi %add3A_354, %mul3A_353 : i32
      %add3A_356 = arith.constant 0 : i32
      %add3A_357 = arith.addi %add3A_355, %add3A_356 : i32
      %mul3A_358 = arith.constant 16 : i32
      %mul3A_359 = arith.muli %add3A_357, %mul3A_358 : i32
      %get3A_360 = arith.index_cast %mul3A_359 : i32 to index
      %get3A_361 = tpu.vector_load %arg7[%get3A_360] {strides = array<i32>} : memref<7168xi32, #tpu.memory_space<vmem>>, vector<16xi32>,
      %gather3A_362 = tpu.vector_load_idx %arg6[%get3A_361] : memref<16384xf32, #tpu.memory_space<vmem>>[vector<16xi32>], vector<16xf32>,
      %exp3A_363 = math.exp %gather3A_362 : vector<16xf32>
      %add3A_364 = arith.addf %add3A_310, %exp3A_363 : vector<16xf32>
      %mul3A_365 = arith.constant 4 : i32
      %mul3A_366 = arith.muli %mul3A_365, %scan3A_351 : i32
      %add3A_367 = arith.constant 0 : i32
      %add3A_368 = arith.addi %add3A_367, %mul3A_366 : i32
      %add3A_369 = arith.constant 1 : i32
      %add3A_370 = arith.addi %add3A_368, %add3A_369 : i32
      %mul3A_371 = arith.constant 16 : i32
      %mul3A_372 = arith.muli %add3A_370, %mul3A_371 : i32
      %get3A_373 = arith.index_cast %mul3A_372 : i32 to index
      %get3A_374 = tpu.vector_load %arg7[%get3A_373] {strides = array<i32>} : memref<7168xi32, #tpu.memory_space<vmem>>, vector<16xi32>,
      %gather3A_375 = tpu.vector_load_idx %arg6[%get3A_374] : memref<16384xf32, #tpu.memory_space<vmem>>[vector<16xi32>], vector<16xf32>,
      %exp3A_376 = math.exp %gather3A_375 : vector<16xf32>
      %add3A_377 = arith.addf %add3A_323, %exp3A_376 : vector<16xf32>
      %mul3A_378 = arith.constant 4 : i32
      %mul3A_379 = arith.muli %mul3A_378, %scan3A_351 : i32
      %add3A_380 = arith.constant 0 : i32
      %add3A_381 = arith.addi %add3A_380, %mul3A_379 : i32
      %add3A_382 = arith.constant 2 : i32
      %add3A_383 = arith.addi %add3A_381, %add3A_382 : i32
      %mul3A_384 = arith.constant 16 : i32
      %mul3A_385 = arith.muli %add3A_383, %mul3A_384 : i32
      %get3A_386 = arith.index_cast %mul3A_385 : i32 to index
      %get3A_387 = tpu.vector_load %arg7[%get3A_386] {strides = array<i32>} : memref<7168xi32, #tpu.memory_space<vmem>>, vector<16xi32>,
      %gather3A_388 = tpu.vector_load_idx %arg6[%get3A_387] : memref<16384xf32, #tpu.memory_space<vmem>>[vector<16xi32>], vector<16xf32>,
      %exp3A_389 = math.exp %gather3A_388 : vector<16xf32>
      %add3A_390 = arith.addf %add3A_336, %exp3A_389 : vector<16xf32>
      %mul3A_391 = arith.constant 4 : i32
      %mul3A_392 = arith.muli %mul3A_391, %scan3A_351 : i32
      %add3A_393 = arith.constant 0 : i32
      %add3A_394 = arith.addi %add3A_393, %mul3A_392 : i32
      %add3A_395 = arith.constant 3 : i32
      %add3A_396 = arith.addi %add3A_394, %add3A_395 : i32
      %mul3A_397 = arith.constant 16 : i32
      %mul3A_398 = arith.muli %add3A_396, %mul3A_397 : i32
      %get3A_399 = arith.index_cast %mul3A_398 : i32 to index
      %get3A_400 = tpu.vector_load %arg7[%get3A_399] {strides = array<i32>} : memref<7168xi32, #tpu.memory_space<vmem>>, vector<16xi32>,
      %gather3A_401 = tpu.vector_load_idx %arg6[%get3A_400] : memref<16384xf32, #tpu.memory_space<vmem>>[vector<16xi32>], vector<16xf32>,
      %exp3A_402 = math.exp %gather3A_401 : vector<16xf32>
      %add3A_403 = arith.addf %add3A_349, %exp3A_402 : vector<16xf32>
      %scan3A_404 = arith.constant 6 : i32
      %scan3A_405 = arith.addi %scan3A_78, %scan3A_404 : i32
      %mul3A_406 = arith.constant 4 : i32
      %mul3A_407 = arith.muli %mul3A_406, %scan3A_405 : i32
      %add3A_408 = arith.constant 0 : i32
      %add3A_409 = arith.addi %add3A_408, %mul3A_407 : i32
      %add3A_410 = arith.constant 0 : i32
      %add3A_411 = arith.addi %add3A_409, %add3A_410 : i32
      %mul3A_412 = arith.constant 16 : i32
      %mul3A_413 = arith.muli %add3A_411, %mul3A_412 : i32
      %get3A_414 = arith.index_cast %mul3A_413 : i32 to index
      %get3A_415 = tpu.vector_load %arg7[%get3A_414] {strides = array<i32>} : memref<7168xi32, #tpu.memory_space<vmem>>, vector<16xi32>,
      %gather3A_416 = tpu.vector_load_idx %arg6[%get3A_415] : memref<16384xf32, #tpu.memory_space<vmem>>[vector<16xi32>], vector<16xf32>,
      %exp3A_417 = math.exp %gather3A_416 : vector<16xf32>
      %add3A_418 = arith.addf %add3A_364, %exp3A_417 : vector<16xf32>
      %mul3A_419 = arith.constant 4 : i32
      %mul3A_420 = arith.muli %mul3A_419, %scan3A_405 : i32
      %add3A_421 = arith.constant 0 : i32
      %add3A_422 = arith.addi %add3A_421, %mul3A_420 : i32
      %add3A_423 = arith.constant 1 : i32
      %add3A_424 = arith.addi %add3A_422, %add3A_423 : i32
      %mul3A_425 = arith.constant 16 : i32
      %mul3A_426 = arith.muli %add3A_424, %mul3A_425 : i32
      %get3A_427 = arith.index_cast %mul3A_426 : i32 to index
      %get3A_428 = tpu.vector_load %arg7[%get3A_427] {strides = array<i32>} : memref<7168xi32, #tpu.memory_space<vmem>>, vector<16xi32>,
      %gather3A_429 = tpu.vector_load_idx %arg6[%get3A_428] : memref<16384xf32, #tpu.memory_space<vmem>>[vector<16xi32>], vector<16xf32>,
      %exp3A_430 = math.exp %gather3A_429 : vector<16xf32>
      %add3A_431 = arith.addf %add3A_377, %exp3A_430 : vector<16xf32>
      %mul3A_432 = arith.constant 4 : i32
      %mul3A_433 = arith.muli %mul3A_432, %scan3A_405 : i32
      %add3A_434 = arith.constant 0 : i32
      %add3A_435 = arith.addi %add3A_434, %mul3A_433 : i32
      %add3A_436 = arith.constant 2 : i32
      %add3A_437 = arith.addi %add3A_435, %add3A_436 : i32
      %mul3A_438 = arith.constant 16 : i32
      %mul3A_439 = arith.muli %add3A_437, %mul3A_438 : i32
      %get3A_440 = arith.index_cast %mul3A_439 : i32 to index
      %get3A_441 = tpu.vector_load %arg7[%get3A_440] {strides = array<i32>} : memref<7168xi32, #tpu.memory_space<vmem>>, vector<16xi32>,
      %gather3A_442 = tpu.vector_load_idx %arg6[%get3A_441] : memref<16384xf32, #tpu.memory_space<vmem>>[vector<16xi32>], vector<16xf32>,
      %exp3A_443 = math.exp %gather3A_442 : vector<16xf32>
      %add3A_444 = arith.addf %add3A_390, %exp3A_443 : vector<16xf32>
      %mul3A_445 = arith.constant 4 : i32
      %mul3A_446 = arith.muli %mul3A_445, %scan3A_405 : i32
      %add3A_447 = arith.constant 0 : i32
      %add3A_448 = arith.addi %add3A_447, %mul3A_446 : i32
      %add3A_449 = arith.constant 3 : i32
      %add3A_450 = arith.addi %add3A_448, %add3A_449 : i32
      %mul3A_451 = arith.constant 16 : i32
      %mul3A_452 = arith.muli %add3A_450, %mul3A_451 : i32
      %get3A_453 = arith.index_cast %mul3A_452 : i32 to index
      %get3A_454 = tpu.vector_load %arg7[%get3A_453] {strides = array<i32>} : memref<7168xi32, #tpu.memory_space<vmem>>, vector<16xi32>,
      %gather3A_455 = tpu.vector_load_idx %arg6[%get3A_454] : memref<16384xf32, #tpu.memory_space<vmem>>[vector<16xi32>], vector<16xf32>,
      %exp3A_456 = math.exp %gather3A_455 : vector<16xf32>
      %add3A_457 = arith.addf %add3A_403, %exp3A_456 : vector<16xf32>
      scf.yield %add3A_418, %add3A_431, %add3A_444, %add3A_457 : vector<16xf32>, vector<16xf32>, vector<16xf32>, vector<16xf32>
    }
    %scan3A_29 = arith.constant 28 : i32
    %add3A_30 = arith.addf %scan3A_28#0, %scan3A_28#1 : vector<16xf32>
    %add3A_31 = arith.addf %scan3A_28#2, %scan3A_28#3 : vector<16xf32>
    %add3A_32 = arith.addf %add3A_30, %add3A_31 : vector<16xf32>
    %swap3A = arith.constant 0 : index
    %swap3A_33 = tpu.vector_load %arg9[%swap3A] {strides = array<i32>} : memref<64xf32, #tpu.memory_space<vmem>>, vector<16xf32>,
    tpu.vector_store %arg9[%swap3A], %add3A_32 {strides = array<i32>} : memref<64xf32, #tpu.memory_space<vmem>>, vector<16xf32>,
    %get3A_34 = arith.constant 16 : index
    %get3A_35 = tpu.vector_load %arg8[%get3A_34] {strides = array<i32>} : memref<64xf32, #tpu.memory_space<vmem>>, vector<16xf32>,
    %exp3A_36 = math.exp %get3A_35 : vector<16xf32>
    %scan3A_37 = arith.constant 0 : i32
    %scan3A_38 = arith.constant 28 : i32
    %scan3A_39 = arith.addi %scan3A_37, %scan3A_38 : i32
    %scan3A_40 = arith.constant 7 : i32
    %scan3A_41:4 = scf.for %scan3A_78 = %scan3A_37 to %scan3A_39 step %scan3A_40 iter_args(%scan3A_79 = %exp3A_36, %scan3A_80 = %broadcast_in_dim3A_23, %scan3A_81 = %broadcast_in_dim3A_23, %scan3A_82 = %broadcast_in_dim3A_23) -> (vector<16xf32>, vector<16xf32>, vector<16xf32>, vector<16xf32>)  : i32 {
      %mul3A_83 = arith.constant 4 : i32
      %mul3A_84 = arith.muli %mul3A_83, %scan3A_78 : i32
      %add3A_85 = arith.constant 112 : i32
      %add3A_86 = arith.addi %add3A_85, %mul3A_84 : i32
      %add3A_87 = arith.constant 0 : i32
      %add3A_88 = arith.addi %add3A_86, %add3A_87 : i32
      %mul3A_89 = arith.constant 16 : i32
      %mul3A_90 = arith.muli %add3A_88, %mul3A_89 : i32
      %get3A_91 = arith.index_cast %mul3A_90 : i32 to index
      %get3A_92 = tpu.vector_load %arg7[%get3A_91] {strides = array<i32>} : memref<7168xi32, #tpu.memory_space<vmem>>, vector<16xi32>,
      %gather3A = tpu.vector_load_idx %arg6[%get3A_92] : memref<16384xf32, #tpu.memory_space<vmem>>[vector<16xi32>], vector<16xf32>,
      %exp3A_93 = math.exp %gather3A : vector<16xf32>
      %add3A_94 = arith.addf %scan3A_79, %exp3A_93 : vector<16xf32>
      %mul3A_95 = arith.constant 4 : i32
      %mul3A_96 = arith.muli %mul3A_95, %scan3A_78 : i32
      %add3A_97 = arith.constant 112 : i32
      %add3A_98 = arith.addi %add3A_97, %mul3A_96 : i32
      %add3A_99 = arith.constant 1 : i32
      %add3A_100 = arith.addi %add3A_98, %add3A_99 : i32
      %mul3A_101 = arith.constant 16 : i32
      %mul3A_102 = arith.muli %add3A_100, %mul3A_101 : i32
      %get3A_103 = arith.index_cast %mul3A_102 : i32 to index
      %get3A_104 = tpu.vector_load %arg7[%get3A_103] {strides = array<i32>} : memref<7168xi32, #tpu.memory_space<vmem>>, vector<16xi32>,
      %gather3A_105 = tpu.vector_load_idx %arg6[%get3A_104] : memref<16384xf32, #tpu.memory_space<vmem>>[vector<16xi32>], vector<16xf32>,
      %exp3A_106 = math.exp %gather3A_105 : vector<16xf32>
      %add3A_107 = arith.addf %scan3A_80, %exp3A_106 : vector<16xf32>
      %mul3A_108 = arith.constant 4 : i32
      %mul3A_109 = arith.muli %mul3A_108, %scan3A_78 : i32
      %add3A_110 = arith.constant 112 : i32
      %add3A_111 = arith.addi %add3A_110, %mul3A_109 : i32
      %add3A_112 = arith.constant 2 : i32
      %add3A_113 = arith.addi %add3A_111, %add3A_112 : i32
      %mul3A_114 = arith.constant 16 : i32
      %mul3A_115 = arith.muli %add3A_113, %mul3A_114 : i32
      %get3A_116 = arith.index_cast %mul3A_115 : i32 to index
      %get3A_117 = tpu.vector_load %arg7[%get3A_116] {strides = array<i32>} : memref<7168xi32, #tpu.memory_space<vmem>>, vector<16xi32>,
      %gather3A_118 = tpu.vector_load_idx %arg6[%get3A_117] : memref<16384xf32, #tpu.memory_space<vmem>>[vector<16xi32>], vector<16xf32>,
      %exp3A_119 = math.exp %gather3A_118 : vector<16xf32>
      %add3A_120 = arith.addf %scan3A_81, %exp3A_119 : vector<16xf32>
      %mul3A_121 = arith.constant 4 : i32
      %mul3A_122 = arith.muli %mul3A_121, %scan3A_78 : i32
      %add3A_123 = arith.constant 112 : i32
      %add3A_124 = arith.addi %add3A_123, %mul3A_122 : i32
      %add3A_125 = arith.constant 3 : i32
      %add3A_126 = arith.addi %add3A_124, %add3A_125 : i32
      %mul3A_127 = arith.constant 16 : i32
      %mul3A_128 = arith.muli %add3A_126, %mul3A_127 : i32
      %get3A_129 = arith.index_cast %mul3A_128 : i32 to index
      %get3A_130 = tpu.vector_load %arg7[%get3A_129] {strides = array<i32>} : memref<7168xi32, #tpu.memory_space<vmem>>, vector<16xi32>,
      %gather3A_131 = tpu.vector_load_idx %arg6[%get3A_130] : memref<16384xf32, #tpu.memory_space<vmem>>[vector<16xi32>], vector<16xf32>,
      %exp3A_132 = math.exp %gather3A_131 : vector<16xf32>
      %add3A_133 = arith.addf %scan3A_82, %exp3A_132 : vector<16xf32>
      %scan3A_134 = arith.constant 1 : i32
      %scan3A_135 = arith.addi %scan3A_78, %scan3A_134 : i32
      %mul3A_136 = arith.constant 4 : i32
      %mul3A_137 = arith.muli %mul3A_136, %scan3A_135 : i32
      %add3A_138 = arith.constant 112 : i32
      %add3A_139 = arith.addi %add3A_138, %mul3A_137 : i32
      %add3A_140 = arith.constant 0 : i32
      %add3A_141 = arith.addi %add3A_139, %add3A_140 : i32
      %mul3A_142 = arith.constant 16 : i32
      %mul3A_143 = arith.muli %add3A_141, %mul3A_142 : i32
      %get3A_144 = arith.index_cast %mul3A_143 : i32 to index
      %get3A_145 = tpu.vector_load %arg7[%get3A_144] {strides = array<i32>} : memref<7168xi32, #tpu.memory_space<vmem>>, vector<16xi32>,
      %gather3A_146 = tpu.vector_load_idx %arg6[%get3A_145] : memref<16384xf32, #tpu.memory_space<vmem>>[vector<16xi32>], vector<16xf32>,
      %exp3A_147 = math.exp %gather3A_146 : vector<16xf32>
      %add3A_148 = arith.addf %add3A_94, %exp3A_147 : vector<16xf32>
      %mul3A_149 = arith.constant 4 : i32
      %mul3A_150 = arith.muli %mul3A_149, %scan3A_135 : i32
      %add3A_151 = arith.constant 112 : i32
      %add3A_152 = arith.addi %add3A_151, %mul3A_150 : i32
      %add3A_153 = arith.constant 1 : i32
      %add3A_154 = arith.addi %add3A_152, %add3A_153 : i32
      %mul3A_155 = arith.constant 16 : i32
      %mul3A_156 = arith.muli %add3A_154, %mul3A_155 : i32
      %get3A_157 = arith.index_cast %mul3A_156 : i32 to index
      %get3A_158 = tpu.vector_load %arg7[%get3A_157] {strides = array<i32>} : memref<7168xi32, #tpu.memory_space<vmem>>, vector<16xi32>,
      %gather3A_159 = tpu.vector_load_idx %arg6[%get3A_158] : memref<16384xf32, #tpu.memory_space<vmem>>[vector<16xi32>], vector<16xf32>,
      %exp3A_160 = math.exp %gather3A_159 : vector<16xf32>
      %add3A_161 = arith.addf %add3A_107, %exp3A_160 : vector<16xf32>
      %mul3A_162 = arith.constant 4 : i32
      %mul3A_163 = arith.muli %mul3A_162, %scan3A_135 : i32
      %add3A_164 = arith.constant 112 : i32
      %add3A_165 = arith.addi %add3A_164, %mul3A_163 : i32
      %add3A_166 = arith.constant 2 : i32
      %add3A_167 = arith.addi %add3A_165, %add3A_166 : i32
      %mul3A_168 = arith.constant 16 : i32
      %mul3A_169 = arith.muli %add3A_167, %mul3A_168 : i32
      %get3A_170 = arith.index_cast %mul3A_169 : i32 to index
      %get3A_171 = tpu.vector_load %arg7[%get3A_170] {strides = array<i32>} : memref<7168xi32, #tpu.memory_space<vmem>>, vector<16xi32>,
      %gather3A_172 = tpu.vector_load_idx %arg6[%get3A_171] : memref<16384xf32, #tpu.memory_space<vmem>>[vector<16xi32>], vector<16xf32>,
      %exp3A_173 = math.exp %gather3A_172 : vector<16xf32>
      %add3A_174 = arith.addf %add3A_120, %exp3A_173 : vector<16xf32>
      %mul3A_175 = arith.constant 4 : i32
      %mul3A_176 = arith.muli %mul3A_175, %scan3A_135 : i32
      %add3A_177 = arith.constant 112 : i32
      %add3A_178 = arith.addi %add3A_177, %mul3A_176 : i32
      %add3A_179 = arith.constant 3 : i32
      %add3A_180 = arith.addi %add3A_178, %add3A_179 : i32
      %mul3A_181 = arith.constant 16 : i32
      %mul3A_182 = arith.muli %add3A_180, %mul3A_181 : i32
      %get3A_183 = arith.index_cast %mul3A_182 : i32 to index
      %get3A_184 = tpu.vector_load %arg7[%get3A_183] {strides = array<i32>} : memref<7168xi32, #tpu.memory_space<vmem>>, vector<16xi32>,
      %gather3A_185 = tpu.vector_load_idx %arg6[%get3A_184] : memref<16384xf32, #tpu.memory_space<vmem>>[vector<16xi32>], vector<16xf32>,
      %exp3A_186 = math.exp %gather3A_185 : vector<16xf32>
      %add3A_187 = arith.addf %add3A_133, %exp3A_186 : vector<16xf32>
      %scan3A_188 = arith.constant 2 : i32
      %scan3A_189 = arith.addi %scan3A_78, %scan3A_188 : i32
      %mul3A_190 = arith.constant 4 : i32
      %mul3A_191 = arith.muli %mul3A_190, %scan3A_189 : i32
      %add3A_192 = arith.constant 112 : i32
      %add3A_193 = arith.addi %add3A_192, %mul3A_191 : i32
      %add3A_194 = arith.constant 0 : i32
      %add3A_195 = arith.addi %add3A_193, %add3A_194 : i32
      %mul3A_196 = arith.constant 16 : i32
      %mul3A_197 = arith.muli %add3A_195, %mul3A_196 : i32
      %get3A_198 = arith.index_cast %mul3A_197 : i32 to index
      %get3A_199 = tpu.vector_load %arg7[%get3A_198] {strides = array<i32>} : memref<7168xi32, #tpu.memory_space<vmem>>, vector<16xi32>,
      %gather3A_200 = tpu.vector_load_idx %arg6[%get3A_199] : memref<16384xf32, #tpu.memory_space<vmem>>[vector<16xi32>], vector<16xf32>,
      %exp3A_201 = math.exp %gather3A_200 : vector<16xf32>
      %add3A_202 = arith.addf %add3A_148, %exp3A_201 : vector<16xf32>
      %mul3A_203 = arith.constant 4 : i32
      %mul3A_204 = arith.muli %mul3A_203, %scan3A_189 : i32
      %add3A_205 = arith.constant 112 : i32
      %add3A_206 = arith.addi %add3A_205, %mul3A_204 : i32
      %add3A_207 = arith.constant 1 : i32
      %add3A_208 = arith.addi %add3A_206, %add3A_207 : i32
      %mul3A_209 = arith.constant 16 : i32
      %mul3A_210 = arith.muli %add3A_208, %mul3A_209 : i32
      %get3A_211 = arith.index_cast %mul3A_210 : i32 to index
      %get3A_212 = tpu.vector_load %arg7[%get3A_211] {strides = array<i32>} : memref<7168xi32, #tpu.memory_space<vmem>>, vector<16xi32>,
      %gather3A_213 = tpu.vector_load_idx %arg6[%get3A_212] : memref<16384xf32, #tpu.memory_space<vmem>>[vector<16xi32>], vector<16xf32>,
      %exp3A_214 = math.exp %gather3A_213 : vector<16xf32>
      %add3A_215 = arith.addf %add3A_161, %exp3A_214 : vector<16xf32>
      %mul3A_216 = arith.constant 4 : i32
      %mul3A_217 = arith.muli %mul3A_216, %scan3A_189 : i32
      %add3A_218 = arith.constant 112 : i32
      %add3A_219 = arith.addi %add3A_218, %mul3A_217 : i32
      %add3A_220 = arith.constant 2 : i32
      %add3A_221 = arith.addi %add3A_219, %add3A_220 : i32
      %mul3A_222 = arith.constant 16 : i32
      %mul3A_223 = arith.muli %add3A_221, %mul3A_222 : i32
      %get3A_224 = arith.index_cast %mul3A_223 : i32 to index
      %get3A_225 = tpu.vector_load %arg7[%get3A_224] {strides = array<i32>} : memref<7168xi32, #tpu.memory_space<vmem>>, vector<16xi32>,
      %gather3A_226 = tpu.vector_load_idx %arg6[%get3A_225] : memref<16384xf32, #tpu.memory_space<vmem>>[vector<16xi32>], vector<16xf32>,
      %exp3A_227 = math.exp %gather3A_226 : vector<16xf32>
      %add3A_228 = arith.addf %add3A_174, %exp3A_227 : vector<16xf32>
      %mul3A_229 = arith.constant 4 : i32
      %mul3A_230 = arith.muli %mul3A_229, %scan3A_189 : i32
      %add3A_231 = arith.constant 112 : i32
      %add3A_232 = arith.addi %add3A_231, %mul3A_230 : i32
      %add3A_233 = arith.constant 3 : i32
      %add3A_234 = arith.addi %add3A_232, %add3A_233 : i32
      %mul3A_235 = arith.constant 16 : i32
      %mul3A_236 = arith.muli %add3A_234, %mul3A_235 : i32
      %get3A_237 = arith.index_cast %mul3A_236 : i32 to index
      %get3A_238 = tpu.vector_load %arg7[%get3A_237] {strides = array<i32>} : memref<7168xi32, #tpu.memory_space<vmem>>, vector<16xi32>,
      %gather3A_239 = tpu.vector_load_idx %arg6[%get3A_238] : memref<16384xf32, #tpu.memory_space<vmem>>[vector<16xi32>], vector<16xf32>,
      %exp3A_240 = math.exp %gather3A_239 : vector<16xf32>
      %add3A_241 = arith.addf %add3A_187, %exp3A_240 : vector<16xf32>
      %scan3A_242 = arith.constant 3 : i32
      %scan3A_243 = arith.addi %scan3A_78, %scan3A_242 : i32
      %mul3A_244 = arith.constant 4 : i32
      %mul3A_245 = arith.muli %mul3A_244, %scan3A_243 : i32
      %add3A_246 = arith.constant 112 : i32
      %add3A_247 = arith.addi %add3A_246, %mul3A_245 : i32
      %add3A_248 = arith.constant 0 : i32
      %add3A_249 = arith.addi %add3A_247, %add3A_248 : i32
      %mul3A_250 = arith.constant 16 : i32
      %mul3A_251 = arith.muli %add3A_249, %mul3A_250 : i32
      %get3A_252 = arith.index_cast %mul3A_251 : i32 to index
      %get3A_253 = tpu.vector_load %arg7[%get3A_252] {strides = array<i32>} : memref<7168xi32, #tpu.memory_space<vmem>>, vector<16xi32>,
      %gather3A_254 = tpu.vector_load_idx %arg6[%get3A_253] : memref<16384xf32, #tpu.memory_space<vmem>>[vector<16xi32>], vector<16xf32>,
      %exp3A_255 = math.exp %gather3A_254 : vector<16xf32>
      %add3A_256 = arith.addf %add3A_202, %exp3A_255 : vector<16xf32>
      %mul3A_257 = arith.constant 4 : i32
      %mul3A_258 = arith.muli %mul3A_257, %scan3A_243 : i32
      %add3A_259 = arith.constant 112 : i32
      %add3A_260 = arith.addi %add3A_259, %mul3A_258 : i32
      %add3A_261 = arith.constant 1 : i32
      %add3A_262 = arith.addi %add3A_260, %add3A_261 : i32
      %mul3A_263 = arith.constant 16 : i32
      %mul3A_264 = arith.muli %add3A_262, %mul3A_263 : i32
      %get3A_265 = arith.index_cast %mul3A_264 : i32 to index
      %get3A_266 = tpu.vector_load %arg7[%get3A_265] {strides = array<i32>} : memref<7168xi32, #tpu.memory_space<vmem>>, vector<16xi32>,
      %gather3A_267 = tpu.vector_load_idx %arg6[%get3A_266] : memref<16384xf32, #tpu.memory_space<vmem>>[vector<16xi32>], vector<16xf32>,
      %exp3A_268 = math.exp %gather3A_267 : vector<16xf32>
      %add3A_269 = arith.addf %add3A_215, %exp3A_268 : vector<16xf32>
      %mul3A_270 = arith.constant 4 : i32
      %mul3A_271 = arith.muli %mul3A_270, %scan3A_243 : i32
      %add3A_272 = arith.constant 112 : i32
      %add3A_273 = arith.addi %add3A_272, %mul3A_271 : i32
      %add3A_274 = arith.constant 2 : i32
      %add3A_275 = arith.addi %add3A_273, %add3A_274 : i32
      %mul3A_276 = arith.constant 16 : i32
      %mul3A_277 = arith.muli %add3A_275, %mul3A_276 : i32
      %get3A_278 = arith.index_cast %mul3A_277 : i32 to index
      %get3A_279 = tpu.vector_load %arg7[%get3A_278] {strides = array<i32>} : memref<7168xi32, #tpu.memory_space<vmem>>, vector<16xi32>,
      %gather3A_280 = tpu.vector_load_idx %arg6[%get3A_279] : memref<16384xf32, #tpu.memory_space<vmem>>[vector<16xi32>], vector<16xf32>,
      %exp3A_281 = math.exp %gather3A_280 : vector<16xf32>
      %add3A_282 = arith.addf %add3A_228, %exp3A_281 : vector<16xf32>
      %mul3A_283 = arith.constant 4 : i32
      %mul3A_284 = arith.muli %mul3A_283, %scan3A_243 : i32
      %add3A_285 = arith.constant 112 : i32
      %add3A_286 = arith.addi %add3A_285, %mul3A_284 : i32
      %add3A_287 = arith.constant 3 : i32
      %add3A_288 = arith.addi %add3A_286, %add3A_287 : i32
      %mul3A_289 = arith.constant 16 : i32
      %mul3A_290 = arith.muli %add3A_288, %mul3A_289 : i32
      %get3A_291 = arith.index_cast %mul3A_290 : i32 to index
      %get3A_292 = tpu.vector_load %arg7[%get3A_291] {strides = array<i32>} : memref<7168xi32, #tpu.memory_space<vmem>>, vector<16xi32>,
      %gather3A_293 = tpu.vector_load_idx %arg6[%get3A_292] : memref<16384xf32, #tpu.memory_space<vmem>>[vector<16xi32>], vector<16xf32>,
      %exp3A_294 = math.exp %gather3A_293 : vector<16xf32>
      %add3A_295 = arith.addf %add3A_241, %exp3A_294 : vector<16xf32>
      %scan3A_296 = arith.constant 4 : i32
      %scan3A_297 = arith.addi %scan3A_78, %scan3A_296 : i32
      %mul3A_298 = arith.constant 4 : i32
      %mul3A_299 = arith.muli %mul3A_298, %scan3A_297 : i32
      %add3A_300 = arith.constant 112 : i32
      %add3A_301 = arith.addi %add3A_300, %mul3A_299 : i32
      %add3A_302 = arith.constant 0 : i32
      %add3A_303 = arith.addi %add3A_301, %add3A_302 : i32
      %mul3A_304 = arith.constant 16 : i32
      %mul3A_305 = arith.muli %add3A_303, %mul3A_304 : i32
      %get3A_306 = arith.index_cast %mul3A_305 : i32 to index
      %get3A_307 = tpu.vector_load %arg7[%get3A_306] {strides = array<i32>} : memref<7168xi32, #tpu.memory_space<vmem>>, vector<16xi32>,
      %gather3A_308 = tpu.vector_load_idx %arg6[%get3A_307] : memref<16384xf32, #tpu.memory_space<vmem>>[vector<16xi32>], vector<16xf32>,
      %exp3A_309 = math.exp %gather3A_308 : vector<16xf32>
      %add3A_310 = arith.addf %add3A_256, %exp3A_309 : vector<16xf32>
      %mul3A_311 = arith.constant 4 : i32
      %mul3A_312 = arith.muli %mul3A_311, %scan3A_297 : i32
      %add3A_313 = arith.constant 112 : i32
      %add3A_314 = arith.addi %add3A_313, %mul3A_312 : i32
      %add3A_315 = arith.constant 1 : i32
      %add3A_316 = arith.addi %add3A_314, %add3A_315 : i32
      %mul3A_317 = arith.constant 16 : i32
      %mul3A_318 = arith.muli %add3A_316, %mul3A_317 : i32
      %get3A_319 = arith.index_cast %mul3A_318 : i32 to index
      %get3A_320 = tpu.vector_load %arg7[%get3A_319] {strides = array<i32>} : memref<7168xi32, #tpu.memory_space<vmem>>, vector<16xi32>,
      %gather3A_321 = tpu.vector_load_idx %arg6[%get3A_320] : memref<16384xf32, #tpu.memory_space<vmem>>[vector<16xi32>], vector<16xf32>,
      %exp3A_322 = math.exp %gather3A_321 : vector<16xf32>
      %add3A_323 = arith.addf %add3A_269, %exp3A_322 : vector<16xf32>
      %mul3A_324 = arith.constant 4 : i32
      %mul3A_325 = arith.muli %mul3A_324, %scan3A_297 : i32
      %add3A_326 = arith.constant 112 : i32
      %add3A_327 = arith.addi %add3A_326, %mul3A_325 : i32
      %add3A_328 = arith.constant 2 : i32
      %add3A_329 = arith.addi %add3A_327, %add3A_328 : i32
      %mul3A_330 = arith.constant 16 : i32
      %mul3A_331 = arith.muli %add3A_329, %mul3A_330 : i32
      %get3A_332 = arith.index_cast %mul3A_331 : i32 to index
      %get3A_333 = tpu.vector_load %arg7[%get3A_332] {strides = array<i32>} : memref<7168xi32, #tpu.memory_space<vmem>>, vector<16xi32>,
      %gather3A_334 = tpu.vector_load_idx %arg6[%get3A_333] : memref<16384xf32, #tpu.memory_space<vmem>>[vector<16xi32>], vector<16xf32>,
      %exp3A_335 = math.exp %gather3A_334 : vector<16xf32>
      %add3A_336 = arith.addf %add3A_282, %exp3A_335 : vector<16xf32>
      %mul3A_337 = arith.constant 4 : i32
      %mul3A_338 = arith.muli %mul3A_337, %scan3A_297 : i32
      %add3A_339 = arith.constant 112 : i32
      %add3A_340 = arith.addi %add3A_339, %mul3A_338 : i32
      %add3A_341 = arith.constant 3 : i32
      %add3A_342 = arith.addi %add3A_340, %add3A_341 : i32
      %mul3A_343 = arith.constant 16 : i32
      %mul3A_344 = arith.muli %add3A_342, %mul3A_343 : i32
      %get3A_345 = arith.index_cast %mul3A_344 : i32 to index
      %get3A_346 = tpu.vector_load %arg7[%get3A_345] {strides = array<i32>} : memref<7168xi32, #tpu.memory_space<vmem>>, vector<16xi32>,
      %gather3A_347 = tpu.vector_load_idx %arg6[%get3A_346] : memref<16384xf32, #tpu.memory_space<vmem>>[vector<16xi32>], vector<16xf32>,
      %exp3A_348 = math.exp %gather3A_347 : vector<16xf32>
      %add3A_349 = arith.addf %add3A_295, %exp3A_348 : vector<16xf32>
      %scan3A_350 = arith.constant 5 : i32
      %scan3A_351 = arith.addi %scan3A_78, %scan3A_350 : i32
      %mul3A_352 = arith.constant 4 : i32
      %mul3A_353 = arith.muli %mul3A_352, %scan3A_351 : i32
      %add3A_354 = arith.constant 112 : i32
      %add3A_355 = arith.addi %add3A_354, %mul3A_353 : i32
      %add3A_356 = arith.constant 0 : i32
      %add3A_357 = arith.addi %add3A_355, %add3A_356 : i32
      %mul3A_358 = arith.constant 16 : i32
      %mul3A_359 = arith.muli %add3A_357, %mul3A_358 : i32
      %get3A_360 = arith.index_cast %mul3A_359 : i32 to index
      %get3A_361 = tpu.vector_load %arg7[%get3A_360] {strides = array<i32>} : memref<7168xi32, #tpu.memory_space<vmem>>, vector<16xi32>,
      %gather3A_362 = tpu.vector_load_idx %arg6[%get3A_361] : memref<16384xf32, #tpu.memory_space<vmem>>[vector<16xi32>], vector<16xf32>,
      %exp3A_363 = math.exp %gather3A_362 : vector<16xf32>
      %add3A_364 = arith.addf %add3A_310, %exp3A_363 : vector<16xf32>
      %mul3A_365 = arith.constant 4 : i32
      %mul3A_366 = arith.muli %mul3A_365, %scan3A_351 : i32
      %add3A_367 = arith.constant 112 : i32
      %add3A_368 = arith.addi %add3A_367, %mul3A_366 : i32
      %add3A_369 = arith.constant 1 : i32
      %add3A_370 = arith.addi %add3A_368, %add3A_369 : i32
      %mul3A_371 = arith.constant 16 : i32
      %mul3A_372 = arith.muli %add3A_370, %mul3A_371 : i32
      %get3A_373 = arith.index_cast %mul3A_372 : i32 to index
      %get3A_374 = tpu.vector_load %arg7[%get3A_373] {strides = array<i32>} : memref<7168xi32, #tpu.memory_space<vmem>>, vector<16xi32>,
      %gather3A_375 = tpu.vector_load_idx %arg6[%get3A_374] : memref<16384xf32, #tpu.memory_space<vmem>>[vector<16xi32>], vector<16xf32>,
      %exp3A_376 = math.exp %gather3A_375 : vector<16xf32>
      %add3A_377 = arith.addf %add3A_323, %exp3A_376 : vector<16xf32>
      %mul3A_378 = arith.constant 4 : i32
      %mul3A_379 = arith.muli %mul3A_378, %scan3A_351 : i32
      %add3A_380 = arith.constant 112 : i32
      %add3A_381 = arith.addi %add3A_380, %mul3A_379 : i32
      %add3A_382 = arith.constant 2 : i32
      %add3A_383 = arith.addi %add3A_381, %add3A_382 : i32
      %mul3A_384 = arith.constant 16 : i32
      %mul3A_385 = arith.muli %add3A_383, %mul3A_384 : i32
      %get3A_386 = arith.index_cast %mul3A_385 : i32 to index
      %get3A_387 = tpu.vector_load %arg7[%get3A_386] {strides = array<i32>} : memref<7168xi32, #tpu.memory_space<vmem>>, vector<16xi32>,
      %gather3A_388 = tpu.vector_load_idx %arg6[%get3A_387] : memref<16384xf32, #tpu.memory_space<vmem>>[vector<16xi32>], vector<16xf32>,
      %exp3A_389 = math.exp %gather3A_388 : vector<16xf32>
      %add3A_390 = arith.addf %add3A_336, %exp3A_389 : vector<16xf32>
      %mul3A_391 = arith.constant 4 : i32
      %mul3A_392 = arith.muli %mul3A_391, %scan3A_351 : i32
      %add3A_393 = arith.constant 112 : i32
      %add3A_394 = arith.addi %add3A_393, %mul3A_392 : i32
      %add3A_395 = arith.constant 3 : i32
      %add3A_396 = arith.addi %add3A_394, %add3A_395 : i32
      %mul3A_397 = arith.constant 16 : i32
      %mul3A_398 = arith.muli %add3A_396, %mul3A_397 : i32
      %get3A_399 = arith.index_cast %mul3A_398 : i32 to index
      %get3A_400 = tpu.vector_load %arg7[%get3A_399] {strides = array<i32>} : memref<7168xi32, #tpu.memory_space<vmem>>, vector<16xi32>,
      %gather3A_401 = tpu.vector_load_idx %arg6[%get3A_400] : memref<16384xf32, #tpu.memory_space<vmem>>[vector<16xi32>], vector<16xf32>,
      %exp3A_402 = math.exp %gather3A_401 : vector<16xf32>
      %add3A_403 = arith.addf %add3A_349, %exp3A_402 : vector<16xf32>
      %scan3A_404 = arith.constant 6 : i32
      %scan3A_405 = arith.addi %scan3A_78, %scan3A_404 : i32
      %mul3A_406 = arith.constant 4 : i32
      %mul3A_407 = arith.muli %mul3A_406, %scan3A_405 : i32
      %add3A_408 = arith.constant 112 : i32
      %add3A_409 = arith.addi %add3A_408, %mul3A_407 : i32
      %add3A_410 = arith.constant 0 : i32
      %add3A_411 = arith.addi %add3A_409, %add3A_410 : i32
      %mul3A_412 = arith.constant 16 : i32
      %mul3A_413 = arith.muli %add3A_411, %mul3A_412 : i32
      %get3A_414 = arith.index_cast %mul3A_413 : i32 to index
      %get3A_415 = tpu.vector_load %arg7[%get3A_414] {strides = array<i32>} : memref<7168xi32, #tpu.memory_space<vmem>>, vector<16xi32>,
      %gather3A_416 = tpu.vector_load_idx %arg6[%get3A_415] : memref<16384xf32, #tpu.memory_space<vmem>>[vector<16xi32>], vector<16xf32>,
      %exp3A_417 = math.exp %gather3A_416 : vector<16xf32>
      %add3A_418 = arith.addf %add3A_364, %exp3A_417 : vector<16xf32>
      %mul3A_419 = arith.constant 4 : i32
      %mul3A_420 = arith.muli %mul3A_419, %scan3A_405 : i32
      %add3A_421 = arith.constant 112 : i32
      %add3A_422 = arith.addi %add3A_421, %mul3A_420 : i32
      %add3A_423 = arith.constant 1 : i32
      %add3A_424 = arith.addi %add3A_422, %add3A_423 : i32
      %mul3A_425 = arith.constant 16 : i32
      %mul3A_426 = arith.muli %add3A_424, %mul3A_425 : i32
      %get3A_427 = arith.index_cast %mul3A_426 : i32 to index
      %get3A_428 = tpu.vector_load %arg7[%get3A_427] {strides = array<i32>} : memref<7168xi32, #tpu.memory_space<vmem>>, vector<16xi32>,
      %gather3A_429 = tpu.vector_load_idx %arg6[%get3A_428] : memref<16384xf32, #tpu.memory_space<vmem>>[vector<16xi32>], vector<16xf32>,
      %exp3A_430 = math.exp %gather3A_429 : vector<16xf32>
      %add3A_431 = arith.addf %add3A_377, %exp3A_430 : vector<16xf32>
      %mul3A_432 = arith.constant 4 : i32
      %mul3A_433 = arith.muli %mul3A_432, %scan3A_405 : i32
      %add3A_434 = arith.constant 112 : i32
      %add3A_435 = arith.addi %add3A_434, %mul3A_433 : i32
      %add3A_436 = arith.constant 2 : i32
      %add3A_437 = arith.addi %add3A_435, %add3A_436 : i32
      %mul3A_438 = arith.constant 16 : i32
      %mul3A_439 = arith.muli %add3A_437, %mul3A_438 : i32
      %get3A_440 = arith.index_cast %mul3A_439 : i32 to index
      %get3A_441 = tpu.vector_load %arg7[%get3A_440] {strides = array<i32>} : memref<7168xi32, #tpu.memory_space<vmem>>, vector<16xi32>,
      %gather3A_442 = tpu.vector_load_idx %arg6[%get3A_441] : memref<16384xf32, #tpu.memory_space<vmem>>[vector<16xi32>], vector<16xf32>,
      %exp3A_443 = math.exp %gather3A_442 : vector<16xf32>
      %add3A_444 = arith.addf %add3A_390, %exp3A_443 : vector<16xf32>
      %mul3A_445 = arith.constant 4 : i32
      %mul3A_446 = arith.muli %mul3A_445, %scan3A_405 : i32
      %add3A_447 = arith.constant 112 : i32
      %add3A_448 = arith.addi %add3A_447, %mul3A_446 : i32
      %add3A_449 = arith.constant 3 : i32
      %add3A_450 = arith.addi %add3A_448, %add3A_449 : i32
      %mul3A_451 = arith.constant 16 : i32
      %mul3A_452 = arith.muli %add3A_450, %mul3A_451 : i32
      %get3A_453 = arith.index_cast %mul3A_452 : i32 to index
      %get3A_454 = tpu.vector_load %arg7[%get3A_453] {strides = array<i32>} : memref<7168xi32, #tpu.memory_space<vmem>>, vector<16xi32>,
      %gather3A_455 = tpu.vector_load_idx %arg6[%get3A_454] : memref<16384xf32, #tpu.memory_space<vmem>>[vector<16xi32>], vector<16xf32>,
      %exp3A_456 = math.exp %gather3A_455 : vector<16xf32>
      %add3A_457 = arith.addf %add3A_403, %exp3A_456 : vector<16xf32>
      scf.yield %add3A_418, %add3A_431, %add3A_444, %add3A_457 : vector<16xf32>, vector<16xf32>, vector<16xf32>, vector<16xf32>
    }
    %scan3A_42 = arith.constant 28 : i32
    %add3A_43 = arith.addf %scan3A_41#0, %scan3A_41#1 : vector<16xf32>
    %add3A_44 = arith.addf %scan3A_41#2, %scan3A_41#3 : vector<16xf32>
    %add3A_45 = arith.addf %add3A_43, %add3A_44 : vector<16xf32>
    %swap3A_46 = arith.constant 16 : index
    %swap3A_47 = tpu.vector_load %arg9[%swap3A_46] {strides = array<i32>} : memref<64xf32, #tpu.memory_space<vmem>>, vector<16xf32>,
    tpu.vector_store %arg9[%swap3A_46], %add3A_45 {strides = array<i32>} : memref<64xf32, #tpu.memory_space<vmem>>, vector<16xf32>,
    %get3A_48 = arith.constant 32 : index
    %get3A_49 = tpu.vector_load %arg8[%get3A_48] {strides = array<i32>} : memref<64xf32, #tpu.memory_space<vmem>>, vector<16xf32>,
    %exp3A_50 = math.exp %get3A_49 : vector<16xf32>
    %scan3A_51 = arith.constant 0 : i32
    %scan3A_52 = arith.constant 28 : i32
    %scan3A_53 = arith.addi %scan3A_51, %scan3A_52 : i32
    %scan3A_54 = arith.constant 7 : i32
    %scan3A_55:4 = scf.for %scan3A_78 = %scan3A_51 to %scan3A_53 step %scan3A_54 iter_args(%scan3A_79 = %exp3A_50, %scan3A_80 = %broadcast_in_dim3A_23, %scan3A_81 = %broadcast_in_dim3A_23, %scan3A_82 = %broadcast_in_dim3A_23) -> (vector<16xf32>, vector<16xf32>, vector<16xf32>, vector<16xf32>)  : i32 {
      %mul3A_83 = arith.constant 4 : i32
      %mul3A_84 = arith.muli %mul3A_83, %scan3A_78 : i32
      %add3A_85 = arith.constant 224 : i32
      %add3A_86 = arith.addi %add3A_85, %mul3A_84 : i32
      %add3A_87 = arith.constant 0 : i32
      %add3A_88 = arith.addi %add3A_86, %add3A_87 : i32
      %mul3A_89 = arith.constant 16 : i32
      %mul3A_90 = arith.muli %add3A_88, %mul3A_89 : i32
      %get3A_91 = arith.index_cast %mul3A_90 : i32 to index
      %get3A_92 = tpu.vector_load %arg7[%get3A_91] {strides = array<i32>} : memref<7168xi32, #tpu.memory_space<vmem>>, vector<16xi32>,
      %gather3A = tpu.vector_load_idx %arg6[%get3A_92] : memref<16384xf32, #tpu.memory_space<vmem>>[vector<16xi32>], vector<16xf32>,
      %exp3A_93 = math.exp %gather3A : vector<16xf32>
      %add3A_94 = arith.addf %scan3A_79, %exp3A_93 : vector<16xf32>
      %mul3A_95 = arith.constant 4 : i32
      %mul3A_96 = arith.muli %mul3A_95, %scan3A_78 : i32
      %add3A_97 = arith.constant 224 : i32
      %add3A_98 = arith.addi %add3A_97, %mul3A_96 : i32
      %add3A_99 = arith.constant 1 : i32
      %add3A_100 = arith.addi %add3A_98, %add3A_99 : i32
      %mul3A_101 = arith.constant 16 : i32
      %mul3A_102 = arith.muli %add3A_100, %mul3A_101 : i32
      %get3A_103 = arith.index_cast %mul3A_102 : i32 to index
      %get3A_104 = tpu.vector_load %arg7[%get3A_103] {strides = array<i32>} : memref<7168xi32, #tpu.memory_space<vmem>>, vector<16xi32>,
      %gather3A_105 = tpu.vector_load_idx %arg6[%get3A_104] : memref<16384xf32, #tpu.memory_space<vmem>>[vector<16xi32>], vector<16xf32>,
      %exp3A_106 = math.exp %gather3A_105 : vector<16xf32>
      %add3A_107 = arith.addf %scan3A_80, %exp3A_106 : vector<16xf32>
      %mul3A_108 = arith.constant 4 : i32
      %mul3A_109 = arith.muli %mul3A_108, %scan3A_78 : i32
      %add3A_110 = arith.constant 224 : i32
      %add3A_111 = arith.addi %add3A_110, %mul3A_109 : i32
      %add3A_112 = arith.constant 2 : i32
      %add3A_113 = arith.addi %add3A_111, %add3A_112 : i32
      %mul3A_114 = arith.constant 16 : i32
      %mul3A_115 = arith.muli %add3A_113, %mul3A_114 : i32
      %get3A_116 = arith.index_cast %mul3A_115 : i32 to index
      %get3A_117 = tpu.vector_load %arg7[%get3A_116] {strides = array<i32>} : memref<7168xi32, #tpu.memory_space<vmem>>, vector<16xi32>,
      %gather3A_118 = tpu.vector_load_idx %arg6[%get3A_117] : memref<16384xf32, #tpu.memory_space<vmem>>[vector<16xi32>], vector<16xf32>,
      %exp3A_119 = math.exp %gather3A_118 : vector<16xf32>
      %add3A_120 = arith.addf %scan3A_81, %exp3A_119 : vector<16xf32>
      %mul3A_121 = arith.constant 4 : i32
      %mul3A_122 = arith.muli %mul3A_121, %scan3A_78 : i32
      %add3A_123 = arith.constant 224 : i32
      %add3A_124 = arith.addi %add3A_123, %mul3A_122 : i32
      %add3A_125 = arith.constant 3 : i32
      %add3A_126 = arith.addi %add3A_124, %add3A_125 : i32
      %mul3A_127 = arith.constant 16 : i32
      %mul3A_128 = arith.muli %add3A_126, %mul3A_127 : i32
      %get3A_129 = arith.index_cast %mul3A_128 : i32 to index
      %get3A_130 = tpu.vector_load %arg7[%get3A_129] {strides = array<i32>} : memref<7168xi32, #tpu.memory_space<vmem>>, vector<16xi32>,
      %gather3A_131 = tpu.vector_load_idx %arg6[%get3A_130] : memref<16384xf32, #tpu.memory_space<vmem>>[vector<16xi32>], vector<16xf32>,
      %exp3A_132 = math.exp %gather3A_131 : vector<16xf32>
      %add3A_133 = arith.addf %scan3A_82, %exp3A_132 : vector<16xf32>
      %scan3A_134 = arith.constant 1 : i32
      %scan3A_135 = arith.addi %scan3A_78, %scan3A_134 : i32
      %mul3A_136 = arith.constant 4 : i32
      %mul3A_137 = arith.muli %mul3A_136, %scan3A_135 : i32
      %add3A_138 = arith.constant 224 : i32
      %add3A_139 = arith.addi %add3A_138, %mul3A_137 : i32
      %add3A_140 = arith.constant 0 : i32
      %add3A_141 = arith.addi %add3A_139, %add3A_140 : i32
      %mul3A_142 = arith.constant 16 : i32
      %mul3A_143 = arith.muli %add3A_141, %mul3A_142 : i32
      %get3A_144 = arith.index_cast %mul3A_143 : i32 to index
      %get3A_145 = tpu.vector_load %arg7[%get3A_144] {strides = array<i32>} : memref<7168xi32, #tpu.memory_space<vmem>>, vector<16xi32>,
      %gather3A_146 = tpu.vector_load_idx %arg6[%get3A_145] : memref<16384xf32, #tpu.memory_space<vmem>>[vector<16xi32>], vector<16xf32>,
      %exp3A_147 = math.exp %gather3A_146 : vector<16xf32>
      %add3A_148 = arith.addf %add3A_94, %exp3A_147 : vector<16xf32>
      %mul3A_149 = arith.constant 4 : i32
      %mul3A_150 = arith.muli %mul3A_149, %scan3A_135 : i32
      %add3A_151 = arith.constant 224 : i32
      %add3A_152 = arith.addi %add3A_151, %mul3A_150 : i32
      %add3A_153 = arith.constant 1 : i32
      %add3A_154 = arith.addi %add3A_152, %add3A_153 : i32
      %mul3A_155 = arith.constant 16 : i32
      %mul3A_156 = arith.muli %add3A_154, %mul3A_155 : i32
      %get3A_157 = arith.index_cast %mul3A_156 : i32 to index
      %get3A_158 = tpu.vector_load %arg7[%get3A_157] {strides = array<i32>} : memref<7168xi32, #tpu.memory_space<vmem>>, vector<16xi32>,
      %gather3A_159 = tpu.vector_load_idx %arg6[%get3A_158] : memref<16384xf32, #tpu.memory_space<vmem>>[vector<16xi32>], vector<16xf32>,
      %exp3A_160 = math.exp %gather3A_159 : vector<16xf32>
      %add3A_161 = arith.addf %add3A_107, %exp3A_160 : vector<16xf32>
      %mul3A_162 = arith.constant 4 : i32
      %mul3A_163 = arith.muli %mul3A_162, %scan3A_135 : i32
      %add3A_164 = arith.constant 224 : i32
      %add3A_165 = arith.addi %add3A_164, %mul3A_163 : i32
      %add3A_166 = arith.constant 2 : i32
      %add3A_167 = arith.addi %add3A_165, %add3A_166 : i32
      %mul3A_168 = arith.constant 16 : i32
      %mul3A_169 = arith.muli %add3A_167, %mul3A_168 : i32
      %get3A_170 = arith.index_cast %mul3A_169 : i32 to index
      %get3A_171 = tpu.vector_load %arg7[%get3A_170] {strides = array<i32>} : memref<7168xi32, #tpu.memory_space<vmem>>, vector<16xi32>,
      %gather3A_172 = tpu.vector_load_idx %arg6[%get3A_171] : memref<16384xf32, #tpu.memory_space<vmem>>[vector<16xi32>], vector<16xf32>,
      %exp3A_173 = math.exp %gather3A_172 : vector<16xf32>
      %add3A_174 = arith.addf %add3A_120, %exp3A_173 : vector<16xf32>
      %mul3A_175 = arith.constant 4 : i32
      %mul3A_176 = arith.muli %mul3A_175, %scan3A_135 : i32
      %add3A_177 = arith.constant 224 : i32
      %add3A_178 = arith.addi %add3A_177, %mul3A_176 : i32
      %add3A_179 = arith.constant 3 : i32
      %add3A_180 = arith.addi %add3A_178, %add3A_179 : i32
      %mul3A_181 = arith.constant 16 : i32
      %mul3A_182 = arith.muli %add3A_180, %mul3A_181 : i32
      %get3A_183 = arith.index_cast %mul3A_182 : i32 to index
      %get3A_184 = tpu.vector_load %arg7[%get3A_183] {strides = array<i32>} : memref<7168xi32, #tpu.memory_space<vmem>>, vector<16xi32>,
      %gather3A_185 = tpu.vector_load_idx %arg6[%get3A_184] : memref<16384xf32, #tpu.memory_space<vmem>>[vector<16xi32>], vector<16xf32>,
      %exp3A_186 = math.exp %gather3A_185 : vector<16xf32>
      %add3A_187 = arith.addf %add3A_133, %exp3A_186 : vector<16xf32>
      %scan3A_188 = arith.constant 2 : i32
      %scan3A_189 = arith.addi %scan3A_78, %scan3A_188 : i32
      %mul3A_190 = arith.constant 4 : i32
      %mul3A_191 = arith.muli %mul3A_190, %scan3A_189 : i32
      %add3A_192 = arith.constant 224 : i32
      %add3A_193 = arith.addi %add3A_192, %mul3A_191 : i32
      %add3A_194 = arith.constant 0 : i32
      %add3A_195 = arith.addi %add3A_193, %add3A_194 : i32
      %mul3A_196 = arith.constant 16 : i32
      %mul3A_197 = arith.muli %add3A_195, %mul3A_196 : i32
      %get3A_198 = arith.index_cast %mul3A_197 : i32 to index
      %get3A_199 = tpu.vector_load %arg7[%get3A_198] {strides = array<i32>} : memref<7168xi32, #tpu.memory_space<vmem>>, vector<16xi32>,
      %gather3A_200 = tpu.vector_load_idx %arg6[%get3A_199] : memref<16384xf32, #tpu.memory_space<vmem>>[vector<16xi32>], vector<16xf32>,
      %exp3A_201 = math.exp %gather3A_200 : vector<16xf32>
      %add3A_202 = arith.addf %add3A_148, %exp3A_201 : vector<16xf32>
      %mul3A_203 = arith.constant 4 : i32
      %mul3A_204 = arith.muli %mul3A_203, %scan3A_189 : i32
      %add3A_205 = arith.constant 224 : i32
      %add3A_206 = arith.addi %add3A_205, %mul3A_204 : i32
      %add3A_207 = arith.constant 1 : i32
      %add3A_208 = arith.addi %add3A_206, %add3A_207 : i32
      %mul3A_209 = arith.constant 16 : i32
      %mul3A_210 = arith.muli %add3A_208, %mul3A_209 : i32
      %get3A_211 = arith.index_cast %mul3A_210 : i32 to index
      %get3A_212 = tpu.vector_load %arg7[%get3A_211] {strides = array<i32>} : memref<7168xi32, #tpu.memory_space<vmem>>, vector<16xi32>,
      %gather3A_213 = tpu.vector_load_idx %arg6[%get3A_212] : memref<16384xf32, #tpu.memory_space<vmem>>[vector<16xi32>], vector<16xf32>,
      %exp3A_214 = math.exp %gather3A_213 : vector<16xf32>
      %add3A_215 = arith.addf %add3A_161, %exp3A_214 : vector<16xf32>
      %mul3A_216 = arith.constant 4 : i32
      %mul3A_217 = arith.muli %mul3A_216, %scan3A_189 : i32
      %add3A_218 = arith.constant 224 : i32
      %add3A_219 = arith.addi %add3A_218, %mul3A_217 : i32
      %add3A_220 = arith.constant 2 : i32
      %add3A_221 = arith.addi %add3A_219, %add3A_220 : i32
      %mul3A_222 = arith.constant 16 : i32
      %mul3A_223 = arith.muli %add3A_221, %mul3A_222 : i32
      %get3A_224 = arith.index_cast %mul3A_223 : i32 to index
      %get3A_225 = tpu.vector_load %arg7[%get3A_224] {strides = array<i32>} : memref<7168xi32, #tpu.memory_space<vmem>>, vector<16xi32>,
      %gather3A_226 = tpu.vector_load_idx %arg6[%get3A_225] : memref<16384xf32, #tpu.memory_space<vmem>>[vector<16xi32>], vector<16xf32>,
      %exp3A_227 = math.exp %gather3A_226 : vector<16xf32>
      %add3A_228 = arith.addf %add3A_174, %exp3A_227 : vector<16xf32>
      %mul3A_229 = arith.constant 4 : i32
      %mul3A_230 = arith.muli %mul3A_229, %scan3A_189 : i32
      %add3A_231 = arith.constant 224 : i32
      %add3A_232 = arith.addi %add3A_231, %mul3A_230 : i32
      %add3A_233 = arith.constant 3 : i32
      %add3A_234 = arith.addi %add3A_232, %add3A_233 : i32
      %mul3A_235 = arith.constant 16 : i32
      %mul3A_236 = arith.muli %add3A_234, %mul3A_235 : i32
      %get3A_237 = arith.index_cast %mul3A_236 : i32 to index
      %get3A_238 = tpu.vector_load %arg7[%get3A_237] {strides = array<i32>} : memref<7168xi32, #tpu.memory_space<vmem>>, vector<16xi32>,
      %gather3A_239 = tpu.vector_load_idx %arg6[%get3A_238] : memref<16384xf32, #tpu.memory_space<vmem>>[vector<16xi32>], vector<16xf32>,
      %exp3A_240 = math.exp %gather3A_239 : vector<16xf32>
      %add3A_241 = arith.addf %add3A_187, %exp3A_240 : vector<16xf32>
      %scan3A_242 = arith.constant 3 : i32
      %scan3A_243 = arith.addi %scan3A_78, %scan3A_242 : i32
      %mul3A_244 = arith.constant 4 : i32
      %mul3A_245 = arith.muli %mul3A_244, %scan3A_243 : i32
      %add3A_246 = arith.constant 224 : i32
      %add3A_247 = arith.addi %add3A_246, %mul3A_245 : i32
      %add3A_248 = arith.constant 0 : i32
      %add3A_249 = arith.addi %add3A_247, %add3A_248 : i32
      %mul3A_250 = arith.constant 16 : i32
      %mul3A_251 = arith.muli %add3A_249, %mul3A_250 : i32
      %get3A_252 = arith.index_cast %mul3A_251 : i32 to index
      %get3A_253 = tpu.vector_load %arg7[%get3A_252] {strides = array<i32>} : memref<7168xi32, #tpu.memory_space<vmem>>, vector<16xi32>,
      %gather3A_254 = tpu.vector_load_idx %arg6[%get3A_253] : memref<16384xf32, #tpu.memory_space<vmem>>[vector<16xi32>], vector<16xf32>,
      %exp3A_255 = math.exp %gather3A_254 : vector<16xf32>
      %add3A_256 = arith.addf %add3A_202, %exp3A_255 : vector<16xf32>
      %mul3A_257 = arith.constant 4 : i32
      %mul3A_258 = arith.muli %mul3A_257, %scan3A_243 : i32
      %add3A_259 = arith.constant 224 : i32
      %add3A_260 = arith.addi %add3A_259, %mul3A_258 : i32
      %add3A_261 = arith.constant 1 : i32
      %add3A_262 = arith.addi %add3A_260, %add3A_261 : i32
      %mul3A_263 = arith.constant 16 : i32
      %mul3A_264 = arith.muli %add3A_262, %mul3A_263 : i32
      %get3A_265 = arith.index_cast %mul3A_264 : i32 to index
      %get3A_266 = tpu.vector_load %arg7[%get3A_265] {strides = array<i32>} : memref<7168xi32, #tpu.memory_space<vmem>>, vector<16xi32>,
      %gather3A_267 = tpu.vector_load_idx %arg6[%get3A_266] : memref<16384xf32, #tpu.memory_space<vmem>>[vector<16xi32>], vector<16xf32>,
      %exp3A_268 = math.exp %gather3A_267 : vector<16xf32>
      %add3A_269 = arith.addf %add3A_215, %exp3A_268 : vector<16xf32>
      %mul3A_270 = arith.constant 4 : i32
      %mul3A_271 = arith.muli %mul3A_270, %scan3A_243 : i32
      %add3A_272 = arith.constant 224 : i32
      %add3A_273 = arith.addi %add3A_272, %mul3A_271 : i32
      %add3A_274 = arith.constant 2 : i32
      %add3A_275 = arith.addi %add3A_273, %add3A_274 : i32
      %mul3A_276 = arith.constant 16 : i32
      %mul3A_277 = arith.muli %add3A_275, %mul3A_276 : i32
      %get3A_278 = arith.index_cast %mul3A_277 : i32 to index
      %get3A_279 = tpu.vector_load %arg7[%get3A_278] {strides = array<i32>} : memref<7168xi32, #tpu.memory_space<vmem>>, vector<16xi32>,
      %gather3A_280 = tpu.vector_load_idx %arg6[%get3A_279] : memref<16384xf32, #tpu.memory_space<vmem>>[vector<16xi32>], vector<16xf32>,
      %exp3A_281 = math.exp %gather3A_280 : vector<16xf32>
      %add3A_282 = arith.addf %add3A_228, %exp3A_281 : vector<16xf32>
      %mul3A_283 = arith.constant 4 : i32
      %mul3A_284 = arith.muli %mul3A_283, %scan3A_243 : i32
      %add3A_285 = arith.constant 224 : i32
      %add3A_286 = arith.addi %add3A_285, %mul3A_284 : i32
      %add3A_287 = arith.constant 3 : i32
      %add3A_288 = arith.addi %add3A_286, %add3A_287 : i32
      %mul3A_289 = arith.constant 16 : i32
      %mul3A_290 = arith.muli %add3A_288, %mul3A_289 : i32
      %get3A_291 = arith.index_cast %mul3A_290 : i32 to index
      %get3A_292 = tpu.vector_load %arg7[%get3A_291] {strides = array<i32>} : memref<7168xi32, #tpu.memory_space<vmem>>, vector<16xi32>,
      %gather3A_293 = tpu.vector_load_idx %arg6[%get3A_292] : memref<16384xf32, #tpu.memory_space<vmem>>[vector<16xi32>], vector<16xf32>,
      %exp3A_294 = math.exp %gather3A_293 : vector<16xf32>
      %add3A_295 = arith.addf %add3A_241, %exp3A_294 : vector<16xf32>
      %scan3A_296 = arith.constant 4 : i32
      %scan3A_297 = arith.addi %scan3A_78, %scan3A_296 : i32
      %mul3A_298 = arith.constant 4 : i32
      %mul3A_299 = arith.muli %mul3A_298, %scan3A_297 : i32
      %add3A_300 = arith.constant 224 : i32
      %add3A_301 = arith.addi %add3A_300, %mul3A_299 : i32
      %add3A_302 = arith.constant 0 : i32
      %add3A_303 = arith.addi %add3A_301, %add3A_302 : i32
      %mul3A_304 = arith.constant 16 : i32
      %mul3A_305 = arith.muli %add3A_303, %mul3A_304 : i32
      %get3A_306 = arith.index_cast %mul3A_305 : i32 to index
      %get3A_307 = tpu.vector_load %arg7[%get3A_306] {strides = array<i32>} : memref<7168xi32, #tpu.memory_space<vmem>>, vector<16xi32>,
      %gather3A_308 = tpu.vector_load_idx %arg6[%get3A_307] : memref<16384xf32, #tpu.memory_space<vmem>>[vector<16xi32>], vector<16xf32>,
      %exp3A_309 = math.exp %gather3A_308 : vector<16xf32>
      %add3A_310 = arith.addf %add3A_256, %exp3A_309 : vector<16xf32>
      %mul3A_311 = arith.constant 4 : i32
      %mul3A_312 = arith.muli %mul3A_311, %scan3A_297 : i32
      %add3A_313 = arith.constant 224 : i32
      %add3A_314 = arith.addi %add3A_313, %mul3A_312 : i32
      %add3A_315 = arith.constant 1 : i32
      %add3A_316 = arith.addi %add3A_314, %add3A_315 : i32
      %mul3A_317 = arith.constant 16 : i32
      %mul3A_318 = arith.muli %add3A_316, %mul3A_317 : i32
      %get3A_319 = arith.index_cast %mul3A_318 : i32 to index
      %get3A_320 = tpu.vector_load %arg7[%get3A_319] {strides = array<i32>} : memref<7168xi32, #tpu.memory_space<vmem>>, vector<16xi32>,
      %gather3A_321 = tpu.vector_load_idx %arg6[%get3A_320] : memref<16384xf32, #tpu.memory_space<vmem>>[vector<16xi32>], vector<16xf32>,
      %exp3A_322 = math.exp %gather3A_321 : vector<16xf32>
      %add3A_323 = arith.addf %add3A_269, %exp3A_322 : vector<16xf32>
      %mul3A_324 = arith.constant 4 : i32
      %mul3A_325 = arith.muli %mul3A_324, %scan3A_297 : i32
      %add3A_326 = arith.constant 224 : i32
      %add3A_327 = arith.addi %add3A_326, %mul3A_325 : i32
      %add3A_328 = arith.constant 2 : i32
      %add3A_329 = arith.addi %add3A_327, %add3A_328 : i32
      %mul3A_330 = arith.constant 16 : i32
      %mul3A_331 = arith.muli %add3A_329, %mul3A_330 : i32
      %get3A_332 = arith.index_cast %mul3A_331 : i32 to index
      %get3A_333 = tpu.vector_load %arg7[%get3A_332] {strides = array<i32>} : memref<7168xi32, #tpu.memory_space<vmem>>, vector<16xi32>,
      %gather3A_334 = tpu.vector_load_idx %arg6[%get3A_333] : memref<16384xf32, #tpu.memory_space<vmem>>[vector<16xi32>], vector<16xf32>,
      %exp3A_335 = math.exp %gather3A_334 : vector<16xf32>
      %add3A_336 = arith.addf %add3A_282, %exp3A_335 : vector<16xf32>
      %mul3A_337 = arith.constant 4 : i32
      %mul3A_338 = arith.muli %mul3A_337, %scan3A_297 : i32
      %add3A_339 = arith.constant 224 : i32
      %add3A_340 = arith.addi %add3A_339, %mul3A_338 : i32
      %add3A_341 = arith.constant 3 : i32
      %add3A_342 = arith.addi %add3A_340, %add3A_341 : i32
      %mul3A_343 = arith.constant 16 : i32
      %mul3A_344 = arith.muli %add3A_342, %mul3A_343 : i32
      %get3A_345 = arith.index_cast %mul3A_344 : i32 to index
      %get3A_346 = tpu.vector_load %arg7[%get3A_345] {strides = array<i32>} : memref<7168xi32, #tpu.memory_space<vmem>>, vector<16xi32>,
      %gather3A_347 = tpu.vector_load_idx %arg6[%get3A_346] : memref<16384xf32, #tpu.memory_space<vmem>>[vector<16xi32>], vector<16xf32>,
      %exp3A_348 = math.exp %gather3A_347 : vector<16xf32>
      %add3A_349 = arith.addf %add3A_295, %exp3A_348 : vector<16xf32>
      %scan3A_350 = arith.constant 5 : i32
      %scan3A_351 = arith.addi %scan3A_78, %scan3A_350 : i32
      %mul3A_352 = arith.constant 4 : i32
      %mul3A_353 = arith.muli %mul3A_352, %scan3A_351 : i32
      %add3A_354 = arith.constant 224 : i32
      %add3A_355 = arith.addi %add3A_354, %mul3A_353 : i32
      %add3A_356 = arith.constant 0 : i32
      %add3A_357 = arith.addi %add3A_355, %add3A_356 : i32
      %mul3A_358 = arith.constant 16 : i32
      %mul3A_359 = arith.muli %add3A_357, %mul3A_358 : i32
      %get3A_360 = arith.index_cast %mul3A_359 : i32 to index
      %get3A_361 = tpu.vector_load %arg7[%get3A_360] {strides = array<i32>} : memref<7168xi32, #tpu.memory_space<vmem>>, vector<16xi32>,
      %gather3A_362 = tpu.vector_load_idx %arg6[%get3A_361] : memref<16384xf32, #tpu.memory_space<vmem>>[vector<16xi32>], vector<16xf32>,
      %exp3A_363 = math.exp %gather3A_362 : vector<16xf32>
      %add3A_364 = arith.addf %add3A_310, %exp3A_363 : vector<16xf32>
      %mul3A_365 = arith.constant 4 : i32
      %mul3A_366 = arith.muli %mul3A_365, %scan3A_351 : i32
      %add3A_367 = arith.constant 224 : i32
      %add3A_368 = arith.addi %add3A_367, %mul3A_366 : i32
      %add3A_369 = arith.constant 1 : i32
      %add3A_370 = arith.addi %add3A_368, %add3A_369 : i32
      %mul3A_371 = arith.constant 16 : i32
      %mul3A_372 = arith.muli %add3A_370, %mul3A_371 : i32
      %get3A_373 = arith.index_cast %mul3A_372 : i32 to index
      %get3A_374 = tpu.vector_load %arg7[%get3A_373] {strides = array<i32>} : memref<7168xi32, #tpu.memory_space<vmem>>, vector<16xi32>,
      %gather3A_375 = tpu.vector_load_idx %arg6[%get3A_374] : memref<16384xf32, #tpu.memory_space<vmem>>[vector<16xi32>], vector<16xf32>,
      %exp3A_376 = math.exp %gather3A_375 : vector<16xf32>
      %add3A_377 = arith.addf %add3A_323, %exp3A_376 : vector<16xf32>
      %mul3A_378 = arith.constant 4 : i32
      %mul3A_379 = arith.muli %mul3A_378, %scan3A_351 : i32
      %add3A_380 = arith.constant 224 : i32
      %add3A_381 = arith.addi %add3A_380, %mul3A_379 : i32
      %add3A_382 = arith.constant 2 : i32
      %add3A_383 = arith.addi %add3A_381, %add3A_382 : i32
      %mul3A_384 = arith.constant 16 : i32
      %mul3A_385 = arith.muli %add3A_383, %mul3A_384 : i32
      %get3A_386 = arith.index_cast %mul3A_385 : i32 to index
      %get3A_387 = tpu.vector_load %arg7[%get3A_386] {strides = array<i32>} : memref<7168xi32, #tpu.memory_space<vmem>>, vector<16xi32>,
      %gather3A_388 = tpu.vector_load_idx %arg6[%get3A_387] : memref<16384xf32, #tpu.memory_space<vmem>>[vector<16xi32>], vector<16xf32>,
      %exp3A_389 = math.exp %gather3A_388 : vector<16xf32>
      %add3A_390 = arith.addf %add3A_336, %exp3A_389 : vector<16xf32>
      %mul3A_391 = arith.constant 4 : i32
      %mul3A_392 = arith.muli %mul3A_391, %scan3A_351 : i32
      %add3A_393 = arith.constant 224 : i32
      %add3A_394 = arith.addi %add3A_393, %mul3A_392 : i32
      %add3A_395 = arith.constant 3 : i32
      %add3A_396 = arith.addi %add3A_394, %add3A_395 : i32
      %mul3A_397 = arith.constant 16 : i32
      %mul3A_398 = arith.muli %add3A_396, %mul3A_397 : i32
      %get3A_399 = arith.index_cast %mul3A_398 : i32 to index
      %get3A_400 = tpu.vector_load %arg7[%get3A_399] {strides = array<i32>} : memref<7168xi32, #tpu.memory_space<vmem>>, vector<16xi32>,
      %gather3A_401 = tpu.vector_load_idx %arg6[%get3A_400] : memref<16384xf32, #tpu.memory_space<vmem>>[vector<16xi32>], vector<16xf32>,
      %exp3A_402 = math.exp %gather3A_401 : vector<16xf32>
      %add3A_403 = arith.addf %add3A_349, %exp3A_402 : vector<16xf32>
      %scan3A_404 = arith.constant 6 : i32
      %scan3A_405 = arith.addi %scan3A_78, %scan3A_404 : i32
      %mul3A_406 = arith.constant 4 : i32
      %mul3A_407 = arith.muli %mul3A_406, %scan3A_405 : i32
      %add3A_408 = arith.constant 224 : i32
      %add3A_409 = arith.addi %add3A_408, %mul3A_407 : i32
      %add3A_410 = arith.constant 0 : i32
      %add3A_411 = arith.addi %add3A_409, %add3A_410 : i32
      %mul3A_412 = arith.constant 16 : i32
      %mul3A_413 = arith.muli %add3A_411, %mul3A_412 : i32
      %get3A_414 = arith.index_cast %mul3A_413 : i32 to index
      %get3A_415 = tpu.vector_load %arg7[%get3A_414] {strides = array<i32>} : memref<7168xi32, #tpu.memory_space<vmem>>, vector<16xi32>,
      %gather3A_416 = tpu.vector_load_idx %arg6[%get3A_415] : memref<16384xf32, #tpu.memory_space<vmem>>[vector<16xi32>], vector<16xf32>,
      %exp3A_417 = math.exp %gather3A_416 : vector<16xf32>
      %add3A_418 = arith.addf %add3A_364, %exp3A_417 : vector<16xf32>
      %mul3A_419 = arith.constant 4 : i32
      %mul3A_420 = arith.muli %mul3A_419, %scan3A_405 : i32
      %add3A_421 = arith.constant 224 : i32
      %add3A_422 = arith.addi %add3A_421, %mul3A_420 : i32
      %add3A_423 = arith.constant 1 : i32
      %add3A_424 = arith.addi %add3A_422, %add3A_423 : i32
      %mul3A_425 = arith.constant 16 : i32
      %mul3A_426 = arith.muli %add3A_424, %mul3A_425 : i32
      %get3A_427 = arith.index_cast %mul3A_426 : i32 to index
      %get3A_428 = tpu.vector_load %arg7[%get3A_427] {strides = array<i32>} : memref<7168xi32, #tpu.memory_space<vmem>>, vector<16xi32>,
      %gather3A_429 = tpu.vector_load_idx %arg6[%get3A_428] : memref<16384xf32, #tpu.memory_space<vmem>>[vector<16xi32>], vector<16xf32>,
      %exp3A_430 = math.exp %gather3A_429 : vector<16xf32>
      %add3A_431 = arith.addf %add3A_377, %exp3A_430 : vector<16xf32>
      %mul3A_432 = arith.constant 4 : i32
      %mul3A_433 = arith.muli %mul3A_432, %scan3A_405 : i32
      %add3A_434 = arith.constant 224 : i32
      %add3A_435 = arith.addi %add3A_434, %mul3A_433 : i32
      %add3A_436 = arith.constant 2 : i32
      %add3A_437 = arith.addi %add3A_435, %add3A_436 : i32
      %mul3A_438 = arith.constant 16 : i32
      %mul3A_439 = arith.muli %add3A_437, %mul3A_438 : i32
      %get3A_440 = arith.index_cast %mul3A_439 : i32 to index
      %get3A_441 = tpu.vector_load %arg7[%get3A_440] {strides = array<i32>} : memref<7168xi32, #tpu.memory_space<vmem>>, vector<16xi32>,
      %gather3A_442 = tpu.vector_load_idx %arg6[%get3A_441] : memref<16384xf32, #tpu.memory_space<vmem>>[vector<16xi32>], vector<16xf32>,
      %exp3A_443 = math.exp %gather3A_442 : vector<16xf32>
      %add3A_444 = arith.addf %add3A_390, %exp3A_443 : vector<16xf32>
      %mul3A_445 = arith.constant 4 : i32
      %mul3A_446 = arith.muli %mul3A_445, %scan3A_405 : i32
      %add3A_447 = arith.constant 224 : i32
      %add3A_448 = arith.addi %add3A_447, %mul3A_446 : i32
      %add3A_449 = arith.constant 3 : i32
      %add3A_450 = arith.addi %add3A_448, %add3A_449 : i32
      %mul3A_451 = arith.constant 16 : i32
      %mul3A_452 = arith.muli %add3A_450, %mul3A_451 : i32
      %get3A_453 = arith.index_cast %mul3A_452 : i32 to index
      %get3A_454 = tpu.vector_load %arg7[%get3A_453] {strides = array<i32>} : memref<7168xi32, #tpu.memory_space<vmem>>, vector<16xi32>,
      %gather3A_455 = tpu.vector_load_idx %arg6[%get3A_454] : memref<16384xf32, #tpu.memory_space<vmem>>[vector<16xi32>], vector<16xf32>,
      %exp3A_456 = math.exp %gather3A_455 : vector<16xf32>
      %add3A_457 = arith.addf %add3A_403, %exp3A_456 : vector<16xf32>
      scf.yield %add3A_418, %add3A_431, %add3A_444, %add3A_457 : vector<16xf32>, vector<16xf32>, vector<16xf32>, vector<16xf32>
    }
    %scan3A_56 = arith.constant 28 : i32
    %add3A_57 = arith.addf %scan3A_55#0, %scan3A_55#1 : vector<16xf32>
    %add3A_58 = arith.addf %scan3A_55#2, %scan3A_55#3 : vector<16xf32>
    %add3A_59 = arith.addf %add3A_57, %add3A_58 : vector<16xf32>
    %swap3A_60 = arith.constant 32 : index
    %swap3A_61 = tpu.vector_load %arg9[%swap3A_60] {strides = array<i32>} : memref<64xf32, #tpu.memory_space<vmem>>, vector<16xf32>,
    tpu.vector_store %arg9[%swap3A_60], %add3A_59 {strides = array<i32>} : memref<64xf32, #tpu.memory_space<vmem>>, vector<16xf32>,
    %get3A_62 = arith.constant 48 : index
    %get3A_63 = tpu.vector_load %arg8[%get3A_62] {strides = array<i32>} : memref<64xf32, #tpu.memory_space<vmem>>, vector<16xf32>,
    %exp3A_64 = math.exp %get3A_63 : vector<16xf32>
    %scan3A_65 = arith.constant 0 : i32
    %scan3A_66 = arith.constant 28 : i32
    %scan3A_67 = arith.addi %scan3A_65, %scan3A_66 : i32
    %scan3A_68 = arith.constant 7 : i32
    %scan3A_69:4 = scf.for %scan3A_78 = %scan3A_65 to %scan3A_67 step %scan3A_68 iter_args(%scan3A_79 = %exp3A_64, %scan3A_80 = %broadcast_in_dim3A_23, %scan3A_81 = %broadcast_in_dim3A_23, %scan3A_82 = %broadcast_in_dim3A_23) -> (vector<16xf32>, vector<16xf32>, vector<16xf32>, vector<16xf32>)  : i32 {
      %mul3A_83 = arith.constant 4 : i32
      %mul3A_84 = arith.muli %mul3A_83, %scan3A_78 : i32
      %add3A_85 = arith.constant 336 : i32
      %add3A_86 = arith.addi %add3A_85, %mul3A_84 : i32
      %add3A_87 = arith.constant 0 : i32
      %add3A_88 = arith.addi %add3A_86, %add3A_87 : i32
      %mul3A_89 = arith.constant 16 : i32
      %mul3A_90 = arith.muli %add3A_88, %mul3A_89 : i32
      %get3A_91 = arith.index_cast %mul3A_90 : i32 to index
      %get3A_92 = tpu.vector_load %arg7[%get3A_91] {strides = array<i32>} : memref<7168xi32, #tpu.memory_space<vmem>>, vector<16xi32>,
      %gather3A = tpu.vector_load_idx %arg6[%get3A_92] : memref<16384xf32, #tpu.memory_space<vmem>>[vector<16xi32>], vector<16xf32>,
      %exp3A_93 = math.exp %gather3A : vector<16xf32>
      %add3A_94 = arith.addf %scan3A_79, %exp3A_93 : vector<16xf32>
      %mul3A_95 = arith.constant 4 : i32
      %mul3A_96 = arith.muli %mul3A_95, %scan3A_78 : i32
      %add3A_97 = arith.constant 336 : i32
      %add3A_98 = arith.addi %add3A_97, %mul3A_96 : i32
      %add3A_99 = arith.constant 1 : i32
      %add3A_100 = arith.addi %add3A_98, %add3A_99 : i32
      %mul3A_101 = arith.constant 16 : i32
      %mul3A_102 = arith.muli %add3A_100, %mul3A_101 : i32
      %get3A_103 = arith.index_cast %mul3A_102 : i32 to index
      %get3A_104 = tpu.vector_load %arg7[%get3A_103] {strides = array<i32>} : memref<7168xi32, #tpu.memory_space<vmem>>, vector<16xi32>,
      %gather3A_105 = tpu.vector_load_idx %arg6[%get3A_104] : memref<16384xf32, #tpu.memory_space<vmem>>[vector<16xi32>], vector<16xf32>,
      %exp3A_106 = math.exp %gather3A_105 : vector<16xf32>
      %add3A_107 = arith.addf %scan3A_80, %exp3A_106 : vector<16xf32>
      %mul3A_108 = arith.constant 4 : i32
      %mul3A_109 = arith.muli %mul3A_108, %scan3A_78 : i32
      %add3A_110 = arith.constant 336 : i32
      %add3A_111 = arith.addi %add3A_110, %mul3A_109 : i32
      %add3A_112 = arith.constant 2 : i32
      %add3A_113 = arith.addi %add3A_111, %add3A_112 : i32
      %mul3A_114 = arith.constant 16 : i32
      %mul3A_115 = arith.muli %add3A_113, %mul3A_114 : i32
      %get3A_116 = arith.index_cast %mul3A_115 : i32 to index
      %get3A_117 = tpu.vector_load %arg7[%get3A_116] {strides = array<i32>} : memref<7168xi32, #tpu.memory_space<vmem>>, vector<16xi32>,
      %gather3A_118 = tpu.vector_load_idx %arg6[%get3A_117] : memref<16384xf32, #tpu.memory_space<vmem>>[vector<16xi32>], vector<16xf32>,
      %exp3A_119 = math.exp %gather3A_118 : vector<16xf32>
      %add3A_120 = arith.addf %scan3A_81, %exp3A_119 : vector<16xf32>
      %mul3A_121 = arith.constant 4 : i32
      %mul3A_122 = arith.muli %mul3A_121, %scan3A_78 : i32
      %add3A_123 = arith.constant 336 : i32
      %add3A_124 = arith.addi %add3A_123, %mul3A_122 : i32
      %add3A_125 = arith.constant 3 : i32
      %add3A_126 = arith.addi %add3A_124, %add3A_125 : i32
      %mul3A_127 = arith.constant 16 : i32
      %mul3A_128 = arith.muli %add3A_126, %mul3A_127 : i32
      %get3A_129 = arith.index_cast %mul3A_128 : i32 to index
      %get3A_130 = tpu.vector_load %arg7[%get3A_129] {strides = array<i32>} : memref<7168xi32, #tpu.memory_space<vmem>>, vector<16xi32>,
      %gather3A_131 = tpu.vector_load_idx %arg6[%get3A_130] : memref<16384xf32, #tpu.memory_space<vmem>>[vector<16xi32>], vector<16xf32>,
      %exp3A_132 = math.exp %gather3A_131 : vector<16xf32>
      %add3A_133 = arith.addf %scan3A_82, %exp3A_132 : vector<16xf32>
      %scan3A_134 = arith.constant 1 : i32
      %scan3A_135 = arith.addi %scan3A_78, %scan3A_134 : i32
      %mul3A_136 = arith.constant 4 : i32
      %mul3A_137 = arith.muli %mul3A_136, %scan3A_135 : i32
      %add3A_138 = arith.constant 336 : i32
      %add3A_139 = arith.addi %add3A_138, %mul3A_137 : i32
      %add3A_140 = arith.constant 0 : i32
      %add3A_141 = arith.addi %add3A_139, %add3A_140 : i32
      %mul3A_142 = arith.constant 16 : i32
      %mul3A_143 = arith.muli %add3A_141, %mul3A_142 : i32
      %get3A_144 = arith.index_cast %mul3A_143 : i32 to index
      %get3A_145 = tpu.vector_load %arg7[%get3A_144] {strides = array<i32>} : memref<7168xi32, #tpu.memory_space<vmem>>, vector<16xi32>,
      %gather3A_146 = tpu.vector_load_idx %arg6[%get3A_145] : memref<16384xf32, #tpu.memory_space<vmem>>[vector<16xi32>], vector<16xf32>,
      %exp3A_147 = math.exp %gather3A_146 : vector<16xf32>
      %add3A_148 = arith.addf %add3A_94, %exp3A_147 : vector<16xf32>
      %mul3A_149 = arith.constant 4 : i32
      %mul3A_150 = arith.muli %mul3A_149, %scan3A_135 : i32
      %add3A_151 = arith.constant 336 : i32
      %add3A_152 = arith.addi %add3A_151, %mul3A_150 : i32
      %add3A_153 = arith.constant 1 : i32
      %add3A_154 = arith.addi %add3A_152, %add3A_153 : i32
      %mul3A_155 = arith.constant 16 : i32
      %mul3A_156 = arith.muli %add3A_154, %mul3A_155 : i32
      %get3A_157 = arith.index_cast %mul3A_156 : i32 to index
      %get3A_158 = tpu.vector_load %arg7[%get3A_157] {strides = array<i32>} : memref<7168xi32, #tpu.memory_space<vmem>>, vector<16xi32>,
      %gather3A_159 = tpu.vector_load_idx %arg6[%get3A_158] : memref<16384xf32, #tpu.memory_space<vmem>>[vector<16xi32>], vector<16xf32>,
      %exp3A_160 = math.exp %gather3A_159 : vector<16xf32>
      %add3A_161 = arith.addf %add3A_107, %exp3A_160 : vector<16xf32>
      %mul3A_162 = arith.constant 4 : i32
      %mul3A_163 = arith.muli %mul3A_162, %scan3A_135 : i32
      %add3A_164 = arith.constant 336 : i32
      %add3A_165 = arith.addi %add3A_164, %mul3A_163 : i32
      %add3A_166 = arith.constant 2 : i32
      %add3A_167 = arith.addi %add3A_165, %add3A_166 : i32
      %mul3A_168 = arith.constant 16 : i32
      %mul3A_169 = arith.muli %add3A_167, %mul3A_168 : i32
      %get3A_170 = arith.index_cast %mul3A_169 : i32 to index
      %get3A_171 = tpu.vector_load %arg7[%get3A_170] {strides = array<i32>} : memref<7168xi32, #tpu.memory_space<vmem>>, vector<16xi32>,
      %gather3A_172 = tpu.vector_load_idx %arg6[%get3A_171] : memref<16384xf32, #tpu.memory_space<vmem>>[vector<16xi32>], vector<16xf32>,
      %exp3A_173 = math.exp %gather3A_172 : vector<16xf32>
      %add3A_174 = arith.addf %add3A_120, %exp3A_173 : vector<16xf32>
      %mul3A_175 = arith.constant 4 : i32
      %mul3A_176 = arith.muli %mul3A_175, %scan3A_135 : i32
      %add3A_177 = arith.constant 336 : i32
      %add3A_178 = arith.addi %add3A_177, %mul3A_176 : i32
      %add3A_179 = arith.constant 3 : i32
      %add3A_180 = arith.addi %add3A_178, %add3A_179 : i32
      %mul3A_181 = arith.constant 16 : i32
      %mul3A_182 = arith.muli %add3A_180, %mul3A_181 : i32
      %get3A_183 = arith.index_cast %mul3A_182 : i32 to index
      %get3A_184 = tpu.vector_load %arg7[%get3A_183] {strides = array<i32>} : memref<7168xi32, #tpu.memory_space<vmem>>, vector<16xi32>,
      %gather3A_185 = tpu.vector_load_idx %arg6[%get3A_184] : memref<16384xf32, #tpu.memory_space<vmem>>[vector<16xi32>], vector<16xf32>,
      %exp3A_186 = math.exp %gather3A_185 : vector<16xf32>
      %add3A_187 = arith.addf %add3A_133, %exp3A_186 : vector<16xf32>
      %scan3A_188 = arith.constant 2 : i32
      %scan3A_189 = arith.addi %scan3A_78, %scan3A_188 : i32
      %mul3A_190 = arith.constant 4 : i32
      %mul3A_191 = arith.muli %mul3A_190, %scan3A_189 : i32
      %add3A_192 = arith.constant 336 : i32
      %add3A_193 = arith.addi %add3A_192, %mul3A_191 : i32
      %add3A_194 = arith.constant 0 : i32
      %add3A_195 = arith.addi %add3A_193, %add3A_194 : i32
      %mul3A_196 = arith.constant 16 : i32
      %mul3A_197 = arith.muli %add3A_195, %mul3A_196 : i32
      %get3A_198 = arith.index_cast %mul3A_197 : i32 to index
      %get3A_199 = tpu.vector_load %arg7[%get3A_198] {strides = array<i32>} : memref<7168xi32, #tpu.memory_space<vmem>>, vector<16xi32>,
      %gather3A_200 = tpu.vector_load_idx %arg6[%get3A_199] : memref<16384xf32, #tpu.memory_space<vmem>>[vector<16xi32>], vector<16xf32>,
      %exp3A_201 = math.exp %gather3A_200 : vector<16xf32>
      %add3A_202 = arith.addf %add3A_148, %exp3A_201 : vector<16xf32>
      %mul3A_203 = arith.constant 4 : i32
      %mul3A_204 = arith.muli %mul3A_203, %scan3A_189 : i32
      %add3A_205 = arith.constant 336 : i32
      %add3A_206 = arith.addi %add3A_205, %mul3A_204 : i32
      %add3A_207 = arith.constant 1 : i32
      %add3A_208 = arith.addi %add3A_206, %add3A_207 : i32
      %mul3A_209 = arith.constant 16 : i32
      %mul3A_210 = arith.muli %add3A_208, %mul3A_209 : i32
      %get3A_211 = arith.index_cast %mul3A_210 : i32 to index
      %get3A_212 = tpu.vector_load %arg7[%get3A_211] {strides = array<i32>} : memref<7168xi32, #tpu.memory_space<vmem>>, vector<16xi32>,
      %gather3A_213 = tpu.vector_load_idx %arg6[%get3A_212] : memref<16384xf32, #tpu.memory_space<vmem>>[vector<16xi32>], vector<16xf32>,
      %exp3A_214 = math.exp %gather3A_213 : vector<16xf32>
      %add3A_215 = arith.addf %add3A_161, %exp3A_214 : vector<16xf32>
      %mul3A_216 = arith.constant 4 : i32
      %mul3A_217 = arith.muli %mul3A_216, %scan3A_189 : i32
      %add3A_218 = arith.constant 336 : i32
      %add3A_219 = arith.addi %add3A_218, %mul3A_217 : i32
      %add3A_220 = arith.constant 2 : i32
      %add3A_221 = arith.addi %add3A_219, %add3A_220 : i32
      %mul3A_222 = arith.constant 16 : i32
      %mul3A_223 = arith.muli %add3A_221, %mul3A_222 : i32
      %get3A_224 = arith.index_cast %mul3A_223 : i32 to index
      %get3A_225 = tpu.vector_load %arg7[%get3A_224] {strides = array<i32>} : memref<7168xi32, #tpu.memory_space<vmem>>, vector<16xi32>,
      %gather3A_226 = tpu.vector_load_idx %arg6[%get3A_225] : memref<16384xf32, #tpu.memory_space<vmem>>[vector<16xi32>], vector<16xf32>,
      %exp3A_227 = math.exp %gather3A_226 : vector<16xf32>
      %add3A_228 = arith.addf %add3A_174, %exp3A_227 : vector<16xf32>
      %mul3A_229 = arith.constant 4 : i32
      %mul3A_230 = arith.muli %mul3A_229, %scan3A_189 : i32
      %add3A_231 = arith.constant 336 : i32
      %add3A_232 = arith.addi %add3A_231, %mul3A_230 : i32
      %add3A_233 = arith.constant 3 : i32
      %add3A_234 = arith.addi %add3A_232, %add3A_233 : i32
      %mul3A_235 = arith.constant 16 : i32
      %mul3A_236 = arith.muli %add3A_234, %mul3A_235 : i32
      %get3A_237 = arith.index_cast %mul3A_236 : i32 to index
      %get3A_238 = tpu.vector_load %arg7[%get3A_237] {strides = array<i32>} : memref<7168xi32, #tpu.memory_space<vmem>>, vector<16xi32>,
      %gather3A_239 = tpu.vector_load_idx %arg6[%get3A_238] : memref<16384xf32, #tpu.memory_space<vmem>>[vector<16xi32>], vector<16xf32>,
      %exp3A_240 = math.exp %gather3A_239 : vector<16xf32>
      %add3A_241 = arith.addf %add3A_187, %exp3A_240 : vector<16xf32>
      %scan3A_242 = arith.constant 3 : i32
      %scan3A_243 = arith.addi %scan3A_78, %scan3A_242 : i32
      %mul3A_244 = arith.constant 4 : i32
      %mul3A_245 = arith.muli %mul3A_244, %scan3A_243 : i32
      %add3A_246 = arith.constant 336 : i32
      %add3A_247 = arith.addi %add3A_246, %mul3A_245 : i32
      %add3A_248 = arith.constant 0 : i32
      %add3A_249 = arith.addi %add3A_247, %add3A_248 : i32
      %mul3A_250 = arith.constant 16 : i32
      %mul3A_251 = arith.muli %add3A_249, %mul3A_250 : i32
      %get3A_252 = arith.index_cast %mul3A_251 : i32 to index
      %get3A_253 = tpu.vector_load %arg7[%get3A_252] {strides = array<i32>} : memref<7168xi32, #tpu.memory_space<vmem>>, vector<16xi32>,
      %gather3A_254 = tpu.vector_load_idx %arg6[%get3A_253] : memref<16384xf32, #tpu.memory_space<vmem>>[vector<16xi32>], vector<16xf32>,
      %exp3A_255 = math.exp %gather3A_254 : vector<16xf32>
      %add3A_256 = arith.addf %add3A_202, %exp3A_255 : vector<16xf32>
      %mul3A_257 = arith.constant 4 : i32
      %mul3A_258 = arith.muli %mul3A_257, %scan3A_243 : i32
      %add3A_259 = arith.constant 336 : i32
      %add3A_260 = arith.addi %add3A_259, %mul3A_258 : i32
      %add3A_261 = arith.constant 1 : i32
      %add3A_262 = arith.addi %add3A_260, %add3A_261 : i32
      %mul3A_263 = arith.constant 16 : i32
      %mul3A_264 = arith.muli %add3A_262, %mul3A_263 : i32
      %get3A_265 = arith.index_cast %mul3A_264 : i32 to index
      %get3A_266 = tpu.vector_load %arg7[%get3A_265] {strides = array<i32>} : memref<7168xi32, #tpu.memory_space<vmem>>, vector<16xi32>,
      %gather3A_267 = tpu.vector_load_idx %arg6[%get3A_266] : memref<16384xf32, #tpu.memory_space<vmem>>[vector<16xi32>], vector<16xf32>,
      %exp3A_268 = math.exp %gather3A_267 : vector<16xf32>
      %add3A_269 = arith.addf %add3A_215, %exp3A_268 : vector<16xf32>
      %mul3A_270 = arith.constant 4 : i32
      %mul3A_271 = arith.muli %mul3A_270, %scan3A_243 : i32
      %add3A_272 = arith.constant 336 : i32
      %add3A_273 = arith.addi %add3A_272, %mul3A_271 : i32
      %add3A_274 = arith.constant 2 : i32
      %add3A_275 = arith.addi %add3A_273, %add3A_274 : i32
      %mul3A_276 = arith.constant 16 : i32
      %mul3A_277 = arith.muli %add3A_275, %mul3A_276 : i32
      %get3A_278 = arith.index_cast %mul3A_277 : i32 to index
      %get3A_279 = tpu.vector_load %arg7[%get3A_278] {strides = array<i32>} : memref<7168xi32, #tpu.memory_space<vmem>>, vector<16xi32>,
      %gather3A_280 = tpu.vector_load_idx %arg6[%get3A_279] : memref<16384xf32, #tpu.memory_space<vmem>>[vector<16xi32>], vector<16xf32>,
      %exp3A_281 = math.exp %gather3A_280 : vector<16xf32>
      %add3A_282 = arith.addf %add3A_228, %exp3A_281 : vector<16xf32>
      %mul3A_283 = arith.constant 4 : i32
      %mul3A_284 = arith.muli %mul3A_283, %scan3A_243 : i32
      %add3A_285 = arith.constant 336 : i32
      %add3A_286 = arith.addi %add3A_285, %mul3A_284 : i32
      %add3A_287 = arith.constant 3 : i32
      %add3A_288 = arith.addi %add3A_286, %add3A_287 : i32
      %mul3A_289 = arith.constant 16 : i32
      %mul3A_290 = arith.muli %add3A_288, %mul3A_289 : i32
      %get3A_291 = arith.index_cast %mul3A_290 : i32 to index
      %get3A_292 = tpu.vector_load %arg7[%get3A_291] {strides = array<i32>} : memref<7168xi32, #tpu.memory_space<vmem>>, vector<16xi32>,
      %gather3A_293 = tpu.vector_load_idx %arg6[%get3A_292] : memref<16384xf32, #tpu.memory_space<vmem>>[vector<16xi32>], vector<16xf32>,
      %exp3A_294 = math.exp %gather3A_293 : vector<16xf32>
      %add3A_295 = arith.addf %add3A_241, %exp3A_294 : vector<16xf32>
      %scan3A_296 = arith.constant 4 : i32
      %scan3A_297 = arith.addi %scan3A_78, %scan3A_296 : i32
      %mul3A_298 = arith.constant 4 : i32
      %mul3A_299 = arith.muli %mul3A_298, %scan3A_297 : i32
      %add3A_300 = arith.constant 336 : i32
      %add3A_301 = arith.addi %add3A_300, %mul3A_299 : i32
      %add3A_302 = arith.constant 0 : i32
      %add3A_303 = arith.addi %add3A_301, %add3A_302 : i32
      %mul3A_304 = arith.constant 16 : i32
      %mul3A_305 = arith.muli %add3A_303, %mul3A_304 : i32
      %get3A_306 = arith.index_cast %mul3A_305 : i32 to index
      %get3A_307 = tpu.vector_load %arg7[%get3A_306] {strides = array<i32>} : memref<7168xi32, #tpu.memory_space<vmem>>, vector<16xi32>,
      %gather3A_308 = tpu.vector_load_idx %arg6[%get3A_307] : memref<16384xf32, #tpu.memory_space<vmem>>[vector<16xi32>], vector<16xf32>,
      %exp3A_309 = math.exp %gather3A_308 : vector<16xf32>
      %add3A_310 = arith.addf %add3A_256, %exp3A_309 : vector<16xf32>
      %mul3A_311 = arith.constant 4 : i32
      %mul3A_312 = arith.muli %mul3A_311, %scan3A_297 : i32
      %add3A_313 = arith.constant 336 : i32
      %add3A_314 = arith.addi %add3A_313, %mul3A_312 : i32
      %add3A_315 = arith.constant 1 : i32
      %add3A_316 = arith.addi %add3A_314, %add3A_315 : i32
      %mul3A_317 = arith.constant 16 : i32
      %mul3A_318 = arith.muli %add3A_316, %mul3A_317 : i32
      %get3A_319 = arith.index_cast %mul3A_318 : i32 to index
      %get3A_320 = tpu.vector_load %arg7[%get3A_319] {strides = array<i32>} : memref<7168xi32, #tpu.memory_space<vmem>>, vector<16xi32>,
      %gather3A_321 = tpu.vector_load_idx %arg6[%get3A_320] : memref<16384xf32, #tpu.memory_space<vmem>>[vector<16xi32>], vector<16xf32>,
      %exp3A_322 = math.exp %gather3A_321 : vector<16xf32>
      %add3A_323 = arith.addf %add3A_269, %exp3A_322 : vector<16xf32>
      %mul3A_324 = arith.constant 4 : i32
      %mul3A_325 = arith.muli %mul3A_324, %scan3A_297 : i32
      %add3A_326 = arith.constant 336 : i32
      %add3A_327 = arith.addi %add3A_326, %mul3A_325 : i32
      %add3A_328 = arith.constant 2 : i32
      %add3A_329 = arith.addi %add3A_327, %add3A_328 : i32
      %mul3A_330 = arith.constant 16 : i32
      %mul3A_331 = arith.muli %add3A_329, %mul3A_330 : i32
      %get3A_332 = arith.index_cast %mul3A_331 : i32 to index
      %get3A_333 = tpu.vector_load %arg7[%get3A_332] {strides = array<i32>} : memref<7168xi32, #tpu.memory_space<vmem>>, vector<16xi32>,
      %gather3A_334 = tpu.vector_load_idx %arg6[%get3A_333] : memref<16384xf32, #tpu.memory_space<vmem>>[vector<16xi32>], vector<16xf32>,
      %exp3A_335 = math.exp %gather3A_334 : vector<16xf32>
      %add3A_336 = arith.addf %add3A_282, %exp3A_335 : vector<16xf32>
      %mul3A_337 = arith.constant 4 : i32
      %mul3A_338 = arith.muli %mul3A_337, %scan3A_297 : i32
      %add3A_339 = arith.constant 336 : i32
      %add3A_340 = arith.addi %add3A_339, %mul3A_338 : i32
      %add3A_341 = arith.constant 3 : i32
      %add3A_342 = arith.addi %add3A_340, %add3A_341 : i32
      %mul3A_343 = arith.constant 16 : i32
      %mul3A_344 = arith.muli %add3A_342, %mul3A_343 : i32
      %get3A_345 = arith.index_cast %mul3A_344 : i32 to index
      %get3A_346 = tpu.vector_load %arg7[%get3A_345] {strides = array<i32>} : memref<7168xi32, #tpu.memory_space<vmem>>, vector<16xi32>,
      %gather3A_347 = tpu.vector_load_idx %arg6[%get3A_346] : memref<16384xf32, #tpu.memory_space<vmem>>[vector<16xi32>], vector<16xf32>,
      %exp3A_348 = math.exp %gather3A_347 : vector<16xf32>
      %add3A_349 = arith.addf %add3A_295, %exp3A_348 : vector<16xf32>
      %scan3A_350 = arith.constant 5 : i32
      %scan3A_351 = arith.addi %scan3A_78, %scan3A_350 : i32
      %mul3A_352 = arith.constant 4 : i32
      %mul3A_353 = arith.muli %mul3A_352, %scan3A_351 : i32
      %add3A_354 = arith.constant 336 : i32
      %add3A_355 = arith.addi %add3A_354, %mul3A_353 : i32
      %add3A_356 = arith.constant 0 : i32
      %add3A_357 = arith.addi %add3A_355, %add3A_356 : i32
      %mul3A_358 = arith.constant 16 : i32
      %mul3A_359 = arith.muli %add3A_357, %mul3A_358 : i32
      %get3A_360 = arith.index_cast %mul3A_359 : i32 to index
      %get3A_361 = tpu.vector_load %arg7[%get3A_360] {strides = array<i32>} : memref<7168xi32, #tpu.memory_space<vmem>>, vector<16xi32>,
      %gather3A_362 = tpu.vector_load_idx %arg6[%get3A_361] : memref<16384xf32, #tpu.memory_space<vmem>>[vector<16xi32>], vector<16xf32>,
      %exp3A_363 = math.exp %gather3A_362 : vector<16xf32>
      %add3A_364 = arith.addf %add3A_310, %exp3A_363 : vector<16xf32>
      %mul3A_365 = arith.constant 4 : i32
      %mul3A_366 = arith.muli %mul3A_365, %scan3A_351 : i32
      %add3A_367 = arith.constant 336 : i32
      %add3A_368 = arith.addi %add3A_367, %mul3A_366 : i32
      %add3A_369 = arith.constant 1 : i32
      %add3A_370 = arith.addi %add3A_368, %add3A_369 : i32
      %mul3A_371 = arith.constant 16 : i32
      %mul3A_372 = arith.muli %add3A_370, %mul3A_371 : i32
      %get3A_373 = arith.index_cast %mul3A_372 : i32 to index
      %get3A_374 = tpu.vector_load %arg7[%get3A_373] {strides = array<i32>} : memref<7168xi32, #tpu.memory_space<vmem>>, vector<16xi32>,
      %gather3A_375 = tpu.vector_load_idx %arg6[%get3A_374] : memref<16384xf32, #tpu.memory_space<vmem>>[vector<16xi32>], vector<16xf32>,
      %exp3A_376 = math.exp %gather3A_375 : vector<16xf32>
      %add3A_377 = arith.addf %add3A_323, %exp3A_376 : vector<16xf32>
      %mul3A_378 = arith.constant 4 : i32
      %mul3A_379 = arith.muli %mul3A_378, %scan3A_351 : i32
      %add3A_380 = arith.constant 336 : i32
      %add3A_381 = arith.addi %add3A_380, %mul3A_379 : i32
      %add3A_382 = arith.constant 2 : i32
      %add3A_383 = arith.addi %add3A_381, %add3A_382 : i32
      %mul3A_384 = arith.constant 16 : i32
      %mul3A_385 = arith.muli %add3A_383, %mul3A_384 : i32
      %get3A_386 = arith.index_cast %mul3A_385 : i32 to index
      %get3A_387 = tpu.vector_load %arg7[%get3A_386] {strides = array<i32>} : memref<7168xi32, #tpu.memory_space<vmem>>, vector<16xi32>,
      %gather3A_388 = tpu.vector_load_idx %arg6[%get3A_387] : memref<16384xf32, #tpu.memory_space<vmem>>[vector<16xi32>], vector<16xf32>,
      %exp3A_389 = math.exp %gather3A_388 : vector<16xf32>
      %add3A_390 = arith.addf %add3A_336, %exp3A_389 : vector<16xf32>
      %mul3A_391 = arith.constant 4 : i32
      %mul3A_392 = arith.muli %mul3A_391, %scan3A_351 : i32
      %add3A_393 = arith.constant 336 : i32
      %add3A_394 = arith.addi %add3A_393, %mul3A_392 : i32
      %add3A_395 = arith.constant 3 : i32
      %add3A_396 = arith.addi %add3A_394, %add3A_395 : i32
      %mul3A_397 = arith.constant 16 : i32
      %mul3A_398 = arith.muli %add3A_396, %mul3A_397 : i32
      %get3A_399 = arith.index_cast %mul3A_398 : i32 to index
      %get3A_400 = tpu.vector_load %arg7[%get3A_399] {strides = array<i32>} : memref<7168xi32, #tpu.memory_space<vmem>>, vector<16xi32>,
      %gather3A_401 = tpu.vector_load_idx %arg6[%get3A_400] : memref<16384xf32, #tpu.memory_space<vmem>>[vector<16xi32>], vector<16xf32>,
      %exp3A_402 = math.exp %gather3A_401 : vector<16xf32>
      %add3A_403 = arith.addf %add3A_349, %exp3A_402 : vector<16xf32>
      %scan3A_404 = arith.constant 6 : i32
      %scan3A_405 = arith.addi %scan3A_78, %scan3A_404 : i32
      %mul3A_406 = arith.constant 4 : i32
      %mul3A_407 = arith.muli %mul3A_406, %scan3A_405 : i32
      %add3A_408 = arith.constant 336 : i32
      %add3A_409 = arith.addi %add3A_408, %mul3A_407 : i32
      %add3A_410 = arith.constant 0 : i32
      %add3A_411 = arith.addi %add3A_409, %add3A_410 : i32
      %mul3A_412 = arith.constant 16 : i32
      %mul3A_413 = arith.muli %add3A_411, %mul3A_412 : i32
      %get3A_414 = arith.index_cast %mul3A_413 : i32 to index
      %get3A_415 = tpu.vector_load %arg7[%get3A_414] {strides = array<i32>} : memref<7168xi32, #tpu.memory_space<vmem>>, vector<16xi32>,
      %gather3A_416 = tpu.vector_load_idx %arg6[%get3A_415] : memref<16384xf32, #tpu.memory_space<vmem>>[vector<16xi32>], vector<16xf32>,
      %exp3A_417 = math.exp %gather3A_416 : vector<16xf32>
      %add3A_418 = arith.addf %add3A_364, %exp3A_417 : vector<16xf32>
      %mul3A_419 = arith.constant 4 : i32
      %mul3A_420 = arith.muli %mul3A_419, %scan3A_405 : i32
      %add3A_421 = arith.constant 336 : i32
      %add3A_422 = arith.addi %add3A_421, %mul3A_420 : i32
      %add3A_423 = arith.constant 1 : i32
      %add3A_424 = arith.addi %add3A_422, %add3A_423 : i32
      %mul3A_425 = arith.constant 16 : i32
      %mul3A_426 = arith.muli %add3A_424, %mul3A_425 : i32
      %get3A_427 = arith.index_cast %mul3A_426 : i32 to index
      %get3A_428 = tpu.vector_load %arg7[%get3A_427] {strides = array<i32>} : memref<7168xi32, #tpu.memory_space<vmem>>, vector<16xi32>,
      %gather3A_429 = tpu.vector_load_idx %arg6[%get3A_428] : memref<16384xf32, #tpu.memory_space<vmem>>[vector<16xi32>], vector<16xf32>,
      %exp3A_430 = math.exp %gather3A_429 : vector<16xf32>
      %add3A_431 = arith.addf %add3A_377, %exp3A_430 : vector<16xf32>
      %mul3A_432 = arith.constant 4 : i32
      %mul3A_433 = arith.muli %mul3A_432, %scan3A_405 : i32
      %add3A_434 = arith.constant 336 : i32
      %add3A_435 = arith.addi %add3A_434, %mul3A_433 : i32
      %add3A_436 = arith.constant 2 : i32
      %add3A_437 = arith.addi %add3A_435, %add3A_436 : i32
      %mul3A_438 = arith.constant 16 : i32
      %mul3A_439 = arith.muli %add3A_437, %mul3A_438 : i32
      %get3A_440 = arith.index_cast %mul3A_439 : i32 to index
      %get3A_441 = tpu.vector_load %arg7[%get3A_440] {strides = array<i32>} : memref<7168xi32, #tpu.memory_space<vmem>>, vector<16xi32>,
      %gather3A_442 = tpu.vector_load_idx %arg6[%get3A_441] : memref<16384xf32, #tpu.memory_space<vmem>>[vector<16xi32>], vector<16xf32>,
      %exp3A_443 = math.exp %gather3A_442 : vector<16xf32>
      %add3A_444 = arith.addf %add3A_390, %exp3A_443 : vector<16xf32>
      %mul3A_445 = arith.constant 4 : i32
      %mul3A_446 = arith.muli %mul3A_445, %scan3A_405 : i32
      %add3A_447 = arith.constant 336 : i32
      %add3A_448 = arith.addi %add3A_447, %mul3A_446 : i32
      %add3A_449 = arith.constant 3 : i32
      %add3A_450 = arith.addi %add3A_448, %add3A_449 : i32
      %mul3A_451 = arith.constant 16 : i32
      %mul3A_452 = arith.muli %add3A_450, %mul3A_451 : i32
      %get3A_453 = arith.index_cast %mul3A_452 : i32 to index
      %get3A_454 = tpu.vector_load %arg7[%get3A_453] {strides = array<i32>} : memref<7168xi32, #tpu.memory_space<vmem>>, vector<16xi32>,
      %gather3A_455 = tpu.vector_load_idx %arg6[%get3A_454] : memref<16384xf32, #tpu.memory_space<vmem>>[vector<16xi32>], vector<16xf32>,
      %exp3A_456 = math.exp %gather3A_455 : vector<16xf32>
      %add3A_457 = arith.addf %add3A_403, %exp3A_456 : vector<16xf32>
      scf.yield %add3A_418, %add3A_431, %add3A_444, %add3A_457 : vector<16xf32>, vector<16xf32>, vector<16xf32>, vector<16xf32>
    }
    %scan3A_70 = arith.constant 28 : i32
    %add3A_71 = arith.addf %scan3A_69#0, %scan3A_69#1 : vector<16xf32>
    %add3A_72 = arith.addf %scan3A_69#2, %scan3A_69#3 : vector<16xf32>
    %add3A_73 = arith.addf %add3A_71, %add3A_72 : vector<16xf32>
    %swap3A_74 = arith.constant 48 : index
    %swap3A_75 = tpu.vector_load %arg9[%swap3A_74] {strides = array<i32>} : memref<64xf32, #tpu.memory_space<vmem>>, vector<16xf32>,
    tpu.vector_store %arg9[%swap3A_74], %add3A_73 {strides = array<i32>} : memref<64xf32, #tpu.memory_space<vmem>>, vector<16xf32>,
    %mul3A_76 = arith.constant 64 : i32
    %mul3A_77 = arith.muli %add3A, %mul3A_76 : i32
    "tpu.region"() ({
      %run_scoped3A = tpu.sem_alloc : memref<!tpu.dma_semaphore, #tpu.memory_space<semaphore_mem>>
      %dma_start3A_78 = tpu.memref_slice %arg5[%mul3A_77] : memref<2048xf32, #tpu.memory_space<hbm>> -> memref<64xf32, #tpu.memory_space<hbm>>
      %dma_start3A_79 = tpu.memref_slice %arg5[%mul3A_77] : memref<2048xf32, #tpu.memory_space<hbm>> -> memref<64xf32, #tpu.memory_space<hbm>>
      tpu.enqueue_dma source(%arg9 : memref<64xf32, #tpu.memory_space<vmem>>) target(%dma_start3A_79 : memref<64xf32, #tpu.memory_space<hbm>>) target_semaphore(%run_scoped3A : memref<!tpu.dma_semaphore, #tpu.memory_space<semaphore_mem>>)
      %dma_wait3A_80 = tpu.memref_slice %arg5[%mul3A_77] : memref<2048xf32, #tpu.memory_space<hbm>> -> memref<64xf32, #tpu.memory_space<hbm>>
      %dma_wait3A_81 = tpu.memref_slice %arg5[%mul3A_77] : memref<2048xf32, #tpu.memory_space<hbm>> -> memref<64xf32, #tpu.memory_space<hbm>>
      tpu.wait_dma2 semaphore(%run_scoped3A : memref<!tpu.dma_semaphore, #tpu.memory_space<semaphore_mem>>) src(%arg9 : memref<64xf32, #tpu.memory_space<vmem>>) dst(%dma_wait3A_81 : memref<64xf32, #tpu.memory_space<hbm>>)
      tpu.yield
    }) : () -> ()
    return
  }
}

module attributes {stable_mosaic.version = 14 : i64} {
  func.func @_stage3(%arg0: memref<16x128xf32, #tpu.memory_space<vmem>>, %arg1: memref<16x128xf32, #tpu.memory_space<vmem>>, %arg2: memref<1x1xf32, #tpu.memory_space<smem>>) attributes {dimension_semantics = [], scalar_prefetch = 0 : i64, scratch_operands = 0 : i64, tpu.core_type = #tpu.core_type<tc>} {
    %get3A = arith.constant 0 : index
    %get3A_0 = arith.constant 0 : index
    %get3A_1 = vector.load %arg0[%get3A, %get3A_0] : memref<16x128xf32, #tpu.memory_space<vmem>>, vector<16x128xf32>
    %log3A = math.log %get3A_1 : vector<16x128xf32>
    %get3A_2 = arith.constant 0 : index
    %get3A_3 = arith.constant 0 : index
    %get3A_4 = vector.load %arg1[%get3A_2, %get3A_3] : memref<16x128xf32, #tpu.memory_space<vmem>>, vector<16x128xf32>
    %sub3A = arith.subf %log3A, %get3A_4 : vector<16x128xf32>
    %reduce_sum3A = vector.shape_cast %sub3A : vector<16x128xf32> to vector<1x16x128xf32>
    %reduce_sum3A_5 = arith.constant dense<0.000000e+00> : vector<1xf32>
    %reduce_sum3A_6 = vector.multi_reduction <add>, %reduce_sum3A, %reduce_sum3A_5 [1, 2] : vector<1x16x128xf32> to vector<1xf32>
    %reduce_sum3A_7 = vector.shape_cast %reduce_sum3A_6 : vector<1xf32> to vector<1x1x1xf32>
    %reduce_sum3A_8 = vector.extract %reduce_sum3A_7[0, 0, 0] : f32 from vector<1x1x1xf32>
    %swap3A = arith.constant 0 : index
    %swap3A_9 = arith.constant 0 : index
    %swap3A_10 = memref.load %arg2[%swap3A, %swap3A_9] : memref<1x1xf32, #tpu.memory_space<smem>>
    memref.store %reduce_sum3A_8, %arg2[%swap3A, %swap3A_9] : memref<1x1xf32, #tpu.memory_space<smem>>
    return
  }
}

module attributes {stable_mosaic.version = 14 : i64} {
  func.func @_stage1(%arg0: memref<8x256x768xf32, #tpu.memory_space<vmem>>, %arg1: memref<8x256x1xi32, #tpu.memory_space<vmem>>, %arg2: memref<8x256x768xf32, #tpu.memory_space<vmem>>, %arg3: memref<768x256xf32, #tpu.memory_space<vmem>>, %arg4: memref<1x256xf32, #tpu.memory_space<vmem>>, %arg5: memref<768x256xf32, #tpu.memory_space<vmem>>, %arg6: memref<1x256xf32, #tpu.memory_space<vmem>>, %arg7: memref<4096x128xf32, #tpu.memory_space<vmem>>, %arg8: memref<16x128xf32, #tpu.memory_space<vmem>>) attributes {dimension_semantics = [], scalar_prefetch = 0 : i64, scratch_operands = 0 : i64, tpu.core_type = #tpu.core_type<tc>} {
    %get3A = arith.constant 0 : index
    %get3A_0 = arith.constant 0 : index
    %get3A_1 = vector.load %arg3[%get3A, %get3A_0] : memref<768x256xf32, #tpu.memory_space<vmem>>, vector<768x256xf32>
    %convert_element_type3A = arith.truncf %get3A_1 : vector<768x256xf32> to vector<768x256xbf16>
    %get3A_2 = arith.constant 0 : index
    %get3A_3 = arith.constant 0 : index
    %get3A_4 = vector.load %arg5[%get3A_2, %get3A_3] : memref<768x256xf32, #tpu.memory_space<vmem>>, vector<768x256xf32>
    %convert_element_type3A_5 = arith.truncf %get3A_4 : vector<768x256xf32> to vector<768x256xbf16>
    %iota3A = tpu.iota {dimensions = array<i32: 0>} : vector<256x256xi32>
    %iota3A_6 = tpu.iota {dimensions = array<i32: 1>} : vector<256x256xi32>
    %eq3A = arith.cmpi eq, %iota3A, %iota3A_6 : vector<256x256xi32>
    %get3A_7 = arith.constant 0 : index
    %get3A_8 = arith.constant 0 : index
    %get3A_9 = arith.constant 0 : index
    %get3A_10 = vector.load %arg1[%get3A_7, %get3A_8, %get3A_9] : memref<8x256x1xi32, #tpu.memory_space<vmem>>, vector<1x256x1xi32>
    %get3A_11 = vector.shape_cast %get3A_10 : vector<1x256x1xi32> to vector<256x1xi32>
    %get3A_12 = arith.constant dense<0> : vector<256x1xi32>
    %get3A_13 = arith.cmpi ne, %get3A_11, %get3A_12 : vector<256x1xi32>
    %convert_element_type3A_14 = arith.extui %get3A_13 : vector<256x1xi1> to vector<256x1xi32>
    %convert_element_type3A_15 = arith.sitofp %convert_element_type3A_14 : vector<256x1xi32> to vector<256x1xf32>
    %get3A_16 = arith.constant 0 : index
    %get3A_17 = arith.constant 0 : index
    %get3A_18 = arith.constant 0 : index
    %get3A_19 = vector.load %arg0[%get3A_16, %get3A_17, %get3A_18] : memref<8x256x768xf32, #tpu.memory_space<vmem>>, vector<1x256x768xf32>
    %get3A_20 = vector.shape_cast %get3A_19 : vector<1x256x768xf32> to vector<256x768xf32>
    %mul3A = vector.broadcast %convert_element_type3A_15 : vector<256x1xf32> to vector<256x768xf32>
    %mul3A_21 = arith.mulf %get3A_20, %mul3A : vector<256x768xf32>
    %convert_element_type3A_22 = arith.truncf %mul3A_21 : vector<256x768xf32> to vector<256x768xbf16>
    %dot_general3A = arith.constant dense<0.000000e+00> : vector<256x256xf32>
    %dot_general3A_23 = tpu.matmul %convert_element_type3A_22, %convert_element_type3A, %dot_general3A {dimension_numbers = #tpu.dot_dimension_numbers<[1], [0], [0], [1], [0, 0, 1, 1], [], []>, transpose_lhs_hint = false} : vector<256x768xbf16>, vector<768x256xbf16>, vector<256x256xf32> -> vector<256x256xf32>
    %get3A_24 = arith.constant 0 : index
    %get3A_25 = arith.constant 0 : index
    %get3A_26 = vector.load %arg4[%get3A_24, %get3A_25] : memref<1x256xf32, #tpu.memory_space<vmem>>, vector<1x256xf32>
    %add3A = vector.broadcast %get3A_26 : vector<1x256xf32> to vector<256x256xf32>
    %add3A_27 = arith.addf %dot_general3A_23, %add3A : vector<256x256xf32>
    %get3A_28 = arith.constant 0 : index
    %get3A_29 = arith.constant 0 : index
    %get3A_30 = arith.constant 0 : index
    %get3A_31 = vector.load %arg2[%get3A_28, %get3A_29, %get3A_30] : memref<8x256x768xf32, #tpu.memory_space<vmem>>, vector<1x256x768xf32>
    %get3A_32 = vector.shape_cast %get3A_31 : vector<1x256x768xf32> to vector<256x768xf32>
    %mul3A_33 = vector.broadcast %convert_element_type3A_15 : vector<256x1xf32> to vector<256x768xf32>
    %mul3A_34 = arith.mulf %get3A_32, %mul3A_33 : vector<256x768xf32>
    %convert_element_type3A_35 = arith.truncf %mul3A_34 : vector<256x768xf32> to vector<256x768xbf16>
    %dot_general3A_36 = arith.constant dense<0.000000e+00> : vector<256x256xf32>
    %dot_general3A_37 = tpu.matmul %convert_element_type3A_35, %convert_element_type3A_5, %dot_general3A_36 {dimension_numbers = #tpu.dot_dimension_numbers<[1], [0], [0], [1], [0, 0, 1, 1], [], []>, transpose_lhs_hint = false} : vector<256x768xbf16>, vector<768x256xbf16>, vector<256x256xf32> -> vector<256x256xf32>
    %get3A_38 = arith.constant 0 : index
    %get3A_39 = arith.constant 0 : index
    %get3A_40 = vector.load %arg6[%get3A_38, %get3A_39] : memref<1x256xf32, #tpu.memory_space<vmem>>, vector<1x256xf32>
    %add3A_41 = vector.broadcast %get3A_40 : vector<1x256xf32> to vector<256x256xf32>
    %add3A_42 = arith.addf %dot_general3A_37, %add3A_41 : vector<256x256xf32>
    %convert_element_type3A_43 = arith.truncf %add3A_27 : vector<256x256xf32> to vector<256x256xbf16>
    %convert_element_type3A_44 = arith.truncf %add3A_42 : vector<256x256xf32> to vector<256x256xbf16>
    %dot_general3A_45 = arith.constant dense<0.000000e+00> : vector<256x256xf32>
    %dot_general3A_46 = tpu.matmul %convert_element_type3A_43, %convert_element_type3A_43, %dot_general3A_45 {dimension_numbers = #tpu.dot_dimension_numbers<[1], [1], [0], [0], [0, 0, 1, 0], [], []>, transpose_lhs_hint = false} : vector<256x256xbf16>, vector<256x256xbf16>, vector<256x256xf32> -> vector<256x256xf32>
    %dot_general3A_47 = arith.constant dense<0.000000e+00> : vector<256x256xf32>
    %dot_general3A_48 = tpu.matmul %convert_element_type3A_44, %convert_element_type3A_43, %dot_general3A_47 {dimension_numbers = #tpu.dot_dimension_numbers<[1], [1], [0], [0], [0, 0, 1, 0], [], []>, transpose_lhs_hint = false} : vector<256x256xbf16>, vector<256x256xbf16>, vector<256x256xf32> -> vector<256x256xf32>
    %jit3A = arith.constant 0.000000e+00 : f32
    %broadcast_in_dim3A = vector.broadcast %jit3A : f32 to vector<256x256xf32>
    %select_n3A = arith.select %eq3A, %dot_general3A_46, %broadcast_in_dim3A : vector<256x256xi1>, vector<256x256xf32>
    %reduce_sum3A = arith.constant dense<0.000000e+00> : vector<256xf32>
    %reduce_sum3A_49 = vector.multi_reduction <add>, %select_n3A, %reduce_sum3A [1] : vector<256x256xf32> to vector<256xf32>
    %broadcast_in_dim3A_50 = vector.shape_cast %reduce_sum3A_49 : vector<256xf32> to vector<256x1xf32>
    %jit3A_51 = arith.constant 0.000000e+00 : f32
    %broadcast_in_dim3A_52 = vector.broadcast %jit3A_51 : f32 to vector<256x256xf32>
    %select_n3A_53 = arith.select %eq3A, %dot_general3A_46, %broadcast_in_dim3A_52 : vector<256x256xi1>, vector<256x256xf32>
    %reduce_sum3A_54 = arith.constant dense<0.000000e+00> : vector<256xf32>
    %reduce_sum3A_55 = vector.multi_reduction <add>, %select_n3A_53, %reduce_sum3A_54 [0] : vector<256x256xf32> to vector<256xf32>
    %broadcast_in_dim3A_56 = vector.shape_cast %reduce_sum3A_55 : vector<256xf32> to vector<1x256xf32>
    %add3A_57 = vector.broadcast %broadcast_in_dim3A_50 : vector<256x1xf32> to vector<256x256xf32>
    %add3A_58 = vector.broadcast %broadcast_in_dim3A_56 : vector<1x256xf32> to vector<256x256xf32>
    %add3A_59 = arith.addf %add3A_57, %add3A_58 : vector<256x256xf32>
    %mul3A_60 = arith.constant 2.000000e+00 : f32
    %mul3A_61 = vector.broadcast %mul3A_60 : f32 to vector<256x256xf32>
    %mul3A_62 = arith.mulf %mul3A_61, %dot_general3A_46 : vector<256x256xf32>
    %sub3A = arith.subf %add3A_59, %mul3A_62 : vector<256x256xf32>
    %mul3A_63 = arith.mulf %add3A_42, %add3A_42 : vector<256x256xf32>
    %reduce_sum3A_64 = arith.constant dense<0.000000e+00> : vector<256xf32>
    %reduce_sum3A_65 = vector.multi_reduction <add>, %mul3A_63, %reduce_sum3A_64 [1] : vector<256x256xf32> to vector<256xf32>
    %broadcast_in_dim3A_66 = vector.shape_cast %reduce_sum3A_65 : vector<256xf32> to vector<256x1xf32>
    %mul3A_67 = vector.broadcast %broadcast_in_dim3A_66 : vector<256x1xf32> to vector<256x256xf32>
    %mul3A_68 = vector.broadcast %broadcast_in_dim3A_56 : vector<1x256xf32> to vector<256x256xf32>
    %mul3A_69 = arith.mulf %mul3A_67, %mul3A_68 : vector<256x256xf32>
    %sqrt3A = math.sqrt %mul3A_69 : vector<256x256xf32>
    %max3A = arith.constant 9.99999993E-9 : f32
    %max3A_70 = vector.broadcast %max3A : f32 to vector<256x256xf32>
    %max3A_71 = arith.maximumf %sqrt3A, %max3A_70 : vector<256x256xf32>
    %mul3A_72 = arith.constant 1.000000e-01 : f32
    %mul3A_73 = vector.broadcast %mul3A_72 : f32 to vector<256x256xf32>
    %mul3A_74 = arith.mulf %max3A_71, %mul3A_73 : vector<256x256xf32>
    %div3A = arith.divf %dot_general3A_48, %mul3A_74 : vector<256x256xf32>
    %jit3A_75 = arith.constant 0.000000e+00 : f32
    %broadcast_in_dim3A_76 = vector.broadcast %jit3A_75 : f32 to vector<256x256xf32>
    %select_n3A_77 = arith.select %eq3A, %div3A, %broadcast_in_dim3A_76 : vector<256x256xi1>, vector<256x256xf32>
    %reduce_sum3A_78 = arith.constant dense<0.000000e+00> : vector<256xf32>
    %reduce_sum3A_79 = vector.multi_reduction <add>, %select_n3A_77, %reduce_sum3A_78 [0] : vector<256x256xf32> to vector<256xf32>
    %broadcast_in_dim3A_80 = vector.shape_cast %reduce_sum3A_79 : vector<256xf32> to vector<1x256xf32>
    %reshape3A = vector.shape_cast %broadcast_in_dim3A_80 : vector<1x256xf32> to vector<2x128xf32>
    %swap3A = arith.constant 0 : index
    %swap3A_81 = arith.constant 0 : index
    %swap3A_82 = vector.load %arg8[%swap3A, %swap3A_81] : memref<16x128xf32, #tpu.memory_space<vmem>>, vector<2x128xf32>
    tpu.vector_store %arg8[%swap3A, %swap3A_81], %reshape3A {strides = array<i32>} : memref<16x128xf32, #tpu.memory_space<vmem>>, vector<2x128xf32>,
    %eq3A_83 = arith.constant 0.000000e+00 : f32
    %eq3A_84 = vector.broadcast %eq3A_83 : f32 to vector<256x256xf32>
    %eq3A_85 = arith.cmpf oeq, %sub3A, %eq3A_84 : vector<256x256xf32>
    %jit3A_86 = arith.constant 0xFF800000 : f32
    %broadcast_in_dim3A_87 = vector.broadcast %jit3A_86 : f32 to vector<256x256xf32>
    %select_n3A_88 = arith.select %eq3A_85, %broadcast_in_dim3A_87, %div3A : vector<256x256xi1>, vector<256x256xf32>
    %reshape3A_89 = vector.shape_cast %select_n3A_88 : vector<256x256xf32> to vector<512x128xf32>
    %swap3A_90 = arith.constant 0 : index
    %swap3A_91 = arith.constant 0 : index
    %swap3A_92 = vector.load %arg7[%swap3A_90, %swap3A_91] : memref<4096x128xf32, #tpu.memory_space<vmem>>, vector<512x128xf32>
    tpu.vector_store %arg7[%swap3A_90, %swap3A_91], %reshape3A_89 {strides = array<i32>} : memref<4096x128xf32, #tpu.memory_space<vmem>>, vector<512x128xf32>,
    %get3A_93 = arith.constant 1 : index
    %get3A_94 = arith.constant 0 : index
    %get3A_95 = arith.constant 0 : index
    %get3A_96 = vector.load %arg1[%get3A_93, %get3A_94, %get3A_95] : memref<8x256x1xi32, #tpu.memory_space<vmem>>, vector<1x256x1xi32>
    %get3A_97 = vector.shape_cast %get3A_96 : vector<1x256x1xi32> to vector<256x1xi32>
    %get3A_98 = arith.constant dense<0> : vector<256x1xi32>
    %get3A_99 = arith.cmpi ne, %get3A_97, %get3A_98 : vector<256x1xi32>
    %convert_element_type3A_100 = arith.extui %get3A_99 : vector<256x1xi1> to vector<256x1xi32>
    %convert_element_type3A_101 = arith.sitofp %convert_element_type3A_100 : vector<256x1xi32> to vector<256x1xf32>
    %get3A_102 = arith.constant 1 : index
    %get3A_103 = arith.constant 0 : index
    %get3A_104 = arith.constant 0 : index
    %get3A_105 = vector.load %arg0[%get3A_102, %get3A_103, %get3A_104] : memref<8x256x768xf32, #tpu.memory_space<vmem>>, vector<1x256x768xf32>
    %get3A_106 = vector.shape_cast %get3A_105 : vector<1x256x768xf32> to vector<256x768xf32>
    %mul3A_107 = vector.broadcast %convert_element_type3A_101 : vector<256x1xf32> to vector<256x768xf32>
    %mul3A_108 = arith.mulf %get3A_106, %mul3A_107 : vector<256x768xf32>
    %convert_element_type3A_109 = arith.truncf %mul3A_108 : vector<256x768xf32> to vector<256x768xbf16>
    %dot_general3A_110 = arith.constant dense<0.000000e+00> : vector<256x256xf32>
    %dot_general3A_111 = tpu.matmul %convert_element_type3A_109, %convert_element_type3A, %dot_general3A_110 {dimension_numbers = #tpu.dot_dimension_numbers<[1], [0], [0], [1], [0, 0, 1, 1], [], []>, transpose_lhs_hint = false} : vector<256x768xbf16>, vector<768x256xbf16>, vector<256x256xf32> -> vector<256x256xf32>
    %get3A_112 = arith.constant 0 : index
    %get3A_113 = arith.constant 0 : index
    %get3A_114 = vector.load %arg4[%get3A_112, %get3A_113] : memref<1x256xf32, #tpu.memory_space<vmem>>, vector<1x256xf32>
    %add3A_115 = vector.broadcast %get3A_114 : vector<1x256xf32> to vector<256x256xf32>
    %add3A_116 = arith.addf %dot_general3A_111, %add3A_115 : vector<256x256xf32>
    %get3A_117 = arith.constant 1 : index
    %get3A_118 = arith.constant 0 : index
    %get3A_119 = arith.constant 0 : index
    %get3A_120 = vector.load %arg2[%get3A_117, %get3A_118, %get3A_119] : memref<8x256x768xf32, #tpu.memory_space<vmem>>, vector<1x256x768xf32>
    %get3A_121 = vector.shape_cast %get3A_120 : vector<1x256x768xf32> to vector<256x768xf32>
    %mul3A_122 = vector.broadcast %convert_element_type3A_101 : vector<256x1xf32> to vector<256x768xf32>
    %mul3A_123 = arith.mulf %get3A_121, %mul3A_122 : vector<256x768xf32>
    %convert_element_type3A_124 = arith.truncf %mul3A_123 : vector<256x768xf32> to vector<256x768xbf16>
    %dot_general3A_125 = arith.constant dense<0.000000e+00> : vector<256x256xf32>
    %dot_general3A_126 = tpu.matmul %convert_element_type3A_124, %convert_element_type3A_5, %dot_general3A_125 {dimension_numbers = #tpu.dot_dimension_numbers<[1], [0], [0], [1], [0, 0, 1, 1], [], []>, transpose_lhs_hint = false} : vector<256x768xbf16>, vector<768x256xbf16>, vector<256x256xf32> -> vector<256x256xf32>
    %get3A_127 = arith.constant 0 : index
    %get3A_128 = arith.constant 0 : index
    %get3A_129 = vector.load %arg6[%get3A_127, %get3A_128] : memref<1x256xf32, #tpu.memory_space<vmem>>, vector<1x256xf32>
    %add3A_130 = vector.broadcast %get3A_129 : vector<1x256xf32> to vector<256x256xf32>
    %add3A_131 = arith.addf %dot_general3A_126, %add3A_130 : vector<256x256xf32>
    %convert_element_type3A_132 = arith.truncf %add3A_116 : vector<256x256xf32> to vector<256x256xbf16>
    %convert_element_type3A_133 = arith.truncf %add3A_131 : vector<256x256xf32> to vector<256x256xbf16>
    %dot_general3A_134 = arith.constant dense<0.000000e+00> : vector<256x256xf32>
    %dot_general3A_135 = tpu.matmul %convert_element_type3A_132, %convert_element_type3A_132, %dot_general3A_134 {dimension_numbers = #tpu.dot_dimension_numbers<[1], [1], [0], [0], [0, 0, 1, 0], [], []>, transpose_lhs_hint = false} : vector<256x256xbf16>, vector<256x256xbf16>, vector<256x256xf32> -> vector<256x256xf32>
    %dot_general3A_136 = arith.constant dense<0.000000e+00> : vector<256x256xf32>
    %dot_general3A_137 = tpu.matmul %convert_element_type3A_133, %convert_element_type3A_132, %dot_general3A_136 {dimension_numbers = #tpu.dot_dimension_numbers<[1], [1], [0], [0], [0, 0, 1, 0], [], []>, transpose_lhs_hint = false} : vector<256x256xbf16>, vector<256x256xbf16>, vector<256x256xf32> -> vector<256x256xf32>
    %jit3A_138 = arith.constant 0.000000e+00 : f32
    %broadcast_in_dim3A_139 = vector.broadcast %jit3A_138 : f32 to vector<256x256xf32>
    %select_n3A_140 = arith.select %eq3A, %dot_general3A_135, %broadcast_in_dim3A_139 : vector<256x256xi1>, vector<256x256xf32>
    %reduce_sum3A_141 = arith.constant dense<0.000000e+00> : vector<256xf32>
    %reduce_sum3A_142 = vector.multi_reduction <add>, %select_n3A_140, %reduce_sum3A_141 [1] : vector<256x256xf32> to vector<256xf32>
    %broadcast_in_dim3A_143 = vector.shape_cast %reduce_sum3A_142 : vector<256xf32> to vector<256x1xf32>
    %jit3A_144 = arith.constant 0.000000e+00 : f32
    %broadcast_in_dim3A_145 = vector.broadcast %jit3A_144 : f32 to vector<256x256xf32>
    %select_n3A_146 = arith.select %eq3A, %dot_general3A_135, %broadcast_in_dim3A_145 : vector<256x256xi1>, vector<256x256xf32>
    %reduce_sum3A_147 = arith.constant dense<0.000000e+00> : vector<256xf32>
    %reduce_sum3A_148 = vector.multi_reduction <add>, %select_n3A_146, %reduce_sum3A_147 [0] : vector<256x256xf32> to vector<256xf32>
    %broadcast_in_dim3A_149 = vector.shape_cast %reduce_sum3A_148 : vector<256xf32> to vector<1x256xf32>
    %add3A_150 = vector.broadcast %broadcast_in_dim3A_143 : vector<256x1xf32> to vector<256x256xf32>
    %add3A_151 = vector.broadcast %broadcast_in_dim3A_149 : vector<1x256xf32> to vector<256x256xf32>
    %add3A_152 = arith.addf %add3A_150, %add3A_151 : vector<256x256xf32>
    %mul3A_153 = arith.constant 2.000000e+00 : f32
    %mul3A_154 = vector.broadcast %mul3A_153 : f32 to vector<256x256xf32>
    %mul3A_155 = arith.mulf %mul3A_154, %dot_general3A_135 : vector<256x256xf32>
    %sub3A_156 = arith.subf %add3A_152, %mul3A_155 : vector<256x256xf32>
    %mul3A_157 = arith.mulf %add3A_131, %add3A_131 : vector<256x256xf32>
    %reduce_sum3A_158 = arith.constant dense<0.000000e+00> : vector<256xf32>
    %reduce_sum3A_159 = vector.multi_reduction <add>, %mul3A_157, %reduce_sum3A_158 [1] : vector<256x256xf32> to vector<256xf32>
    %broadcast_in_dim3A_160 = vector.shape_cast %reduce_sum3A_159 : vector<256xf32> to vector<256x1xf32>
    %mul3A_161 = vector.broadcast %broadcast_in_dim3A_160 : vector<256x1xf32> to vector<256x256xf32>
    %mul3A_162 = vector.broadcast %broadcast_in_dim3A_149 : vector<1x256xf32> to vector<256x256xf32>
    %mul3A_163 = arith.mulf %mul3A_161, %mul3A_162 : vector<256x256xf32>
    %sqrt3A_164 = math.sqrt %mul3A_163 : vector<256x256xf32>
    %max3A_165 = arith.constant 9.99999993E-9 : f32
    %max3A_166 = vector.broadcast %max3A_165 : f32 to vector<256x256xf32>
    %max3A_167 = arith.maximumf %sqrt3A_164, %max3A_166 : vector<256x256xf32>
    %mul3A_168 = arith.constant 1.000000e-01 : f32
    %mul3A_169 = vector.broadcast %mul3A_168 : f32 to vector<256x256xf32>
    %mul3A_170 = arith.mulf %max3A_167, %mul3A_169 : vector<256x256xf32>
    %div3A_171 = arith.divf %dot_general3A_137, %mul3A_170 : vector<256x256xf32>
    %jit3A_172 = arith.constant 0.000000e+00 : f32
    %broadcast_in_dim3A_173 = vector.broadcast %jit3A_172 : f32 to vector<256x256xf32>
    %select_n3A_174 = arith.select %eq3A, %div3A_171, %broadcast_in_dim3A_173 : vector<256x256xi1>, vector<256x256xf32>
    %reduce_sum3A_175 = arith.constant dense<0.000000e+00> : vector<256xf32>
    %reduce_sum3A_176 = vector.multi_reduction <add>, %select_n3A_174, %reduce_sum3A_175 [0] : vector<256x256xf32> to vector<256xf32>
    %broadcast_in_dim3A_177 = vector.shape_cast %reduce_sum3A_176 : vector<256xf32> to vector<1x256xf32>
    %reshape3A_178 = vector.shape_cast %broadcast_in_dim3A_177 : vector<1x256xf32> to vector<2x128xf32>
    %swap3A_179 = arith.constant 2 : index
    %swap3A_180 = arith.constant 0 : index
    %swap3A_181 = vector.load %arg8[%swap3A_179, %swap3A_180] : memref<16x128xf32, #tpu.memory_space<vmem>>, vector<2x128xf32>
    tpu.vector_store %arg8[%swap3A_179, %swap3A_180], %reshape3A_178 {strides = array<i32>} : memref<16x128xf32, #tpu.memory_space<vmem>>, vector<2x128xf32>,
    %eq3A_182 = arith.constant 0.000000e+00 : f32
    %eq3A_183 = vector.broadcast %eq3A_182 : f32 to vector<256x256xf32>
    %eq3A_184 = arith.cmpf oeq, %sub3A_156, %eq3A_183 : vector<256x256xf32>
    %jit3A_185 = arith.constant 0xFF800000 : f32
    %broadcast_in_dim3A_186 = vector.broadcast %jit3A_185 : f32 to vector<256x256xf32>
    %select_n3A_187 = arith.select %eq3A_184, %broadcast_in_dim3A_186, %div3A_171 : vector<256x256xi1>, vector<256x256xf32>
    %reshape3A_188 = vector.shape_cast %select_n3A_187 : vector<256x256xf32> to vector<512x128xf32>
    %swap3A_189 = arith.constant 512 : index
    %swap3A_190 = arith.constant 0 : index
    %swap3A_191 = vector.load %arg7[%swap3A_189, %swap3A_190] : memref<4096x128xf32, #tpu.memory_space<vmem>>, vector<512x128xf32>
    tpu.vector_store %arg7[%swap3A_189, %swap3A_190], %reshape3A_188 {strides = array<i32>} : memref<4096x128xf32, #tpu.memory_space<vmem>>, vector<512x128xf32>,
    %get3A_192 = arith.constant 2 : index
    %get3A_193 = arith.constant 0 : index
    %get3A_194 = arith.constant 0 : index
    %get3A_195 = vector.load %arg1[%get3A_192, %get3A_193, %get3A_194] : memref<8x256x1xi32, #tpu.memory_space<vmem>>, vector<1x256x1xi32>
    %get3A_196 = vector.shape_cast %get3A_195 : vector<1x256x1xi32> to vector<256x1xi32>
    %get3A_197 = arith.constant dense<0> : vector<256x1xi32>
    %get3A_198 = arith.cmpi ne, %get3A_196, %get3A_197 : vector<256x1xi32>
    %convert_element_type3A_199 = arith.extui %get3A_198 : vector<256x1xi1> to vector<256x1xi32>
    %convert_element_type3A_200 = arith.sitofp %convert_element_type3A_199 : vector<256x1xi32> to vector<256x1xf32>
    %get3A_201 = arith.constant 2 : index
    %get3A_202 = arith.constant 0 : index
    %get3A_203 = arith.constant 0 : index
    %get3A_204 = vector.load %arg0[%get3A_201, %get3A_202, %get3A_203] : memref<8x256x768xf32, #tpu.memory_space<vmem>>, vector<1x256x768xf32>
    %get3A_205 = vector.shape_cast %get3A_204 : vector<1x256x768xf32> to vector<256x768xf32>
    %mul3A_206 = vector.broadcast %convert_element_type3A_200 : vector<256x1xf32> to vector<256x768xf32>
    %mul3A_207 = arith.mulf %get3A_205, %mul3A_206 : vector<256x768xf32>
    %convert_element_type3A_208 = arith.truncf %mul3A_207 : vector<256x768xf32> to vector<256x768xbf16>
    %dot_general3A_209 = arith.constant dense<0.000000e+00> : vector<256x256xf32>
    %dot_general3A_210 = tpu.matmul %convert_element_type3A_208, %convert_element_type3A, %dot_general3A_209 {dimension_numbers = #tpu.dot_dimension_numbers<[1], [0], [0], [1], [0, 0, 1, 1], [], []>, transpose_lhs_hint = false} : vector<256x768xbf16>, vector<768x256xbf16>, vector<256x256xf32> -> vector<256x256xf32>
    %get3A_211 = arith.constant 0 : index
    %get3A_212 = arith.constant 0 : index
    %get3A_213 = vector.load %arg4[%get3A_211, %get3A_212] : memref<1x256xf32, #tpu.memory_space<vmem>>, vector<1x256xf32>
    %add3A_214 = vector.broadcast %get3A_213 : vector<1x256xf32> to vector<256x256xf32>
    %add3A_215 = arith.addf %dot_general3A_210, %add3A_214 : vector<256x256xf32>
    %get3A_216 = arith.constant 2 : index
    %get3A_217 = arith.constant 0 : index
    %get3A_218 = arith.constant 0 : index
    %get3A_219 = vector.load %arg2[%get3A_216, %get3A_217, %get3A_218] : memref<8x256x768xf32, #tpu.memory_space<vmem>>, vector<1x256x768xf32>
    %get3A_220 = vector.shape_cast %get3A_219 : vector<1x256x768xf32> to vector<256x768xf32>
    %mul3A_221 = vector.broadcast %convert_element_type3A_200 : vector<256x1xf32> to vector<256x768xf32>
    %mul3A_222 = arith.mulf %get3A_220, %mul3A_221 : vector<256x768xf32>
    %convert_element_type3A_223 = arith.truncf %mul3A_222 : vector<256x768xf32> to vector<256x768xbf16>
    %dot_general3A_224 = arith.constant dense<0.000000e+00> : vector<256x256xf32>
    %dot_general3A_225 = tpu.matmul %convert_element_type3A_223, %convert_element_type3A_5, %dot_general3A_224 {dimension_numbers = #tpu.dot_dimension_numbers<[1], [0], [0], [1], [0, 0, 1, 1], [], []>, transpose_lhs_hint = false} : vector<256x768xbf16>, vector<768x256xbf16>, vector<256x256xf32> -> vector<256x256xf32>
    %get3A_226 = arith.constant 0 : index
    %get3A_227 = arith.constant 0 : index
    %get3A_228 = vector.load %arg6[%get3A_226, %get3A_227] : memref<1x256xf32, #tpu.memory_space<vmem>>, vector<1x256xf32>
    %add3A_229 = vector.broadcast %get3A_228 : vector<1x256xf32> to vector<256x256xf32>
    %add3A_230 = arith.addf %dot_general3A_225, %add3A_229 : vector<256x256xf32>
    %convert_element_type3A_231 = arith.truncf %add3A_215 : vector<256x256xf32> to vector<256x256xbf16>
    %convert_element_type3A_232 = arith.truncf %add3A_230 : vector<256x256xf32> to vector<256x256xbf16>
    %dot_general3A_233 = arith.constant dense<0.000000e+00> : vector<256x256xf32>
    %dot_general3A_234 = tpu.matmul %convert_element_type3A_231, %convert_element_type3A_231, %dot_general3A_233 {dimension_numbers = #tpu.dot_dimension_numbers<[1], [1], [0], [0], [0, 0, 1, 0], [], []>, transpose_lhs_hint = false} : vector<256x256xbf16>, vector<256x256xbf16>, vector<256x256xf32> -> vector<256x256xf32>
    %dot_general3A_235 = arith.constant dense<0.000000e+00> : vector<256x256xf32>
    %dot_general3A_236 = tpu.matmul %convert_element_type3A_232, %convert_element_type3A_231, %dot_general3A_235 {dimension_numbers = #tpu.dot_dimension_numbers<[1], [1], [0], [0], [0, 0, 1, 0], [], []>, transpose_lhs_hint = false} : vector<256x256xbf16>, vector<256x256xbf16>, vector<256x256xf32> -> vector<256x256xf32>
    %jit3A_237 = arith.constant 0.000000e+00 : f32
    %broadcast_in_dim3A_238 = vector.broadcast %jit3A_237 : f32 to vector<256x256xf32>
    %select_n3A_239 = arith.select %eq3A, %dot_general3A_234, %broadcast_in_dim3A_238 : vector<256x256xi1>, vector<256x256xf32>
    %reduce_sum3A_240 = arith.constant dense<0.000000e+00> : vector<256xf32>
    %reduce_sum3A_241 = vector.multi_reduction <add>, %select_n3A_239, %reduce_sum3A_240 [1] : vector<256x256xf32> to vector<256xf32>
    %broadcast_in_dim3A_242 = vector.shape_cast %reduce_sum3A_241 : vector<256xf32> to vector<256x1xf32>
    %jit3A_243 = arith.constant 0.000000e+00 : f32
    %broadcast_in_dim3A_244 = vector.broadcast %jit3A_243 : f32 to vector<256x256xf32>
    %select_n3A_245 = arith.select %eq3A, %dot_general3A_234, %broadcast_in_dim3A_244 : vector<256x256xi1>, vector<256x256xf32>
    %reduce_sum3A_246 = arith.constant dense<0.000000e+00> : vector<256xf32>
    %reduce_sum3A_247 = vector.multi_reduction <add>, %select_n3A_245, %reduce_sum3A_246 [0] : vector<256x256xf32> to vector<256xf32>
    %broadcast_in_dim3A_248 = vector.shape_cast %reduce_sum3A_247 : vector<256xf32> to vector<1x256xf32>
    %add3A_249 = vector.broadcast %broadcast_in_dim3A_242 : vector<256x1xf32> to vector<256x256xf32>
    %add3A_250 = vector.broadcast %broadcast_in_dim3A_248 : vector<1x256xf32> to vector<256x256xf32>
    %add3A_251 = arith.addf %add3A_249, %add3A_250 : vector<256x256xf32>
    %mul3A_252 = arith.constant 2.000000e+00 : f32
    %mul3A_253 = vector.broadcast %mul3A_252 : f32 to vector<256x256xf32>
    %mul3A_254 = arith.mulf %mul3A_253, %dot_general3A_234 : vector<256x256xf32>
    %sub3A_255 = arith.subf %add3A_251, %mul3A_254 : vector<256x256xf32>
    %mul3A_256 = arith.mulf %add3A_230, %add3A_230 : vector<256x256xf32>
    %reduce_sum3A_257 = arith.constant dense<0.000000e+00> : vector<256xf32>
    %reduce_sum3A_258 = vector.multi_reduction <add>, %mul3A_256, %reduce_sum3A_257 [1] : vector<256x256xf32> to vector<256xf32>
    %broadcast_in_dim3A_259 = vector.shape_cast %reduce_sum3A_258 : vector<256xf32> to vector<256x1xf32>
    %mul3A_260 = vector.broadcast %broadcast_in_dim3A_259 : vector<256x1xf32> to vector<256x256xf32>
    %mul3A_261 = vector.broadcast %broadcast_in_dim3A_248 : vector<1x256xf32> to vector<256x256xf32>
    %mul3A_262 = arith.mulf %mul3A_260, %mul3A_261 : vector<256x256xf32>
    %sqrt3A_263 = math.sqrt %mul3A_262 : vector<256x256xf32>
    %max3A_264 = arith.constant 9.99999993E-9 : f32
    %max3A_265 = vector.broadcast %max3A_264 : f32 to vector<256x256xf32>
    %max3A_266 = arith.maximumf %sqrt3A_263, %max3A_265 : vector<256x256xf32>
    %mul3A_267 = arith.constant 1.000000e-01 : f32
    %mul3A_268 = vector.broadcast %mul3A_267 : f32 to vector<256x256xf32>
    %mul3A_269 = arith.mulf %max3A_266, %mul3A_268 : vector<256x256xf32>
    %div3A_270 = arith.divf %dot_general3A_236, %mul3A_269 : vector<256x256xf32>
    %jit3A_271 = arith.constant 0.000000e+00 : f32
    %broadcast_in_dim3A_272 = vector.broadcast %jit3A_271 : f32 to vector<256x256xf32>
    %select_n3A_273 = arith.select %eq3A, %div3A_270, %broadcast_in_dim3A_272 : vector<256x256xi1>, vector<256x256xf32>
    %reduce_sum3A_274 = arith.constant dense<0.000000e+00> : vector<256xf32>
    %reduce_sum3A_275 = vector.multi_reduction <add>, %select_n3A_273, %reduce_sum3A_274 [0] : vector<256x256xf32> to vector<256xf32>
    %broadcast_in_dim3A_276 = vector.shape_cast %reduce_sum3A_275 : vector<256xf32> to vector<1x256xf32>
    %reshape3A_277 = vector.shape_cast %broadcast_in_dim3A_276 : vector<1x256xf32> to vector<2x128xf32>
    %swap3A_278 = arith.constant 4 : index
    %swap3A_279 = arith.constant 0 : index
    %swap3A_280 = vector.load %arg8[%swap3A_278, %swap3A_279] : memref<16x128xf32, #tpu.memory_space<vmem>>, vector<2x128xf32>
    tpu.vector_store %arg8[%swap3A_278, %swap3A_279], %reshape3A_277 {strides = array<i32>} : memref<16x128xf32, #tpu.memory_space<vmem>>, vector<2x128xf32>,
    %eq3A_281 = arith.constant 0.000000e+00 : f32
    %eq3A_282 = vector.broadcast %eq3A_281 : f32 to vector<256x256xf32>
    %eq3A_283 = arith.cmpf oeq, %sub3A_255, %eq3A_282 : vector<256x256xf32>
    %jit3A_284 = arith.constant 0xFF800000 : f32
    %broadcast_in_dim3A_285 = vector.broadcast %jit3A_284 : f32 to vector<256x256xf32>
    %select_n3A_286 = arith.select %eq3A_283, %broadcast_in_dim3A_285, %div3A_270 : vector<256x256xi1>, vector<256x256xf32>
    %reshape3A_287 = vector.shape_cast %select_n3A_286 : vector<256x256xf32> to vector<512x128xf32>
    %swap3A_288 = arith.constant 1024 : index
    %swap3A_289 = arith.constant 0 : index
    %swap3A_290 = vector.load %arg7[%swap3A_288, %swap3A_289] : memref<4096x128xf32, #tpu.memory_space<vmem>>, vector<512x128xf32>
    tpu.vector_store %arg7[%swap3A_288, %swap3A_289], %reshape3A_287 {strides = array<i32>} : memref<4096x128xf32, #tpu.memory_space<vmem>>, vector<512x128xf32>,
    %get3A_291 = arith.constant 3 : index
    %get3A_292 = arith.constant 0 : index
    %get3A_293 = arith.constant 0 : index
    %get3A_294 = vector.load %arg1[%get3A_291, %get3A_292, %get3A_293] : memref<8x256x1xi32, #tpu.memory_space<vmem>>, vector<1x256x1xi32>
    %get3A_295 = vector.shape_cast %get3A_294 : vector<1x256x1xi32> to vector<256x1xi32>
    %get3A_296 = arith.constant dense<0> : vector<256x1xi32>
    %get3A_297 = arith.cmpi ne, %get3A_295, %get3A_296 : vector<256x1xi32>
    %convert_element_type3A_298 = arith.extui %get3A_297 : vector<256x1xi1> to vector<256x1xi32>
    %convert_element_type3A_299 = arith.sitofp %convert_element_type3A_298 : vector<256x1xi32> to vector<256x1xf32>
    %get3A_300 = arith.constant 3 : index
    %get3A_301 = arith.constant 0 : index
    %get3A_302 = arith.constant 0 : index
    %get3A_303 = vector.load %arg0[%get3A_300, %get3A_301, %get3A_302] : memref<8x256x768xf32, #tpu.memory_space<vmem>>, vector<1x256x768xf32>
    %get3A_304 = vector.shape_cast %get3A_303 : vector<1x256x768xf32> to vector<256x768xf32>
    %mul3A_305 = vector.broadcast %convert_element_type3A_299 : vector<256x1xf32> to vector<256x768xf32>
    %mul3A_306 = arith.mulf %get3A_304, %mul3A_305 : vector<256x768xf32>
    %convert_element_type3A_307 = arith.truncf %mul3A_306 : vector<256x768xf32> to vector<256x768xbf16>
    %dot_general3A_308 = arith.constant dense<0.000000e+00> : vector<256x256xf32>
    %dot_general3A_309 = tpu.matmul %convert_element_type3A_307, %convert_element_type3A, %dot_general3A_308 {dimension_numbers = #tpu.dot_dimension_numbers<[1], [0], [0], [1], [0, 0, 1, 1], [], []>, transpose_lhs_hint = false} : vector<256x768xbf16>, vector<768x256xbf16>, vector<256x256xf32> -> vector<256x256xf32>
    %get3A_310 = arith.constant 0 : index
    %get3A_311 = arith.constant 0 : index
    %get3A_312 = vector.load %arg4[%get3A_310, %get3A_311] : memref<1x256xf32, #tpu.memory_space<vmem>>, vector<1x256xf32>
    %add3A_313 = vector.broadcast %get3A_312 : vector<1x256xf32> to vector<256x256xf32>
    %add3A_314 = arith.addf %dot_general3A_309, %add3A_313 : vector<256x256xf32>
    %get3A_315 = arith.constant 3 : index
    %get3A_316 = arith.constant 0 : index
    %get3A_317 = arith.constant 0 : index
    %get3A_318 = vector.load %arg2[%get3A_315, %get3A_316, %get3A_317] : memref<8x256x768xf32, #tpu.memory_space<vmem>>, vector<1x256x768xf32>
    %get3A_319 = vector.shape_cast %get3A_318 : vector<1x256x768xf32> to vector<256x768xf32>
    %mul3A_320 = vector.broadcast %convert_element_type3A_299 : vector<256x1xf32> to vector<256x768xf32>
    %mul3A_321 = arith.mulf %get3A_319, %mul3A_320 : vector<256x768xf32>
    %convert_element_type3A_322 = arith.truncf %mul3A_321 : vector<256x768xf32> to vector<256x768xbf16>
    %dot_general3A_323 = arith.constant dense<0.000000e+00> : vector<256x256xf32>
    %dot_general3A_324 = tpu.matmul %convert_element_type3A_322, %convert_element_type3A_5, %dot_general3A_323 {dimension_numbers = #tpu.dot_dimension_numbers<[1], [0], [0], [1], [0, 0, 1, 1], [], []>, transpose_lhs_hint = false} : vector<256x768xbf16>, vector<768x256xbf16>, vector<256x256xf32> -> vector<256x256xf32>
    %get3A_325 = arith.constant 0 : index
    %get3A_326 = arith.constant 0 : index
    %get3A_327 = vector.load %arg6[%get3A_325, %get3A_326] : memref<1x256xf32, #tpu.memory_space<vmem>>, vector<1x256xf32>
    %add3A_328 = vector.broadcast %get3A_327 : vector<1x256xf32> to vector<256x256xf32>
    %add3A_329 = arith.addf %dot_general3A_324, %add3A_328 : vector<256x256xf32>
    %convert_element_type3A_330 = arith.truncf %add3A_314 : vector<256x256xf32> to vector<256x256xbf16>
    %convert_element_type3A_331 = arith.truncf %add3A_329 : vector<256x256xf32> to vector<256x256xbf16>
    %dot_general3A_332 = arith.constant dense<0.000000e+00> : vector<256x256xf32>
    %dot_general3A_333 = tpu.matmul %convert_element_type3A_330, %convert_element_type3A_330, %dot_general3A_332 {dimension_numbers = #tpu.dot_dimension_numbers<[1], [1], [0], [0], [0, 0, 1, 0], [], []>, transpose_lhs_hint = false} : vector<256x256xbf16>, vector<256x256xbf16>, vector<256x256xf32> -> vector<256x256xf32>
    %dot_general3A_334 = arith.constant dense<0.000000e+00> : vector<256x256xf32>
    %dot_general3A_335 = tpu.matmul %convert_element_type3A_331, %convert_element_type3A_330, %dot_general3A_334 {dimension_numbers = #tpu.dot_dimension_numbers<[1], [1], [0], [0], [0, 0, 1, 0], [], []>, transpose_lhs_hint = false} : vector<256x256xbf16>, vector<256x256xbf16>, vector<256x256xf32> -> vector<256x256xf32>
    %jit3A_336 = arith.constant 0.000000e+00 : f32
    %broadcast_in_dim3A_337 = vector.broadcast %jit3A_336 : f32 to vector<256x256xf32>
    %select_n3A_338 = arith.select %eq3A, %dot_general3A_333, %broadcast_in_dim3A_337 : vector<256x256xi1>, vector<256x256xf32>
    %reduce_sum3A_339 = arith.constant dense<0.000000e+00> : vector<256xf32>
    %reduce_sum3A_340 = vector.multi_reduction <add>, %select_n3A_338, %reduce_sum3A_339 [1] : vector<256x256xf32> to vector<256xf32>
    %broadcast_in_dim3A_341 = vector.shape_cast %reduce_sum3A_340 : vector<256xf32> to vector<256x1xf32>
    %jit3A_342 = arith.constant 0.000000e+00 : f32
    %broadcast_in_dim3A_343 = vector.broadcast %jit3A_342 : f32 to vector<256x256xf32>
    %select_n3A_344 = arith.select %eq3A, %dot_general3A_333, %broadcast_in_dim3A_343 : vector<256x256xi1>, vector<256x256xf32>
    %reduce_sum3A_345 = arith.constant dense<0.000000e+00> : vector<256xf32>
    %reduce_sum3A_346 = vector.multi_reduction <add>, %select_n3A_344, %reduce_sum3A_345 [0] : vector<256x256xf32> to vector<256xf32>
    %broadcast_in_dim3A_347 = vector.shape_cast %reduce_sum3A_346 : vector<256xf32> to vector<1x256xf32>
    %add3A_348 = vector.broadcast %broadcast_in_dim3A_341 : vector<256x1xf32> to vector<256x256xf32>
    %add3A_349 = vector.broadcast %broadcast_in_dim3A_347 : vector<1x256xf32> to vector<256x256xf32>
    %add3A_350 = arith.addf %add3A_348, %add3A_349 : vector<256x256xf32>
    %mul3A_351 = arith.constant 2.000000e+00 : f32
    %mul3A_352 = vector.broadcast %mul3A_351 : f32 to vector<256x256xf32>
    %mul3A_353 = arith.mulf %mul3A_352, %dot_general3A_333 : vector<256x256xf32>
    %sub3A_354 = arith.subf %add3A_350, %mul3A_353 : vector<256x256xf32>
    %mul3A_355 = arith.mulf %add3A_329, %add3A_329 : vector<256x256xf32>
    %reduce_sum3A_356 = arith.constant dense<0.000000e+00> : vector<256xf32>
    %reduce_sum3A_357 = vector.multi_reduction <add>, %mul3A_355, %reduce_sum3A_356 [1] : vector<256x256xf32> to vector<256xf32>
    %broadcast_in_dim3A_358 = vector.shape_cast %reduce_sum3A_357 : vector<256xf32> to vector<256x1xf32>
    %mul3A_359 = vector.broadcast %broadcast_in_dim3A_358 : vector<256x1xf32> to vector<256x256xf32>
    %mul3A_360 = vector.broadcast %broadcast_in_dim3A_347 : vector<1x256xf32> to vector<256x256xf32>
    %mul3A_361 = arith.mulf %mul3A_359, %mul3A_360 : vector<256x256xf32>
    %sqrt3A_362 = math.sqrt %mul3A_361 : vector<256x256xf32>
    %max3A_363 = arith.constant 9.99999993E-9 : f32
    %max3A_364 = vector.broadcast %max3A_363 : f32 to vector<256x256xf32>
    %max3A_365 = arith.maximumf %sqrt3A_362, %max3A_364 : vector<256x256xf32>
    %mul3A_366 = arith.constant 1.000000e-01 : f32
    %mul3A_367 = vector.broadcast %mul3A_366 : f32 to vector<256x256xf32>
    %mul3A_368 = arith.mulf %max3A_365, %mul3A_367 : vector<256x256xf32>
    %div3A_369 = arith.divf %dot_general3A_335, %mul3A_368 : vector<256x256xf32>
    %jit3A_370 = arith.constant 0.000000e+00 : f32
    %broadcast_in_dim3A_371 = vector.broadcast %jit3A_370 : f32 to vector<256x256xf32>
    %select_n3A_372 = arith.select %eq3A, %div3A_369, %broadcast_in_dim3A_371 : vector<256x256xi1>, vector<256x256xf32>
    %reduce_sum3A_373 = arith.constant dense<0.000000e+00> : vector<256xf32>
    %reduce_sum3A_374 = vector.multi_reduction <add>, %select_n3A_372, %reduce_sum3A_373 [0] : vector<256x256xf32> to vector<256xf32>
    %broadcast_in_dim3A_375 = vector.shape_cast %reduce_sum3A_374 : vector<256xf32> to vector<1x256xf32>
    %reshape3A_376 = vector.shape_cast %broadcast_in_dim3A_375 : vector<1x256xf32> to vector<2x128xf32>
    %swap3A_377 = arith.constant 6 : index
    %swap3A_378 = arith.constant 0 : index
    %swap3A_379 = vector.load %arg8[%swap3A_377, %swap3A_378] : memref<16x128xf32, #tpu.memory_space<vmem>>, vector<2x128xf32>
    tpu.vector_store %arg8[%swap3A_377, %swap3A_378], %reshape3A_376 {strides = array<i32>} : memref<16x128xf32, #tpu.memory_space<vmem>>, vector<2x128xf32>,
    %eq3A_380 = arith.constant 0.000000e+00 : f32
    %eq3A_381 = vector.broadcast %eq3A_380 : f32 to vector<256x256xf32>
    %eq3A_382 = arith.cmpf oeq, %sub3A_354, %eq3A_381 : vector<256x256xf32>
    %jit3A_383 = arith.constant 0xFF800000 : f32
    %broadcast_in_dim3A_384 = vector.broadcast %jit3A_383 : f32 to vector<256x256xf32>
    %select_n3A_385 = arith.select %eq3A_382, %broadcast_in_dim3A_384, %div3A_369 : vector<256x256xi1>, vector<256x256xf32>
    %reshape3A_386 = vector.shape_cast %select_n3A_385 : vector<256x256xf32> to vector<512x128xf32>
    %swap3A_387 = arith.constant 1536 : index
    %swap3A_388 = arith.constant 0 : index
    %swap3A_389 = vector.load %arg7[%swap3A_387, %swap3A_388] : memref<4096x128xf32, #tpu.memory_space<vmem>>, vector<512x128xf32>
    tpu.vector_store %arg7[%swap3A_387, %swap3A_388], %reshape3A_386 {strides = array<i32>} : memref<4096x128xf32, #tpu.memory_space<vmem>>, vector<512x128xf32>,
    %get3A_390 = arith.constant 4 : index
    %get3A_391 = arith.constant 0 : index
    %get3A_392 = arith.constant 0 : index
    %get3A_393 = vector.load %arg1[%get3A_390, %get3A_391, %get3A_392] : memref<8x256x1xi32, #tpu.memory_space<vmem>>, vector<1x256x1xi32>
    %get3A_394 = vector.shape_cast %get3A_393 : vector<1x256x1xi32> to vector<256x1xi32>
    %get3A_395 = arith.constant dense<0> : vector<256x1xi32>
    %get3A_396 = arith.cmpi ne, %get3A_394, %get3A_395 : vector<256x1xi32>
    %convert_element_type3A_397 = arith.extui %get3A_396 : vector<256x1xi1> to vector<256x1xi32>
    %convert_element_type3A_398 = arith.sitofp %convert_element_type3A_397 : vector<256x1xi32> to vector<256x1xf32>
    %get3A_399 = arith.constant 4 : index
    %get3A_400 = arith.constant 0 : index
    %get3A_401 = arith.constant 0 : index
    %get3A_402 = vector.load %arg0[%get3A_399, %get3A_400, %get3A_401] : memref<8x256x768xf32, #tpu.memory_space<vmem>>, vector<1x256x768xf32>
    %get3A_403 = vector.shape_cast %get3A_402 : vector<1x256x768xf32> to vector<256x768xf32>
    %mul3A_404 = vector.broadcast %convert_element_type3A_398 : vector<256x1xf32> to vector<256x768xf32>
    %mul3A_405 = arith.mulf %get3A_403, %mul3A_404 : vector<256x768xf32>
    %convert_element_type3A_406 = arith.truncf %mul3A_405 : vector<256x768xf32> to vector<256x768xbf16>
    %dot_general3A_407 = arith.constant dense<0.000000e+00> : vector<256x256xf32>
    %dot_general3A_408 = tpu.matmul %convert_element_type3A_406, %convert_element_type3A, %dot_general3A_407 {dimension_numbers = #tpu.dot_dimension_numbers<[1], [0], [0], [1], [0, 0, 1, 1], [], []>, transpose_lhs_hint = false} : vector<256x768xbf16>, vector<768x256xbf16>, vector<256x256xf32> -> vector<256x256xf32>
    %get3A_409 = arith.constant 0 : index
    %get3A_410 = arith.constant 0 : index
    %get3A_411 = vector.load %arg4[%get3A_409, %get3A_410] : memref<1x256xf32, #tpu.memory_space<vmem>>, vector<1x256xf32>
    %add3A_412 = vector.broadcast %get3A_411 : vector<1x256xf32> to vector<256x256xf32>
    %add3A_413 = arith.addf %dot_general3A_408, %add3A_412 : vector<256x256xf32>
    %get3A_414 = arith.constant 4 : index
    %get3A_415 = arith.constant 0 : index
    %get3A_416 = arith.constant 0 : index
    %get3A_417 = vector.load %arg2[%get3A_414, %get3A_415, %get3A_416] : memref<8x256x768xf32, #tpu.memory_space<vmem>>, vector<1x256x768xf32>
    %get3A_418 = vector.shape_cast %get3A_417 : vector<1x256x768xf32> to vector<256x768xf32>
    %mul3A_419 = vector.broadcast %convert_element_type3A_398 : vector<256x1xf32> to vector<256x768xf32>
    %mul3A_420 = arith.mulf %get3A_418, %mul3A_419 : vector<256x768xf32>
    %convert_element_type3A_421 = arith.truncf %mul3A_420 : vector<256x768xf32> to vector<256x768xbf16>
    %dot_general3A_422 = arith.constant dense<0.000000e+00> : vector<256x256xf32>
    %dot_general3A_423 = tpu.matmul %convert_element_type3A_421, %convert_element_type3A_5, %dot_general3A_422 {dimension_numbers = #tpu.dot_dimension_numbers<[1], [0], [0], [1], [0, 0, 1, 1], [], []>, transpose_lhs_hint = false} : vector<256x768xbf16>, vector<768x256xbf16>, vector<256x256xf32> -> vector<256x256xf32>
    %get3A_424 = arith.constant 0 : index
    %get3A_425 = arith.constant 0 : index
    %get3A_426 = vector.load %arg6[%get3A_424, %get3A_425] : memref<1x256xf32, #tpu.memory_space<vmem>>, vector<1x256xf32>
    %add3A_427 = vector.broadcast %get3A_426 : vector<1x256xf32> to vector<256x256xf32>
    %add3A_428 = arith.addf %dot_general3A_423, %add3A_427 : vector<256x256xf32>
    %convert_element_type3A_429 = arith.truncf %add3A_413 : vector<256x256xf32> to vector<256x256xbf16>
    %convert_element_type3A_430 = arith.truncf %add3A_428 : vector<256x256xf32> to vector<256x256xbf16>
    %dot_general3A_431 = arith.constant dense<0.000000e+00> : vector<256x256xf32>
    %dot_general3A_432 = tpu.matmul %convert_element_type3A_429, %convert_element_type3A_429, %dot_general3A_431 {dimension_numbers = #tpu.dot_dimension_numbers<[1], [1], [0], [0], [0, 0, 1, 0], [], []>, transpose_lhs_hint = false} : vector<256x256xbf16>, vector<256x256xbf16>, vector<256x256xf32> -> vector<256x256xf32>
    %dot_general3A_433 = arith.constant dense<0.000000e+00> : vector<256x256xf32>
    %dot_general3A_434 = tpu.matmul %convert_element_type3A_430, %convert_element_type3A_429, %dot_general3A_433 {dimension_numbers = #tpu.dot_dimension_numbers<[1], [1], [0], [0], [0, 0, 1, 0], [], []>, transpose_lhs_hint = false} : vector<256x256xbf16>, vector<256x256xbf16>, vector<256x256xf32> -> vector<256x256xf32>
    %jit3A_435 = arith.constant 0.000000e+00 : f32
    %broadcast_in_dim3A_436 = vector.broadcast %jit3A_435 : f32 to vector<256x256xf32>
    %select_n3A_437 = arith.select %eq3A, %dot_general3A_432, %broadcast_in_dim3A_436 : vector<256x256xi1>, vector<256x256xf32>
    %reduce_sum3A_438 = arith.constant dense<0.000000e+00> : vector<256xf32>
    %reduce_sum3A_439 = vector.multi_reduction <add>, %select_n3A_437, %reduce_sum3A_438 [1] : vector<256x256xf32> to vector<256xf32>
    %broadcast_in_dim3A_440 = vector.shape_cast %reduce_sum3A_439 : vector<256xf32> to vector<256x1xf32>
    %jit3A_441 = arith.constant 0.000000e+00 : f32
    %broadcast_in_dim3A_442 = vector.broadcast %jit3A_441 : f32 to vector<256x256xf32>
    %select_n3A_443 = arith.select %eq3A, %dot_general3A_432, %broadcast_in_dim3A_442 : vector<256x256xi1>, vector<256x256xf32>
    %reduce_sum3A_444 = arith.constant dense<0.000000e+00> : vector<256xf32>
    %reduce_sum3A_445 = vector.multi_reduction <add>, %select_n3A_443, %reduce_sum3A_444 [0] : vector<256x256xf32> to vector<256xf32>
    %broadcast_in_dim3A_446 = vector.shape_cast %reduce_sum3A_445 : vector<256xf32> to vector<1x256xf32>
    %add3A_447 = vector.broadcast %broadcast_in_dim3A_440 : vector<256x1xf32> to vector<256x256xf32>
    %add3A_448 = vector.broadcast %broadcast_in_dim3A_446 : vector<1x256xf32> to vector<256x256xf32>
    %add3A_449 = arith.addf %add3A_447, %add3A_448 : vector<256x256xf32>
    %mul3A_450 = arith.constant 2.000000e+00 : f32
    %mul3A_451 = vector.broadcast %mul3A_450 : f32 to vector<256x256xf32>
    %mul3A_452 = arith.mulf %mul3A_451, %dot_general3A_432 : vector<256x256xf32>
    %sub3A_453 = arith.subf %add3A_449, %mul3A_452 : vector<256x256xf32>
    %mul3A_454 = arith.mulf %add3A_428, %add3A_428 : vector<256x256xf32>
    %reduce_sum3A_455 = arith.constant dense<0.000000e+00> : vector<256xf32>
    %reduce_sum3A_456 = vector.multi_reduction <add>, %mul3A_454, %reduce_sum3A_455 [1] : vector<256x256xf32> to vector<256xf32>
    %broadcast_in_dim3A_457 = vector.shape_cast %reduce_sum3A_456 : vector<256xf32> to vector<256x1xf32>
    %mul3A_458 = vector.broadcast %broadcast_in_dim3A_457 : vector<256x1xf32> to vector<256x256xf32>
    %mul3A_459 = vector.broadcast %broadcast_in_dim3A_446 : vector<1x256xf32> to vector<256x256xf32>
    %mul3A_460 = arith.mulf %mul3A_458, %mul3A_459 : vector<256x256xf32>
    %sqrt3A_461 = math.sqrt %mul3A_460 : vector<256x256xf32>
    %max3A_462 = arith.constant 9.99999993E-9 : f32
    %max3A_463 = vector.broadcast %max3A_462 : f32 to vector<256x256xf32>
    %max3A_464 = arith.maximumf %sqrt3A_461, %max3A_463 : vector<256x256xf32>
    %mul3A_465 = arith.constant 1.000000e-01 : f32
    %mul3A_466 = vector.broadcast %mul3A_465 : f32 to vector<256x256xf32>
    %mul3A_467 = arith.mulf %max3A_464, %mul3A_466 : vector<256x256xf32>
    %div3A_468 = arith.divf %dot_general3A_434, %mul3A_467 : vector<256x256xf32>
    %jit3A_469 = arith.constant 0.000000e+00 : f32
    %broadcast_in_dim3A_470 = vector.broadcast %jit3A_469 : f32 to vector<256x256xf32>
    %select_n3A_471 = arith.select %eq3A, %div3A_468, %broadcast_in_dim3A_470 : vector<256x256xi1>, vector<256x256xf32>
    %reduce_sum3A_472 = arith.constant dense<0.000000e+00> : vector<256xf32>
    %reduce_sum3A_473 = vector.multi_reduction <add>, %select_n3A_471, %reduce_sum3A_472 [0] : vector<256x256xf32> to vector<256xf32>
    %broadcast_in_dim3A_474 = vector.shape_cast %reduce_sum3A_473 : vector<256xf32> to vector<1x256xf32>
    %reshape3A_475 = vector.shape_cast %broadcast_in_dim3A_474 : vector<1x256xf32> to vector<2x128xf32>
    %swap3A_476 = arith.constant 8 : index
    %swap3A_477 = arith.constant 0 : index
    %swap3A_478 = vector.load %arg8[%swap3A_476, %swap3A_477] : memref<16x128xf32, #tpu.memory_space<vmem>>, vector<2x128xf32>
    tpu.vector_store %arg8[%swap3A_476, %swap3A_477], %reshape3A_475 {strides = array<i32>} : memref<16x128xf32, #tpu.memory_space<vmem>>, vector<2x128xf32>,
    %eq3A_479 = arith.constant 0.000000e+00 : f32
    %eq3A_480 = vector.broadcast %eq3A_479 : f32 to vector<256x256xf32>
    %eq3A_481 = arith.cmpf oeq, %sub3A_453, %eq3A_480 : vector<256x256xf32>
    %jit3A_482 = arith.constant 0xFF800000 : f32
    %broadcast_in_dim3A_483 = vector.broadcast %jit3A_482 : f32 to vector<256x256xf32>
    %select_n3A_484 = arith.select %eq3A_481, %broadcast_in_dim3A_483, %div3A_468 : vector<256x256xi1>, vector<256x256xf32>
    %reshape3A_485 = vector.shape_cast %select_n3A_484 : vector<256x256xf32> to vector<512x128xf32>
    %swap3A_486 = arith.constant 2048 : index
    %swap3A_487 = arith.constant 0 : index
    %swap3A_488 = vector.load %arg7[%swap3A_486, %swap3A_487] : memref<4096x128xf32, #tpu.memory_space<vmem>>, vector<512x128xf32>
    tpu.vector_store %arg7[%swap3A_486, %swap3A_487], %reshape3A_485 {strides = array<i32>} : memref<4096x128xf32, #tpu.memory_space<vmem>>, vector<512x128xf32>,
    %get3A_489 = arith.constant 5 : index
    %get3A_490 = arith.constant 0 : index
    %get3A_491 = arith.constant 0 : index
    %get3A_492 = vector.load %arg1[%get3A_489, %get3A_490, %get3A_491] : memref<8x256x1xi32, #tpu.memory_space<vmem>>, vector<1x256x1xi32>
    %get3A_493 = vector.shape_cast %get3A_492 : vector<1x256x1xi32> to vector<256x1xi32>
    %get3A_494 = arith.constant dense<0> : vector<256x1xi32>
    %get3A_495 = arith.cmpi ne, %get3A_493, %get3A_494 : vector<256x1xi32>
    %convert_element_type3A_496 = arith.extui %get3A_495 : vector<256x1xi1> to vector<256x1xi32>
    %convert_element_type3A_497 = arith.sitofp %convert_element_type3A_496 : vector<256x1xi32> to vector<256x1xf32>
    %get3A_498 = arith.constant 5 : index
    %get3A_499 = arith.constant 0 : index
    %get3A_500 = arith.constant 0 : index
    %get3A_501 = vector.load %arg0[%get3A_498, %get3A_499, %get3A_500] : memref<8x256x768xf32, #tpu.memory_space<vmem>>, vector<1x256x768xf32>
    %get3A_502 = vector.shape_cast %get3A_501 : vector<1x256x768xf32> to vector<256x768xf32>
    %mul3A_503 = vector.broadcast %convert_element_type3A_497 : vector<256x1xf32> to vector<256x768xf32>
    %mul3A_504 = arith.mulf %get3A_502, %mul3A_503 : vector<256x768xf32>
    %convert_element_type3A_505 = arith.truncf %mul3A_504 : vector<256x768xf32> to vector<256x768xbf16>
    %dot_general3A_506 = arith.constant dense<0.000000e+00> : vector<256x256xf32>
    %dot_general3A_507 = tpu.matmul %convert_element_type3A_505, %convert_element_type3A, %dot_general3A_506 {dimension_numbers = #tpu.dot_dimension_numbers<[1], [0], [0], [1], [0, 0, 1, 1], [], []>, transpose_lhs_hint = false} : vector<256x768xbf16>, vector<768x256xbf16>, vector<256x256xf32> -> vector<256x256xf32>
    %get3A_508 = arith.constant 0 : index
    %get3A_509 = arith.constant 0 : index
    %get3A_510 = vector.load %arg4[%get3A_508, %get3A_509] : memref<1x256xf32, #tpu.memory_space<vmem>>, vector<1x256xf32>
    %add3A_511 = vector.broadcast %get3A_510 : vector<1x256xf32> to vector<256x256xf32>
    %add3A_512 = arith.addf %dot_general3A_507, %add3A_511 : vector<256x256xf32>
    %get3A_513 = arith.constant 5 : index
    %get3A_514 = arith.constant 0 : index
    %get3A_515 = arith.constant 0 : index
    %get3A_516 = vector.load %arg2[%get3A_513, %get3A_514, %get3A_515] : memref<8x256x768xf32, #tpu.memory_space<vmem>>, vector<1x256x768xf32>
    %get3A_517 = vector.shape_cast %get3A_516 : vector<1x256x768xf32> to vector<256x768xf32>
    %mul3A_518 = vector.broadcast %convert_element_type3A_497 : vector<256x1xf32> to vector<256x768xf32>
    %mul3A_519 = arith.mulf %get3A_517, %mul3A_518 : vector<256x768xf32>
    %convert_element_type3A_520 = arith.truncf %mul3A_519 : vector<256x768xf32> to vector<256x768xbf16>
    %dot_general3A_521 = arith.constant dense<0.000000e+00> : vector<256x256xf32>
    %dot_general3A_522 = tpu.matmul %convert_element_type3A_520, %convert_element_type3A_5, %dot_general3A_521 {dimension_numbers = #tpu.dot_dimension_numbers<[1], [0], [0], [1], [0, 0, 1, 1], [], []>, transpose_lhs_hint = false} : vector<256x768xbf16>, vector<768x256xbf16>, vector<256x256xf32> -> vector<256x256xf32>
    %get3A_523 = arith.constant 0 : index
    %get3A_524 = arith.constant 0 : index
    %get3A_525 = vector.load %arg6[%get3A_523, %get3A_524] : memref<1x256xf32, #tpu.memory_space<vmem>>, vector<1x256xf32>
    %add3A_526 = vector.broadcast %get3A_525 : vector<1x256xf32> to vector<256x256xf32>
    %add3A_527 = arith.addf %dot_general3A_522, %add3A_526 : vector<256x256xf32>
    %convert_element_type3A_528 = arith.truncf %add3A_512 : vector<256x256xf32> to vector<256x256xbf16>
    %convert_element_type3A_529 = arith.truncf %add3A_527 : vector<256x256xf32> to vector<256x256xbf16>
    %dot_general3A_530 = arith.constant dense<0.000000e+00> : vector<256x256xf32>
    %dot_general3A_531 = tpu.matmul %convert_element_type3A_528, %convert_element_type3A_528, %dot_general3A_530 {dimension_numbers = #tpu.dot_dimension_numbers<[1], [1], [0], [0], [0, 0, 1, 0], [], []>, transpose_lhs_hint = false} : vector<256x256xbf16>, vector<256x256xbf16>, vector<256x256xf32> -> vector<256x256xf32>
    %dot_general3A_532 = arith.constant dense<0.000000e+00> : vector<256x256xf32>
    %dot_general3A_533 = tpu.matmul %convert_element_type3A_529, %convert_element_type3A_528, %dot_general3A_532 {dimension_numbers = #tpu.dot_dimension_numbers<[1], [1], [0], [0], [0, 0, 1, 0], [], []>, transpose_lhs_hint = false} : vector<256x256xbf16>, vector<256x256xbf16>, vector<256x256xf32> -> vector<256x256xf32>
    %jit3A_534 = arith.constant 0.000000e+00 : f32
    %broadcast_in_dim3A_535 = vector.broadcast %jit3A_534 : f32 to vector<256x256xf32>
    %select_n3A_536 = arith.select %eq3A, %dot_general3A_531, %broadcast_in_dim3A_535 : vector<256x256xi1>, vector<256x256xf32>
    %reduce_sum3A_537 = arith.constant dense<0.000000e+00> : vector<256xf32>
    %reduce_sum3A_538 = vector.multi_reduction <add>, %select_n3A_536, %reduce_sum3A_537 [1] : vector<256x256xf32> to vector<256xf32>
    %broadcast_in_dim3A_539 = vector.shape_cast %reduce_sum3A_538 : vector<256xf32> to vector<256x1xf32>
    %jit3A_540 = arith.constant 0.000000e+00 : f32
    %broadcast_in_dim3A_541 = vector.broadcast %jit3A_540 : f32 to vector<256x256xf32>
    %select_n3A_542 = arith.select %eq3A, %dot_general3A_531, %broadcast_in_dim3A_541 : vector<256x256xi1>, vector<256x256xf32>
    %reduce_sum3A_543 = arith.constant dense<0.000000e+00> : vector<256xf32>
    %reduce_sum3A_544 = vector.multi_reduction <add>, %select_n3A_542, %reduce_sum3A_543 [0] : vector<256x256xf32> to vector<256xf32>
    %broadcast_in_dim3A_545 = vector.shape_cast %reduce_sum3A_544 : vector<256xf32> to vector<1x256xf32>
    %add3A_546 = vector.broadcast %broadcast_in_dim3A_539 : vector<256x1xf32> to vector<256x256xf32>
    %add3A_547 = vector.broadcast %broadcast_in_dim3A_545 : vector<1x256xf32> to vector<256x256xf32>
    %add3A_548 = arith.addf %add3A_546, %add3A_547 : vector<256x256xf32>
    %mul3A_549 = arith.constant 2.000000e+00 : f32
    %mul3A_550 = vector.broadcast %mul3A_549 : f32 to vector<256x256xf32>
    %mul3A_551 = arith.mulf %mul3A_550, %dot_general3A_531 : vector<256x256xf32>
    %sub3A_552 = arith.subf %add3A_548, %mul3A_551 : vector<256x256xf32>
    %mul3A_553 = arith.mulf %add3A_527, %add3A_527 : vector<256x256xf32>
    %reduce_sum3A_554 = arith.constant dense<0.000000e+00> : vector<256xf32>
    %reduce_sum3A_555 = vector.multi_reduction <add>, %mul3A_553, %reduce_sum3A_554 [1] : vector<256x256xf32> to vector<256xf32>
    %broadcast_in_dim3A_556 = vector.shape_cast %reduce_sum3A_555 : vector<256xf32> to vector<256x1xf32>
    %mul3A_557 = vector.broadcast %broadcast_in_dim3A_556 : vector<256x1xf32> to vector<256x256xf32>
    %mul3A_558 = vector.broadcast %broadcast_in_dim3A_545 : vector<1x256xf32> to vector<256x256xf32>
    %mul3A_559 = arith.mulf %mul3A_557, %mul3A_558 : vector<256x256xf32>
    %sqrt3A_560 = math.sqrt %mul3A_559 : vector<256x256xf32>
    %max3A_561 = arith.constant 9.99999993E-9 : f32
    %max3A_562 = vector.broadcast %max3A_561 : f32 to vector<256x256xf32>
    %max3A_563 = arith.maximumf %sqrt3A_560, %max3A_562 : vector<256x256xf32>
    %mul3A_564 = arith.constant 1.000000e-01 : f32
    %mul3A_565 = vector.broadcast %mul3A_564 : f32 to vector<256x256xf32>
    %mul3A_566 = arith.mulf %max3A_563, %mul3A_565 : vector<256x256xf32>
    %div3A_567 = arith.divf %dot_general3A_533, %mul3A_566 : vector<256x256xf32>
    %jit3A_568 = arith.constant 0.000000e+00 : f32
    %broadcast_in_dim3A_569 = vector.broadcast %jit3A_568 : f32 to vector<256x256xf32>
    %select_n3A_570 = arith.select %eq3A, %div3A_567, %broadcast_in_dim3A_569 : vector<256x256xi1>, vector<256x256xf32>
    %reduce_sum3A_571 = arith.constant dense<0.000000e+00> : vector<256xf32>
    %reduce_sum3A_572 = vector.multi_reduction <add>, %select_n3A_570, %reduce_sum3A_571 [0] : vector<256x256xf32> to vector<256xf32>
    %broadcast_in_dim3A_573 = vector.shape_cast %reduce_sum3A_572 : vector<256xf32> to vector<1x256xf32>
    %reshape3A_574 = vector.shape_cast %broadcast_in_dim3A_573 : vector<1x256xf32> to vector<2x128xf32>
    %swap3A_575 = arith.constant 10 : index
    %swap3A_576 = arith.constant 0 : index
    %swap3A_577 = vector.load %arg8[%swap3A_575, %swap3A_576] : memref<16x128xf32, #tpu.memory_space<vmem>>, vector<2x128xf32>
    tpu.vector_store %arg8[%swap3A_575, %swap3A_576], %reshape3A_574 {strides = array<i32>} : memref<16x128xf32, #tpu.memory_space<vmem>>, vector<2x128xf32>,
    %eq3A_578 = arith.constant 0.000000e+00 : f32
    %eq3A_579 = vector.broadcast %eq3A_578 : f32 to vector<256x256xf32>
    %eq3A_580 = arith.cmpf oeq, %sub3A_552, %eq3A_579 : vector<256x256xf32>
    %jit3A_581 = arith.constant 0xFF800000 : f32
    %broadcast_in_dim3A_582 = vector.broadcast %jit3A_581 : f32 to vector<256x256xf32>
    %select_n3A_583 = arith.select %eq3A_580, %broadcast_in_dim3A_582, %div3A_567 : vector<256x256xi1>, vector<256x256xf32>
    %reshape3A_584 = vector.shape_cast %select_n3A_583 : vector<256x256xf32> to vector<512x128xf32>
    %swap3A_585 = arith.constant 2560 : index
    %swap3A_586 = arith.constant 0 : index
    %swap3A_587 = vector.load %arg7[%swap3A_585, %swap3A_586] : memref<4096x128xf32, #tpu.memory_space<vmem>>, vector<512x128xf32>
    tpu.vector_store %arg7[%swap3A_585, %swap3A_586], %reshape3A_584 {strides = array<i32>} : memref<4096x128xf32, #tpu.memory_space<vmem>>, vector<512x128xf32>,
    %get3A_588 = arith.constant 6 : index
    %get3A_589 = arith.constant 0 : index
    %get3A_590 = arith.constant 0 : index
    %get3A_591 = vector.load %arg1[%get3A_588, %get3A_589, %get3A_590] : memref<8x256x1xi32, #tpu.memory_space<vmem>>, vector<1x256x1xi32>
    %get3A_592 = vector.shape_cast %get3A_591 : vector<1x256x1xi32> to vector<256x1xi32>
    %get3A_593 = arith.constant dense<0> : vector<256x1xi32>
    %get3A_594 = arith.cmpi ne, %get3A_592, %get3A_593 : vector<256x1xi32>
    %convert_element_type3A_595 = arith.extui %get3A_594 : vector<256x1xi1> to vector<256x1xi32>
    %convert_element_type3A_596 = arith.sitofp %convert_element_type3A_595 : vector<256x1xi32> to vector<256x1xf32>
    %get3A_597 = arith.constant 6 : index
    %get3A_598 = arith.constant 0 : index
    %get3A_599 = arith.constant 0 : index
    %get3A_600 = vector.load %arg0[%get3A_597, %get3A_598, %get3A_599] : memref<8x256x768xf32, #tpu.memory_space<vmem>>, vector<1x256x768xf32>
    %get3A_601 = vector.shape_cast %get3A_600 : vector<1x256x768xf32> to vector<256x768xf32>
    %mul3A_602 = vector.broadcast %convert_element_type3A_596 : vector<256x1xf32> to vector<256x768xf32>
    %mul3A_603 = arith.mulf %get3A_601, %mul3A_602 : vector<256x768xf32>
    %convert_element_type3A_604 = arith.truncf %mul3A_603 : vector<256x768xf32> to vector<256x768xbf16>
    %dot_general3A_605 = arith.constant dense<0.000000e+00> : vector<256x256xf32>
    %dot_general3A_606 = tpu.matmul %convert_element_type3A_604, %convert_element_type3A, %dot_general3A_605 {dimension_numbers = #tpu.dot_dimension_numbers<[1], [0], [0], [1], [0, 0, 1, 1], [], []>, transpose_lhs_hint = false} : vector<256x768xbf16>, vector<768x256xbf16>, vector<256x256xf32> -> vector<256x256xf32>
    %get3A_607 = arith.constant 0 : index
    %get3A_608 = arith.constant 0 : index
    %get3A_609 = vector.load %arg4[%get3A_607, %get3A_608] : memref<1x256xf32, #tpu.memory_space<vmem>>, vector<1x256xf32>
    %add3A_610 = vector.broadcast %get3A_609 : vector<1x256xf32> to vector<256x256xf32>
    %add3A_611 = arith.addf %dot_general3A_606, %add3A_610 : vector<256x256xf32>
    %get3A_612 = arith.constant 6 : index
    %get3A_613 = arith.constant 0 : index
    %get3A_614 = arith.constant 0 : index
    %get3A_615 = vector.load %arg2[%get3A_612, %get3A_613, %get3A_614] : memref<8x256x768xf32, #tpu.memory_space<vmem>>, vector<1x256x768xf32>
    %get3A_616 = vector.shape_cast %get3A_615 : vector<1x256x768xf32> to vector<256x768xf32>
    %mul3A_617 = vector.broadcast %convert_element_type3A_596 : vector<256x1xf32> to vector<256x768xf32>
    %mul3A_618 = arith.mulf %get3A_616, %mul3A_617 : vector<256x768xf32>
    %convert_element_type3A_619 = arith.truncf %mul3A_618 : vector<256x768xf32> to vector<256x768xbf16>
    %dot_general3A_620 = arith.constant dense<0.000000e+00> : vector<256x256xf32>
    %dot_general3A_621 = tpu.matmul %convert_element_type3A_619, %convert_element_type3A_5, %dot_general3A_620 {dimension_numbers = #tpu.dot_dimension_numbers<[1], [0], [0], [1], [0, 0, 1, 1], [], []>, transpose_lhs_hint = false} : vector<256x768xbf16>, vector<768x256xbf16>, vector<256x256xf32> -> vector<256x256xf32>
    %get3A_622 = arith.constant 0 : index
    %get3A_623 = arith.constant 0 : index
    %get3A_624 = vector.load %arg6[%get3A_622, %get3A_623] : memref<1x256xf32, #tpu.memory_space<vmem>>, vector<1x256xf32>
    %add3A_625 = vector.broadcast %get3A_624 : vector<1x256xf32> to vector<256x256xf32>
    %add3A_626 = arith.addf %dot_general3A_621, %add3A_625 : vector<256x256xf32>
    %convert_element_type3A_627 = arith.truncf %add3A_611 : vector<256x256xf32> to vector<256x256xbf16>
    %convert_element_type3A_628 = arith.truncf %add3A_626 : vector<256x256xf32> to vector<256x256xbf16>
    %dot_general3A_629 = arith.constant dense<0.000000e+00> : vector<256x256xf32>
    %dot_general3A_630 = tpu.matmul %convert_element_type3A_627, %convert_element_type3A_627, %dot_general3A_629 {dimension_numbers = #tpu.dot_dimension_numbers<[1], [1], [0], [0], [0, 0, 1, 0], [], []>, transpose_lhs_hint = false} : vector<256x256xbf16>, vector<256x256xbf16>, vector<256x256xf32> -> vector<256x256xf32>
    %dot_general3A_631 = arith.constant dense<0.000000e+00> : vector<256x256xf32>
    %dot_general3A_632 = tpu.matmul %convert_element_type3A_628, %convert_element_type3A_627, %dot_general3A_631 {dimension_numbers = #tpu.dot_dimension_numbers<[1], [1], [0], [0], [0, 0, 1, 0], [], []>, transpose_lhs_hint = false} : vector<256x256xbf16>, vector<256x256xbf16>, vector<256x256xf32> -> vector<256x256xf32>
    %jit3A_633 = arith.constant 0.000000e+00 : f32
    %broadcast_in_dim3A_634 = vector.broadcast %jit3A_633 : f32 to vector<256x256xf32>
    %select_n3A_635 = arith.select %eq3A, %dot_general3A_630, %broadcast_in_dim3A_634 : vector<256x256xi1>, vector<256x256xf32>
    %reduce_sum3A_636 = arith.constant dense<0.000000e+00> : vector<256xf32>
    %reduce_sum3A_637 = vector.multi_reduction <add>, %select_n3A_635, %reduce_sum3A_636 [1] : vector<256x256xf32> to vector<256xf32>
    %broadcast_in_dim3A_638 = vector.shape_cast %reduce_sum3A_637 : vector<256xf32> to vector<256x1xf32>
    %jit3A_639 = arith.constant 0.000000e+00 : f32
    %broadcast_in_dim3A_640 = vector.broadcast %jit3A_639 : f32 to vector<256x256xf32>
    %select_n3A_641 = arith.select %eq3A, %dot_general3A_630, %broadcast_in_dim3A_640 : vector<256x256xi1>, vector<256x256xf32>
    %reduce_sum3A_642 = arith.constant dense<0.000000e+00> : vector<256xf32>
    %reduce_sum3A_643 = vector.multi_reduction <add>, %select_n3A_641, %reduce_sum3A_642 [0] : vector<256x256xf32> to vector<256xf32>
    %broadcast_in_dim3A_644 = vector.shape_cast %reduce_sum3A_643 : vector<256xf32> to vector<1x256xf32>
    %add3A_645 = vector.broadcast %broadcast_in_dim3A_638 : vector<256x1xf32> to vector<256x256xf32>
    %add3A_646 = vector.broadcast %broadcast_in_dim3A_644 : vector<1x256xf32> to vector<256x256xf32>
    %add3A_647 = arith.addf %add3A_645, %add3A_646 : vector<256x256xf32>
    %mul3A_648 = arith.constant 2.000000e+00 : f32
    %mul3A_649 = vector.broadcast %mul3A_648 : f32 to vector<256x256xf32>
    %mul3A_650 = arith.mulf %mul3A_649, %dot_general3A_630 : vector<256x256xf32>
    %sub3A_651 = arith.subf %add3A_647, %mul3A_650 : vector<256x256xf32>
    %mul3A_652 = arith.mulf %add3A_626, %add3A_626 : vector<256x256xf32>
    %reduce_sum3A_653 = arith.constant dense<0.000000e+00> : vector<256xf32>
    %reduce_sum3A_654 = vector.multi_reduction <add>, %mul3A_652, %reduce_sum3A_653 [1] : vector<256x256xf32> to vector<256xf32>
    %broadcast_in_dim3A_655 = vector.shape_cast %reduce_sum3A_654 : vector<256xf32> to vector<256x1xf32>
    %mul3A_656 = vector.broadcast %broadcast_in_dim3A_655 : vector<256x1xf32> to vector<256x256xf32>
    %mul3A_657 = vector.broadcast %broadcast_in_dim3A_644 : vector<1x256xf32> to vector<256x256xf32>
    %mul3A_658 = arith.mulf %mul3A_656, %mul3A_657 : vector<256x256xf32>
    %sqrt3A_659 = math.sqrt %mul3A_658 : vector<256x256xf32>
    %max3A_660 = arith.constant 9.99999993E-9 : f32
    %max3A_661 = vector.broadcast %max3A_660 : f32 to vector<256x256xf32>
    %max3A_662 = arith.maximumf %sqrt3A_659, %max3A_661 : vector<256x256xf32>
    %mul3A_663 = arith.constant 1.000000e-01 : f32
    %mul3A_664 = vector.broadcast %mul3A_663 : f32 to vector<256x256xf32>
    %mul3A_665 = arith.mulf %max3A_662, %mul3A_664 : vector<256x256xf32>
    %div3A_666 = arith.divf %dot_general3A_632, %mul3A_665 : vector<256x256xf32>
    %jit3A_667 = arith.constant 0.000000e+00 : f32
    %broadcast_in_dim3A_668 = vector.broadcast %jit3A_667 : f32 to vector<256x256xf32>
    %select_n3A_669 = arith.select %eq3A, %div3A_666, %broadcast_in_dim3A_668 : vector<256x256xi1>, vector<256x256xf32>
    %reduce_sum3A_670 = arith.constant dense<0.000000e+00> : vector<256xf32>
    %reduce_sum3A_671 = vector.multi_reduction <add>, %select_n3A_669, %reduce_sum3A_670 [0] : vector<256x256xf32> to vector<256xf32>
    %broadcast_in_dim3A_672 = vector.shape_cast %reduce_sum3A_671 : vector<256xf32> to vector<1x256xf32>
    %reshape3A_673 = vector.shape_cast %broadcast_in_dim3A_672 : vector<1x256xf32> to vector<2x128xf32>
    %swap3A_674 = arith.constant 12 : index
    %swap3A_675 = arith.constant 0 : index
    %swap3A_676 = vector.load %arg8[%swap3A_674, %swap3A_675] : memref<16x128xf32, #tpu.memory_space<vmem>>, vector<2x128xf32>
    tpu.vector_store %arg8[%swap3A_674, %swap3A_675], %reshape3A_673 {strides = array<i32>} : memref<16x128xf32, #tpu.memory_space<vmem>>, vector<2x128xf32>,
    %eq3A_677 = arith.constant 0.000000e+00 : f32
    %eq3A_678 = vector.broadcast %eq3A_677 : f32 to vector<256x256xf32>
    %eq3A_679 = arith.cmpf oeq, %sub3A_651, %eq3A_678 : vector<256x256xf32>
    %jit3A_680 = arith.constant 0xFF800000 : f32
    %broadcast_in_dim3A_681 = vector.broadcast %jit3A_680 : f32 to vector<256x256xf32>
    %select_n3A_682 = arith.select %eq3A_679, %broadcast_in_dim3A_681, %div3A_666 : vector<256x256xi1>, vector<256x256xf32>
    %reshape3A_683 = vector.shape_cast %select_n3A_682 : vector<256x256xf32> to vector<512x128xf32>
    %swap3A_684 = arith.constant 3072 : index
    %swap3A_685 = arith.constant 0 : index
    %swap3A_686 = vector.load %arg7[%swap3A_684, %swap3A_685] : memref<4096x128xf32, #tpu.memory_space<vmem>>, vector<512x128xf32>
    tpu.vector_store %arg7[%swap3A_684, %swap3A_685], %reshape3A_683 {strides = array<i32>} : memref<4096x128xf32, #tpu.memory_space<vmem>>, vector<512x128xf32>,
    %get3A_687 = arith.constant 7 : index
    %get3A_688 = arith.constant 0 : index
    %get3A_689 = arith.constant 0 : index
    %get3A_690 = vector.load %arg1[%get3A_687, %get3A_688, %get3A_689] : memref<8x256x1xi32, #tpu.memory_space<vmem>>, vector<1x256x1xi32>
    %get3A_691 = vector.shape_cast %get3A_690 : vector<1x256x1xi32> to vector<256x1xi32>
    %get3A_692 = arith.constant dense<0> : vector<256x1xi32>
    %get3A_693 = arith.cmpi ne, %get3A_691, %get3A_692 : vector<256x1xi32>
    %convert_element_type3A_694 = arith.extui %get3A_693 : vector<256x1xi1> to vector<256x1xi32>
    %convert_element_type3A_695 = arith.sitofp %convert_element_type3A_694 : vector<256x1xi32> to vector<256x1xf32>
    %get3A_696 = arith.constant 7 : index
    %get3A_697 = arith.constant 0 : index
    %get3A_698 = arith.constant 0 : index
    %get3A_699 = vector.load %arg0[%get3A_696, %get3A_697, %get3A_698] : memref<8x256x768xf32, #tpu.memory_space<vmem>>, vector<1x256x768xf32>
    %get3A_700 = vector.shape_cast %get3A_699 : vector<1x256x768xf32> to vector<256x768xf32>
    %mul3A_701 = vector.broadcast %convert_element_type3A_695 : vector<256x1xf32> to vector<256x768xf32>
    %mul3A_702 = arith.mulf %get3A_700, %mul3A_701 : vector<256x768xf32>
    %convert_element_type3A_703 = arith.truncf %mul3A_702 : vector<256x768xf32> to vector<256x768xbf16>
    %dot_general3A_704 = arith.constant dense<0.000000e+00> : vector<256x256xf32>
    %dot_general3A_705 = tpu.matmul %convert_element_type3A_703, %convert_element_type3A, %dot_general3A_704 {dimension_numbers = #tpu.dot_dimension_numbers<[1], [0], [0], [1], [0, 0, 1, 1], [], []>, transpose_lhs_hint = false} : vector<256x768xbf16>, vector<768x256xbf16>, vector<256x256xf32> -> vector<256x256xf32>
    %get3A_706 = arith.constant 0 : index
    %get3A_707 = arith.constant 0 : index
    %get3A_708 = vector.load %arg4[%get3A_706, %get3A_707] : memref<1x256xf32, #tpu.memory_space<vmem>>, vector<1x256xf32>
    %add3A_709 = vector.broadcast %get3A_708 : vector<1x256xf32> to vector<256x256xf32>
    %add3A_710 = arith.addf %dot_general3A_705, %add3A_709 : vector<256x256xf32>
    %get3A_711 = arith.constant 7 : index
    %get3A_712 = arith.constant 0 : index
    %get3A_713 = arith.constant 0 : index
    %get3A_714 = vector.load %arg2[%get3A_711, %get3A_712, %get3A_713] : memref<8x256x768xf32, #tpu.memory_space<vmem>>, vector<1x256x768xf32>
    %get3A_715 = vector.shape_cast %get3A_714 : vector<1x256x768xf32> to vector<256x768xf32>
    %mul3A_716 = vector.broadcast %convert_element_type3A_695 : vector<256x1xf32> to vector<256x768xf32>
    %mul3A_717 = arith.mulf %get3A_715, %mul3A_716 : vector<256x768xf32>
    %convert_element_type3A_718 = arith.truncf %mul3A_717 : vector<256x768xf32> to vector<256x768xbf16>
    %dot_general3A_719 = arith.constant dense<0.000000e+00> : vector<256x256xf32>
    %dot_general3A_720 = tpu.matmul %convert_element_type3A_718, %convert_element_type3A_5, %dot_general3A_719 {dimension_numbers = #tpu.dot_dimension_numbers<[1], [0], [0], [1], [0, 0, 1, 1], [], []>, transpose_lhs_hint = false} : vector<256x768xbf16>, vector<768x256xbf16>, vector<256x256xf32> -> vector<256x256xf32>
    %get3A_721 = arith.constant 0 : index
    %get3A_722 = arith.constant 0 : index
    %get3A_723 = vector.load %arg6[%get3A_721, %get3A_722] : memref<1x256xf32, #tpu.memory_space<vmem>>, vector<1x256xf32>
    %add3A_724 = vector.broadcast %get3A_723 : vector<1x256xf32> to vector<256x256xf32>
    %add3A_725 = arith.addf %dot_general3A_720, %add3A_724 : vector<256x256xf32>
    %convert_element_type3A_726 = arith.truncf %add3A_710 : vector<256x256xf32> to vector<256x256xbf16>
    %convert_element_type3A_727 = arith.truncf %add3A_725 : vector<256x256xf32> to vector<256x256xbf16>
    %dot_general3A_728 = arith.constant dense<0.000000e+00> : vector<256x256xf32>
    %dot_general3A_729 = tpu.matmul %convert_element_type3A_726, %convert_element_type3A_726, %dot_general3A_728 {dimension_numbers = #tpu.dot_dimension_numbers<[1], [1], [0], [0], [0, 0, 1, 0], [], []>, transpose_lhs_hint = false} : vector<256x256xbf16>, vector<256x256xbf16>, vector<256x256xf32> -> vector<256x256xf32>
    %dot_general3A_730 = arith.constant dense<0.000000e+00> : vector<256x256xf32>
    %dot_general3A_731 = tpu.matmul %convert_element_type3A_727, %convert_element_type3A_726, %dot_general3A_730 {dimension_numbers = #tpu.dot_dimension_numbers<[1], [1], [0], [0], [0, 0, 1, 0], [], []>, transpose_lhs_hint = false} : vector<256x256xbf16>, vector<256x256xbf16>, vector<256x256xf32> -> vector<256x256xf32>
    %jit3A_732 = arith.constant 0.000000e+00 : f32
    %broadcast_in_dim3A_733 = vector.broadcast %jit3A_732 : f32 to vector<256x256xf32>
    %select_n3A_734 = arith.select %eq3A, %dot_general3A_729, %broadcast_in_dim3A_733 : vector<256x256xi1>, vector<256x256xf32>
    %reduce_sum3A_735 = arith.constant dense<0.000000e+00> : vector<256xf32>
    %reduce_sum3A_736 = vector.multi_reduction <add>, %select_n3A_734, %reduce_sum3A_735 [1] : vector<256x256xf32> to vector<256xf32>
    %broadcast_in_dim3A_737 = vector.shape_cast %reduce_sum3A_736 : vector<256xf32> to vector<256x1xf32>
    %jit3A_738 = arith.constant 0.000000e+00 : f32
    %broadcast_in_dim3A_739 = vector.broadcast %jit3A_738 : f32 to vector<256x256xf32>
    %select_n3A_740 = arith.select %eq3A, %dot_general3A_729, %broadcast_in_dim3A_739 : vector<256x256xi1>, vector<256x256xf32>
    %reduce_sum3A_741 = arith.constant dense<0.000000e+00> : vector<256xf32>
    %reduce_sum3A_742 = vector.multi_reduction <add>, %select_n3A_740, %reduce_sum3A_741 [0] : vector<256x256xf32> to vector<256xf32>
    %broadcast_in_dim3A_743 = vector.shape_cast %reduce_sum3A_742 : vector<256xf32> to vector<1x256xf32>
    %add3A_744 = vector.broadcast %broadcast_in_dim3A_737 : vector<256x1xf32> to vector<256x256xf32>
    %add3A_745 = vector.broadcast %broadcast_in_dim3A_743 : vector<1x256xf32> to vector<256x256xf32>
    %add3A_746 = arith.addf %add3A_744, %add3A_745 : vector<256x256xf32>
    %mul3A_747 = arith.constant 2.000000e+00 : f32
    %mul3A_748 = vector.broadcast %mul3A_747 : f32 to vector<256x256xf32>
    %mul3A_749 = arith.mulf %mul3A_748, %dot_general3A_729 : vector<256x256xf32>
    %sub3A_750 = arith.subf %add3A_746, %mul3A_749 : vector<256x256xf32>
    %mul3A_751 = arith.mulf %add3A_725, %add3A_725 : vector<256x256xf32>
    %reduce_sum3A_752 = arith.constant dense<0.000000e+00> : vector<256xf32>
    %reduce_sum3A_753 = vector.multi_reduction <add>, %mul3A_751, %reduce_sum3A_752 [1] : vector<256x256xf32> to vector<256xf32>
    %broadcast_in_dim3A_754 = vector.shape_cast %reduce_sum3A_753 : vector<256xf32> to vector<256x1xf32>
    %mul3A_755 = vector.broadcast %broadcast_in_dim3A_754 : vector<256x1xf32> to vector<256x256xf32>
    %mul3A_756 = vector.broadcast %broadcast_in_dim3A_743 : vector<1x256xf32> to vector<256x256xf32>
    %mul3A_757 = arith.mulf %mul3A_755, %mul3A_756 : vector<256x256xf32>
    %sqrt3A_758 = math.sqrt %mul3A_757 : vector<256x256xf32>
    %max3A_759 = arith.constant 9.99999993E-9 : f32
    %max3A_760 = vector.broadcast %max3A_759 : f32 to vector<256x256xf32>
    %max3A_761 = arith.maximumf %sqrt3A_758, %max3A_760 : vector<256x256xf32>
    %mul3A_762 = arith.constant 1.000000e-01 : f32
    %mul3A_763 = vector.broadcast %mul3A_762 : f32 to vector<256x256xf32>
    %mul3A_764 = arith.mulf %max3A_761, %mul3A_763 : vector<256x256xf32>
    %div3A_765 = arith.divf %dot_general3A_731, %mul3A_764 : vector<256x256xf32>
    %jit3A_766 = arith.constant 0.000000e+00 : f32
    %broadcast_in_dim3A_767 = vector.broadcast %jit3A_766 : f32 to vector<256x256xf32>
    %select_n3A_768 = arith.select %eq3A, %div3A_765, %broadcast_in_dim3A_767 : vector<256x256xi1>, vector<256x256xf32>
    %reduce_sum3A_769 = arith.constant dense<0.000000e+00> : vector<256xf32>
    %reduce_sum3A_770 = vector.multi_reduction <add>, %select_n3A_768, %reduce_sum3A_769 [0] : vector<256x256xf32> to vector<256xf32>
    %broadcast_in_dim3A_771 = vector.shape_cast %reduce_sum3A_770 : vector<256xf32> to vector<1x256xf32>
    %reshape3A_772 = vector.shape_cast %broadcast_in_dim3A_771 : vector<1x256xf32> to vector<2x128xf32>
    %swap3A_773 = arith.constant 14 : index
    %swap3A_774 = arith.constant 0 : index
    %swap3A_775 = vector.load %arg8[%swap3A_773, %swap3A_774] : memref<16x128xf32, #tpu.memory_space<vmem>>, vector<2x128xf32>
    tpu.vector_store %arg8[%swap3A_773, %swap3A_774], %reshape3A_772 {strides = array<i32>} : memref<16x128xf32, #tpu.memory_space<vmem>>, vector<2x128xf32>,
    %eq3A_776 = arith.constant 0.000000e+00 : f32
    %eq3A_777 = vector.broadcast %eq3A_776 : f32 to vector<256x256xf32>
    %eq3A_778 = arith.cmpf oeq, %sub3A_750, %eq3A_777 : vector<256x256xf32>
    %jit3A_779 = arith.constant 0xFF800000 : f32
    %broadcast_in_dim3A_780 = vector.broadcast %jit3A_779 : f32 to vector<256x256xf32>
    %select_n3A_781 = arith.select %eq3A_778, %broadcast_in_dim3A_780, %div3A_765 : vector<256x256xi1>, vector<256x256xf32>
    %reshape3A_782 = vector.shape_cast %select_n3A_781 : vector<256x256xf32> to vector<512x128xf32>
    %swap3A_783 = arith.constant 3584 : index
    %swap3A_784 = arith.constant 0 : index
    %swap3A_785 = vector.load %arg7[%swap3A_783, %swap3A_784] : memref<4096x128xf32, #tpu.memory_space<vmem>>, vector<512x128xf32>
    tpu.vector_store %arg7[%swap3A_783, %swap3A_784], %reshape3A_782 {strides = array<i32>} : memref<4096x128xf32, #tpu.memory_space<vmem>>, vector<512x128xf32>,
    return
  }
}

</mosaic_0001>

<sc_bundles>
// kernel: kernel.5.cloned.1.call-start
scs
__scs_entry_jumppad:
0x0: {  	(pc) =	sbr.rel $0x88, $3  }
0x1: {  	(tag) =	ssettag $0x0;
	lr =	simm.s32 $0x1  }
0x2: {  	[smem:$0x3F9A] =	sst lr;
	_ =	strace $0xD0000000  }
0x3: {  	_ = 	snop  }
0x4: {  	_ = 	snop  }
0x5: {  	_ = 	snop  }
0x6: {  	_ = 	snop  }
0x7: {  	_ = 	snop  }
__scs_overlays_trampoline_lowered:
0x8: {  	[smem:$0x3FA9] =	sst s0  }
0x9: {  	[smem:$0x3FAA] =	sst s1  }
0xa: {  	[smem:$0x3FAB] =	sst s2  }
0xb: {  	[smem:$0x3FAC] =	sst s3  }
0xc: {  	[smem:$0x3FAD] =	sst s4  }
0xd: {  	[smem:$0x3FAE] =	sst s5  }
0xe: {  	[smem:$0x3FAF] =	sst s6  }
0xf: {  	[smem:$0x3FB0] =	sst s7  }
0x10: {  	[smem:$0x3FB1] =	sst s8  }
0x11: {  	[smem:$0x3FB2] =	sst s9;
	s0 =	simm.s32 @!p0 $0x0  }
0x12: {  	s1 =	sld [smem:$0x3F98];
	s0 =	simm.s32 @p0 $0x1  }
0x13: {  	[smem:$0x3FB3] =	sst s0;
	s0 =	simm.s32 @!p1 $0x0  }
0x14: {  	s2 =	sld [smem:$0x3F97];
	s0 =	simm.s32 @p1 $0x1  }
0x15: {  	[smem:$0x3FB4] =	sst s0;
	s0 =	simm.s32 @!p2 $0x0  }
0x16: {  	s3 =	sld [smem:$0x3FDB];
	s0 =	simm.s32 @p2 $0x1  }
0x17: {  	s4 =	simm.s32 $0x1BF5;
	[smem:$0x3FB6] =	sst s0  }
0x18: {  	s0 =	sld [smem:$0x3F99];
	_ =	swait.ge [sflag:s4], $0x0  }
0x19: {  	s7 =	sld [smem:$0x3F9A]  }
0x1a: {  	s8 =	sadd.s32 $0xFFFFE003, lr  }
0x1b: {  	s9 =	sadd.s32 $0xFFFFFEF7, lr;
	s5 =	simm.s32 $0xFFFFFFFF;
	p2 =	slt.u32 s8, $0xFFFFF086  }
0x1c: {  	p1 =	slt.u32 s9, $0xF7A;
	s5 =	simm.s32 @!p2 $0x0  }
0x1d: {  	s5 =	simm.s32 @p1 $0x1;
	p0 =	seq.s32 s7, s2  }
0x1e: {  	s7 =	smul.u32 @!p0 $0xF7A, s2;
	p2 =	seq.s32 @!p0 s5, $0x0  }
0x1f: {  	s9 =	smul.u32 $0xF7A, s1;
	s8 =	simm.s32 @!p0 $0x1BF5;
	p2 =	por !p2, p0  }
0x20: {  	[sflag:s8] =	ssyncset.s32 @!p0 $0xFFFFF086;
	s6 =	sadd.s32 @!p0 s3, s7;
	s7 =	simm.s32 @!p0 $0x108  }
0x21: {  	s3 =	sadd.s32 s3, s9;
	s6 =	sadd.s32 @!p0 $0x88, s6;
	s7 =	simm.s32 @p2 $0x1082  }
0x22: {  	[simem:s7], [sflag:s8] =	dma.local @!p0 [hbm:s6], $0xF7A  }
0x23: {  	s9 =	sor.u32 $0xD0000000, s2;
	s6 =	simm.s32 $0x108;
	_ =	swait.ge @!p0 [sflag:s8], $0x0  }
0x24: {  	s3 =	sadd.s32 $0x88, s3;
	s6 =	simm.s32 @!p1 $0x1082;
	[sflag:s4] =	ssyncset.s32 $0xFFFFF086  }
0x25: {  	[simem:s6], [sflag:s4] =	dma.local [hbm:s3], $0xF7A  }
0x26: {  	[smem:$0x3F9A] =	sst s1;
	(tag) =	ssettag s2;
	_ =	strace s9  }
0x27: {  	s1 =	sld [smem:$0x3FAA]  }
0x28: {  	s2 =	sld [smem:$0x3FAB]  }
0x29: {  	s4 =	sld [smem:$0x3FAD]  }
0x2a: {  	p0 =	seq.s32 s5, $0x0;
	s5 =	sld [smem:$0x3FAE]  }
0x2b: {  	s6 =	sld [smem:$0x3FAF]  }
0x2c: {  	s7 =	sld [smem:$0x3FB0]  }
0x2d: {  	s3 =	simm.s32 $0x108;
	s8 =	sld [smem:$0x3FB1]  }
0x2e: {  	s3 =	simm.s32 @!p0 $0x1082;
	s9 =	sld [smem:$0x3FB2]  }
0x2f: {  	lr =	sadd.s32 s0, s3;
	s0 =	sld [smem:$0x3FA9]  }
0x30: {  	s3 =	sld [smem:$0x3FAC]  }
0x31: {  	[smem:$0x3FB5] =	sst s10  }
0x32: {  	s10 =	sld [smem:$0x3FB3];
	_ =	sdelay $0x3  }
0x33: {  	p0 =	seq.s32 s10, $0x1;
	s10 =	sld [smem:$0x3FB5];
	_ =	sdelay $0x3  }
0x34: {  	[smem:$0x3FB5] =	sst s10  }
0x35: {  	s10 =	sld [smem:$0x3FB4];
	_ =	sdelay $0x3  }
0x36: {  	p1 =	seq.s32 s10, $0x1;
	s10 =	sld [smem:$0x3FB5];
	_ =	sdelay $0x3  }
0x37: {  	[smem:$0x3FB5] =	sst s10  }
0x38: {  	s10 =	sld [smem:$0x3FB6]  }
0x39: {  	_ = 	snop;
	(pc) =	sbr.ind lr, $3  }
0x3a: {  	_ = 	snop  }
0x3b: {  	_ = 	snop  }
0x3c: {  	p2 =	seq.s32 s10, $0x1;
	s10 =	sld [smem:$0x3FB5]  }
0x3d: {  	_ =	shalt  }
0x3e: {  	_ =	shalt  }
0x3f: {  	_ =	shalt  }
0x40: {  	_ =	shalt  }
0x41: {  	_ =	shalt  }
0x42: {  	_ =	shalt  }
0x43: {  	_ =	shalt  }
0x44: {  	_ =	shalt  }
0x45: {  	_ =	shalt  }
0x46: {  	_ =	shalt  }
0x47: {  	_ =	shalt  }
0x48: {  	_ =	shalt  }
0x49: {  	_ =	shalt  }
0x4a: {  	_ =	shalt  }
0x4b: {  	_ =	shalt  }
0x4c: {  	_ =	shalt  }
0x4d: {  	_ =	shalt  }
0x4e: {  	_ =	shalt  }
0x4f: {  	_ =	shalt  }
0x50: {  	_ =	shalt  }
0x51: {  	_ =	shalt  }
0x52: {  	_ =	shalt  }
0x53: {  	_ =	shalt  }
0x54: {  	_ =	shalt  }
0x55: {  	_ =	shalt  }
0x56: {  	_ =	shalt  }
0x57: {  	_ =	shalt  }
0x58: {  	_ =	shalt  }
0x59: {  	_ =	shalt  }
0x5a: {  	_ =	shalt  }
0x5b: {  	_ =	shalt  }
0x5c: {  	_ =	shalt  }
0x5d: {  	_ =	shalt  }
0x5e: {  	_ =	shalt  }
0x5f: {  	_ =	shalt  }
0x60: {  	_ =	shalt  }
0x61: {  	_ =	shalt  }
0x62: {  	_ =	shalt  }
0x63: {  	_ =	shalt  }
0x64: {  	_ =	shalt  }
0x65: {  	_ =	shalt  }
0x66: {  	_ =	shalt  }
0x67: {  	_ =	shalt  }
0x68: {  	_ =	shalt  }
0x69: {  	_ =	shalt  }
0x6a: {  	_ =	shalt  }
0x6b: {  	_ =	shalt  }
0x6c: {  	_ =	shalt  }
0x6d: {  	_ =	shalt  }
0x6e: {  	_ =	shalt  }
0x6f: {  	_ =	shalt  }
0x70: {  	_ =	shalt  }
0x71: {  	_ =	shalt  }
0x72: {  	_ =	shalt  }
0x73: {  	_ =	shalt  }
0x74: {  	_ =	shalt  }
0x75: {  	_ =	shalt  }
0x76: {  	_ =	shalt  }
0x77: {  	_ =	shalt  }
0x78: {  	_ =	shalt  }
0x79: {  	_ =	shalt  }
0x7a: {  	_ =	shalt  }
0x7b: {  	_ =	shalt  }
0x7c: {  	_ =	shalt  }
0x7d: {  	_ =	shalt  }
0x7e: {  	_ =	shalt  }
0x7f: {  	_ =	shalt  }
0x80: {  	_ =	shalt  }
0x81: {  	_ =	shalt  }
0x82: {  	_ =	shalt  }
0x83: {  	_ =	shalt  }
0x84: {  	_ =	shalt  }
0x85: {  	_ =	shalt  }
0x86: {  	_ =	shalt  }
0x87: {  	_ =	shalt  }
.Lfunc_end0:
.L_simem_size_0:
called_computation_lowered:
.L_overlay_start_0:
0x88: {  	s2 =	sld [smem:$0x3FD9]  }
0x89: {  	s3 =	sld [smem:$0x3FFE];
	_ =	sdelay $0x1  }
0x8a: {  	s1 =	srdreg.scid  }
0x8b: {  	s0 =	sand.u32 $0x1, s1  }
0x8c: {  	s16 =	sshll.u32 s0, $0xA;
	s2 =	sadd.s32 s3, s2  }
0x8d: {  	s2 =	sadd.s32 s2, s16  }
0x8e: {  	[smem:$0x3FC1] =	sst s2  }
0x8f: {  	_ = 	snop  }
0x90: {  	(tm) =	ssettm $0x1  }
0x91: {  	s17 =	sld [smem:$0x3FFB];
	_ =	sdelay $0x3  }
0x92: {  	_ =	strace s17  }
0x93: {  	s2 =	sld [smem:$0x3FFC];
	_ =	sdelay $0x3  }
0x94: {  	_ =	strace s2  }
0x95: {  	s2 =	sld [smem:$0x3FFD];
	_ =	sdelay $0x3  }
0x96: {  	_ =	strace s2  }
0x97: {  	_ =	strace $0x8FFFFFFF  }
0x98: {  	s18 =	sld [smem:$0x3FDB];
	_ =	sdelay $0x1  }
0x99: {  	s19 =	simm.s32 $_scs_section_size  }
0x9a: {  	s4 =	simm.s32 $_size__tile_overlayer_lowered;
	s5 =	simm.s32 $_tile_overlayer_lowered  }
0x9b: {  	s22 =	simm.s32 $0x1BFF;
	s21 =	sshll.u32 s5, $0x1;
	s2 =	sadd.s32 s19, s18  }
0x9c: {  	s6 =	simm.s32 $0x0;
	s20 =	sshll.u32 s4, $0x1;
	s4 =	sadd.s32 s21, s2  }
0x9d: {  	[timem:s6], [sflag:s22] =	dma.local [hbm:s4], s20  }
0x9e: {  	_ =	swait.ge [sflag:s22], s20  }
0x9f: {  	s3 =	ssub.s32 $0x0, s20;
	[sflag:s22] =	ssyncset.done $0x0  }
0xa0: {  	[sflag:s22] =	ssyncadd.s32 s3;
	_ =	sdelay $0x1  }
0xa1: {  	s23 =	simm.s32 $0x1B8B  }
0xa2: {  	_ =	swait.ge [sflag:s23], $0x1  }
0xa3: {  	[sflag:s23] =	ssyncset.done $0x0  }
0xa4: {  	s25 =	simm.s32 $0x1B8E;
	s24 =	sld [smem:$0x3FFE];
	[sflag:s23] =	ssyncadd.s32 $0xFFFFFFFF  }
0xa5: {  	s26 =	simm.s32 $execute0_lowered;
	[smem:$0x3FD2] =	sst s25  }
0xa6: {  	s4 =	sshll.u32 s26, $0x1;
	_ =	strace $0x80000046;
	[dreg:$0x1] =	wrdreg $0xFFFFFFFF  }
0xa7: {  	s28 =	simm.s32 $_size_execute0_lowered;
	s2 =	sadd.s32 s2, s4;
	[dreg:$0x0] =	wrdreg $0x0  }
0xa8: {  	s4 =	sshll.u32 s28, $0x1;
	[dreg:$0x2] =	wrdreg s2  }
0xa9: {  	[dreg:$0x3] =	wrdreg s4  }
0xaa: {  	[dreg:$0x4] =	wrdreg $0xC0  }
0xab: {  	_ =	task [dreg:s6], $0x5FFFF  }
0xac: {  	[dreg:$0x1] =	wrdreg $0xFFFFFFFF  }
0xad: {  	[dreg:$0x0] =	wrdreg $0x60  }
0xae: {  	[dreg:$0x2] =	wrdreg s24  }
0xaf: {  	[dreg:$0x3] =	wrdreg $0x9  }
0xb0: {  	_ =	task.clear_ibuf [dreg:s6], $0x4FFFF;
	_ =	strace $0x90000046  }
0xb1: {  	s29 =	simm.s32 $0x9;
	_ =	strace $0x80000048  }
0xb2: {  	_ =	swait.ge [sflag:s29], $0x1  }
0xb3: {  	[sflag:s29] =	ssyncadd.s32 $0xFFFFFFFF  }
0xb4: {  	_ =	strace $0x90000048  }
0xb5: {  	_ =	sfence  }
0xb6: {  	s30 =	sld [smem:$0x0];
	_ =	sdelay $0x2  }
0xb7: {  	s31 =	sshll.u32 s1, $0xD;
	s1 =	sshrl.u32 s1, $0x2  }
0xb8: {  	s3 =	sand.u32 $0x4000, s31;
	s1 =	sadd.s32 s1, s30  }
0xb9: {  	s0 =	sor.u32 s3, s0;
	s1 =	sshll.u32 s1, $0x11  }
0xba: {  	s0 =	sor.u32 s1, s0  }
0xbb: {  	s0 =	sadd.s32 $0x8F2B, s0  }
0xbc: {  	[sflag:s0] =	ssyncadd.remote.s32 $0x1  }
0xbd: {  	_ =	sfence.sel $0xFFFF  }
0xbe: {  	[dreg:$0x0] =	wrdreg $0xFFFFFFFF;
	(pc) =	sbr.abs _section_cstart, $3  }
0xbf: {  	[dreg:$0x1] =	wrdreg $0xFFFFFFFF  }
0xc0: {  	_ =	task.clear_ibuf [dreg:s6], $0x2FFFF;
	_ =	strace $0x9FFFFFFF  }
0xc1: {  	(tm) =	ssettm $0x7FFFFFFF  }
tec
execute0_lowered:
.L_overlay_start_1:
0x0: {  	(tag) =	ssettag $0x1  }
0x1: {  	s1 =	srdreg.scid  }
0x2: {  	s0 =	stileid.u32;
	s3 =	rddreg [dreg:$0x0];
	s10 =	simm.s32 $0x4000  }
0x3: {  	s11 =	simm.s32 $0x5C00;
	s12 =	simm.s32 $0x1;
	s13 =	simm.s32 $0x5C80  }
0x4: {  	s14 =	simm.s32 $0x2;
	s15 =	simm.s32 $0x0;
	s4 =	sand.u32 $0x1, s1  }
0x5: {  	s2 =	sshll.u32 s0, $0x1;
	s1 =	rddreg [dreg:$0x1];
	s6 =	sshrl.u32 s0, $0x2  }
0x6: {  	s5 =	sor.u32 s4, s2;
	s2 =	simm.s32 $0x0;
	s6 =	smul.u32 $0xE000, s6  }
0x7: {  	s4 =	ssub.s32 $0x2, s4;
	s7 =	sshll.u32 s5, $0x7;
	[smem:$0x7FF] =	sst s2  }
0x8: {  	s8 =	sshll.u32 s5, $0xB;
	s5 =	sshll.u32 s5, $0x3;
	s31 =	sshrl.u32 s4, $0x1  }
0x9: {  	s7 =	sand.u32 $0x380, s7;
	_ =	strace $0x80000047;
	s30 =	sadd.s32 s8, s3  }
0xa: {  	s9 =	sadd.s32 s5, s3;
	s8 =	ssub.s32 s4, s31;
	s6 =	sor.u32 s6, s7  }
0xb: {  	s5 =	sadd.s32 $0x11C00, s9;
	s7 =	smax.u32 s8, $0x1;
	s6 =	sshrl.u32 s6, $0x3  }
0xc: {  	s8 =	simm.s32 $0x80;
	s6 =	sadd.s32 s6, s3;
	s3 =	sadd.s32 $0x1C00, s30  }
0xd: {  	s4 =	sadd.s32 $0x11E00, s6;
	s6 =	sadd.s32 $0x18E00, s9;
	s9 =	simm.s32 $0x400  }
.LBB2_1:
0xe: {  	[tilespmem:s2], [sflag:$0x1] =	stream.linear.gather [hbm4b:s3+s2], $0x4000, $0x38;
	[tilespmem:$0x5D00] =	vst v63  }
0xf: {  	_ = 	snop  }
0x10: {  	[tilespmem:s10], [sflag:$0x1] =	stream.strided.gather [hbm4b:s4+s8], $0x1C00, s9, s8, $0x38;
	[tilespmem:$0x5D00] =	vst v63  }
0x11: {  	_ = 	snop  }
0x12: {  	[tilespmem:s11], [sflag:$0x1] =	stream.linear.gather [hbm4b:s5+s2], $0x40, $0x38;
	[tilespmem:$0x5D00] =	vst v63  }
0x13: {  	_ =	swait.ge [sflag:s12], $0x4000  }
0x14: {  	[sflag:s12] =	ssyncset.done $0x0  }
0x15: {  	[sflag:s12] =	ssyncadd.s32 $0xFFFFC000  }
0x16: {  	_ =	swait.ge [sflag:s12], $0x1C00  }
0x17: {  	[sflag:s12] =	ssyncset.done $0x0  }
0x18: {  	[sflag:s12] =	ssyncadd.s32 $0xFFFFE400  }
0x19: {  	_ =	swait.ge [sflag:s12], $0x40  }
0x1a: {  	[sflag:s12] =	ssyncset.done $0x0  }
0x1b: {  	[sflag:s12] =	ssyncadd.s32 $0xFFFFFFC0  }
0x1c: {  	s16 =	simm.s32 $0x40E0;
	v0 =	vld [tilespmem:$0x5C00]  }
0x1d: {  	v1 =	vld [tilespmem:s16+$0xA0]  }
0x1e: {  	v2 =	vld [tilespmem:s16+$0xB0]  }
0x1f: {  	v3 =	vld [tilespmem:s16+$0xC0]  }
0x20: {  	v4 =	vld [tilespmem:s16+$0xD0]  }
0x21: {  	v5 =	vld [tilespmem:s16+$0x60]  }
0x22: {  	v6 =	vld [tilespmem:s16+$0x70]  }
0x23: {  	v8 =	vld [tilespmem:s16+$0x80]  }
0x24: {  	v9 =	vld [tilespmem:s16+$0x90]  }
0x25: {  	v7 =	vld [tilespmem:s16+$0x20]  }
0x26: {  	v10 =	vld [tilespmem:s16+$0x30]  }
0x27: {  	v11 =	vld [tilespmem:s16+$0x40]  }
0x28: {  	v15 =	vld [tilespmem:s16+$0x50]  }
0x29: {  	v12 =	vld [tilespmem:s16+$0xFFFFFFE0]  }
0x2a: {  	v13 =	vld [tilespmem:s16+$0xFFFFFFF0]  }
0x2b: {  	v14 =	vld [tilespmem:s16+$0x0]  }
0x2c: {  	v16 =	vld [tilespmem:s16+$0x10]  }
0x2d: {  	v17 =	vld [tilespmem:s16+$0xFFFFFFA0]  }
0x2e: {  	v18 =	vld [tilespmem:s16+$0xFFFFFFB0]  }
0x2f: {  	v19 =	vld [tilespmem:s16+$0xFFFFFFC0]  }
0x30: {  	v20 =	vld [tilespmem:s16+$0xFFFFFFD0]  }
0x31: {  	v21 =	vld [tilespmem:s16+$0xFFFFFF60]  }
0x32: {  	v22 =	vld [tilespmem:s16+$0xFFFFFF70]  }
0x33: {  	v23 =	vld [tilespmem:s16+$0xFFFFFF80]  }
0x34: {  	v24 =	vld [tilespmem:s16+$0xFFFFFF90]  }
0x35: {  	v25 =	vld [tilespmem:s16+$0xFFFFFF20]  }
0x36: {  	v26 =	vld [tilespmem:s16+$0xFFFFFF30]  }
0x37: {  	v27 =	vld [tilespmem:s16+$0xFFFFFF40]  }
0x38: {  	v28 =	vld [tilespmem:s16+$0xFFFFFF50]  }
0x39: {  	v1 =	vld.idx.msk [tilespmem:v1+s2+$0x0], $0xffff  }
0x3a: {  	v2 =	vld.idx.msk [tilespmem:v2+s2+$0x0], $0xffff  }
0x3b: {  	v3 =	vld.idx.msk [tilespmem:v3+s2+$0x0], $0xffff  }
0x3c: {  	v4 =	vld.idx.msk [tilespmem:v4+s2+$0x0], $0xffff  }
0x3d: {  	v0 =	vmul.f32 $1.442695020e+00, v0;
	v5 =	vld.idx.msk [tilespmem:v5+s2+$0x0], $0xffff  }
0x3e: {  	v6 =	vld.idx.msk [tilespmem:v6+s2+$0x0], $0xffff  }
0x3f: {  	(erf) = vpow2.f32 v0;
	v7 =	vld.idx.msk [tilespmem:v7+s2+$0x0], $0xffff  }
0x40: {  	v10 =	vld.idx.msk [tilespmem:v10+s2+$0x0], $0xffff;
	v29 =	vmul.f32 $1.442695020e+00, v1;
	v2 =	vmul.f32 $1.442695020e+00, v2  }
0x41: {  	v12 =	vld.idx.msk [tilespmem:v12+s2+$0x0], $0xffff;
	v1 =	vmul.f32 $1.442695020e+00, v3;
	v0 =	vmul.f32 $1.442695020e+00, v4  }
0x42: {  	v3 =	vld.idx.msk [tilespmem:v13+s2+$0x0], $0xffff;
	v4 =	vmul.f32 $1.442695020e+00, v5;
	(erf) = vpow2.f32 v29  }
0x43: {  	v5 =	vld.idx.msk [tilespmem:v17+s2+$0x0], $0xffff;
	v6 =	vmul.f32 $1.442695020e+00, v6;
	(erf) = vpow2.f32 v2  }
0x44: {  	v13 =	vld.idx.msk [tilespmem:v18+s2+$0x0], $0xffff;
	v2 =	vmul.f32 $1.442695020e+00, v7;
	(erf) = vpow2.f32 v4  }
0x45: {  	v7 =	vld.idx.msk [tilespmem:v21+s2+$0x0], $0xffff;
	v4 =	vmul.f32 $1.442695020e+00, v10;
	(erf) = vpow2.f32 v6  }
0x46: {  	v10 =	vld.idx.msk [tilespmem:v22+s2+$0x0], $0xffff;
	v6 =	vmul.f32 $1.442695020e+00, v12;
	(erf) = vpow2.f32 v2  }
0x47: {  	v12 =	vld.idx.msk [tilespmem:v25+s2+$0x0], $0xffff;
	v2 =	vmul.f32 $1.442695020e+00, v3;
	(erf) = vpow2.f32 v4  }
0x48: {  	v17 =	vld.idx.msk [tilespmem:v26+s2+$0x0], $0xffff;
	v3 =	vmul.f32 $1.442695020e+00, v5;
	(erf) = vpow2.f32 v6  }
0x49: {  	v18 =	vld.idx.msk [tilespmem:v27+s2+$0x0], $0xffff;
	v5 =	vmul.f32 $1.442695020e+00, v13;
	(erf) = vpow2.f32 v2  }
0x4a: {  	v13 =	vld.idx.msk [tilespmem:v23+s2+$0x0], $0xffff;
	v7 =	vmul.f32 $1.442695020e+00, v7;
	(erf) = vpow2.f32 v3  }
0x4b: {  	v6 =	vld.idx.msk [tilespmem:v28+s2+$0x0], $0xffff;
	v4 =	vpop (erf);
	v10 =	vmul.f32 $1.442695020e+00, v10;
	(erf) = vpow2.f32 v5  }
0x4c: {  	v21 =	vld.idx.msk [tilespmem:v24+s2+$0x0], $0xffff;
	v12 =	vmul.f32 $1.442695020e+00, v12;
	v2 =	vpop (erf);
	(erf) = vpow2.f32 v7  }
0x4d: {  	v22 =	vld.idx.msk [tilespmem:v19+s2+$0x0], $0xffff;
	v17 =	vmul.f32 $1.442695020e+00, v17;
	v3 =	vpop (erf);
	(erf) = vpow2.f32 v10  }
0x4e: {  	v23 =	vld.idx.msk [tilespmem:v20+s2+$0x0], $0xffff;
	v5 =	vpop (erf);
	v10 =	vmul.f32 $1.442695020e+00, v18;
	(erf) = vpow2.f32 v12  }
0x4f: {  	v19 =	vld.idx.msk [tilespmem:v16+s2+$0x0], $0xffff;
	v7 =	vpop (erf);
	(erf) = vpow2.f32 v17;
	v17 =	vmul.f32 $1.442695020e+00, v13  }
0x50: {  	v18 =	vld.idx.msk [tilespmem:v14+s2+$0x0], $0xffff;
	v6 =	vmul.f32 $1.442695020e+00, v6;
	v12 =	vpop (erf)  }
0x51: {  	v20 =	vld.idx.msk [tilespmem:v15+s2+$0x0], $0xffff;
	v24 =	vmul.f32 $1.442695020e+00, v21;
	(erf) = vpow2.f32 v10;
	v13 =	vpop (erf)  }
0x52: {  	v21 =	vmul.f32 $1.442695020e+00, v22;
	v14 =	vld.idx.msk [tilespmem:v11+s2+$0x0], $0xffff;
	(erf) = vpow2.f32 v6;
	v16 =	vpop (erf)  }
0x53: {  	v22 =	vmul.f32 $1.442695020e+00, v23;
	v11 =	vld.idx.msk [tilespmem:v9+s2+$0x0], $0xffff;
	v9 =	vimm.f32 $0.0e+00;
	(erf) = vpow2.f32 v17;
	v17 =	vpop (erf)  }
0x54: {  	s17 =	simm.s32 $0x42A0;
	s16 =	simm.s32 $0x0;
	v10 =	vld.idx.msk [tilespmem:v8+s2+$0x0], $0xffff;
	v8 =	vimm.f32 $0.0e+00;
	v6 =	vimm.f32 $0.0e+00;
	(erf) = vpow2.f32 v24;
	v15 =	vpop (erf)  }
.LBB2_2:
0x55: {  	v23 =	vld [tilespmem:s17+$0xA0];
	v18 =	vmul.f32 $1.442695020e+00, v18;
	v24 =	vpop (erf);
	(erf) = vpow2.f32 v21  }
0x56: {  	v19 =	vmul.f32 $1.442695020e+00, v19;
	v21 =	vld [tilespmem:s17+$0xB0];
	v25 =	vpop (erf);
	(erf) = vpow2.f32 v22  }
0x57: {  	v14 =	vmul.f32 $1.442695020e+00, v14;
	v22 =	vld [tilespmem:s17+$0xC0];
	v26 =	vpop (erf);
	(erf) = vpow2.f32 v18  }
0x58: {  	v32 =	vmul.f32 $1.442695020e+00, v20;
	v18 =	vld [tilespmem:s17+$0xD0];
	v27 =	vpop (erf);
	(erf) = vpow2.f32 v19  }
0x59: {  	v28 =	vmul.f32 $1.442695020e+00, v10;
	v19 =	vld [tilespmem:s17+$0x60];
	v29 =	vpop (erf);
	(erf) = vpow2.f32 v14  }
0x5a: {  	v33 =	vmul.f32 $1.442695020e+00, v11;
	v30 =	vld [tilespmem:s17+$0x70];
	v31 =	vpop (erf);
	(erf) = vpow2.f32 v32  }
0x5b: {  	v4 =	vadd.f32 v27, v4;
	v6 =	vadd.f32 v29, v6;
	v10 =	vld [tilespmem:s17+$0x80];
	v20 =	vpop (erf);
	(erf) = vpow2.f32 v28  }
0x5c: {  	v8 =	vadd.f32 v31, v8;
	v11 =	vld [tilespmem:s17+$0x90];
	v9 =	vadd.f32 v20, v9;
	v20 =	vpop (erf);
	(erf) = vpow2.f32 v33  }
0x5d: {  	v4 =	vadd.f32 v25, v4;
	v25 =	vadd.f32 v26, v6;
	v27 =	vld [tilespmem:s17+$0x20];
	v14 =	vpop (erf);
	(erf) = vpow2.f32 v1  }
0x5e: {  	v8 =	vadd.f32 v20, v8;
	v1 =	vld [tilespmem:s17+$0x30];
	v26 =	vadd.f32 v14, v9;
	v20 =	vpop (erf);
	(erf) = vpow2.f32 v0  }
0x5f: {  	v0 =	vadd.f32 v15, v4;
	v4 =	vadd.f32 v24, v25;
	v14 =	vld [tilespmem:s17+$0x40];
	v6 =	vpop (erf)  }
0x60: {  	v8 =	vadd.f32 v20, v8;
	v15 =	vld [tilespmem:s17+$0x50];
	v6 =	vadd.f32 v6, v26;
	v9 =	vpop (erf)  }
0x61: {  	v0 =	vadd.f32 v16, v0;
	v4 =	vadd.f32 v17, v4;
	v20 =	vld [tilespmem:s17+$0xFFFFFFE0];
	v16 =	vpop (erf)  }
0x62: {  	v8 =	vadd.f32 v9, v8;
	v17 =	vld [tilespmem:s17+$0xFFFFFFF0];
	v6 =	vadd.f32 v16, v6;
	v9 =	vpop (erf)  }
0x63: {  	v0 =	vadd.f32 v12, v0;
	v25 =	vadd.f32 v13, v4;
	v16 =	vld [tilespmem:s17+$0x0];
	v12 =	vpop (erf)  }
0x64: {  	v8 =	vadd.f32 v9, v8;
	v13 =	vld [tilespmem:s17+$0x10];
	v6 =	vadd.f32 v12, v6;
	v9 =	vpop (erf)  }
0x65: {  	v26 =	vadd.f32 v5, v0;
	v5 =	vadd.f32 v7, v25;
	v12 =	vld [tilespmem:s17+$0xFFFFFFA0];
	v4 =	vpop (erf)  }
0x66: {  	v8 =	vadd.f32 v9, v8;
	v7 =	vld [tilespmem:s17+$0xFFFFFFB0];
	v9 =	vadd.f32 v4, v6;
	v24 =	vpop (erf)  }
0x67: {  	v4 =	vadd.f32 v2, v26;
	v6 =	vadd.f32 v3, v5;
	v25 =	vld [tilespmem:s17+$0xFFFFFFC0];
	v0 =	vpop (erf)  }
0x68: {  	v8 =	vadd.f32 v24, v8;
	v5 =	vld [tilespmem:s17+$0xFFFFFFD0];
	v9 =	vadd.f32 v0, v9  }
0x69: {  	v2 =	vld [tilespmem:s17+$0xFFFFFF60]  }
0x6a: {  	v3 =	vld [tilespmem:s17+$0xFFFFFF70]  }
0x6b: {  	v24 =	vld [tilespmem:s17+$0xFFFFFF80]  }
0x6c: {  	v26 =	vld [tilespmem:s17+$0xFFFFFF90]  }
0x6d: {  	v28 =	vld [tilespmem:s17+$0xFFFFFF20]  }
0x6e: {  	v29 =	vld [tilespmem:s17+$0xFFFFFF30]  }
0x6f: {  	v31 =	vld [tilespmem:s17+$0xFFFFFF40]  }
0x70: {  	v32 =	vld [tilespmem:s17+$0xFFFFFF50]  }
0x71: {  	v0 =	vld.idx.msk [tilespmem:v23+s2+$0x0], $0xffff  }
0x72: {  	v21 =	vld.idx.msk [tilespmem:v21+s2+$0x0], $0xffff  }
0x73: {  	v22 =	vld.idx.msk [tilespmem:v22+s2+$0x0], $0xffff  }
0x74: {  	v18 =	vld.idx.msk [tilespmem:v18+s2+$0x0], $0xffff  }
0x75: {  	v19 =	vld.idx.msk [tilespmem:v19+s2+$0x0], $0xffff  }
0x76: {  	v23 =	vld.idx.msk [tilespmem:v30+s2+$0x0], $0xffff  }
0x77: {  	v27 =	vld.idx.msk [tilespmem:v27+s2+$0x0], $0xffff  }
0x78: {  	v30 =	vld.idx.msk [tilespmem:v1+s2+$0x0], $0xffff  }
0x79: {  	v33 =	vmul.f32 $1.442695020e+00, v0;
	v21 =	vmul.f32 $1.442695020e+00, v21;
	v20 =	vld.idx.msk [tilespmem:v20+s2+$0x0], $0xffff  }
0x7a: {  	s16 =	sadd.s32 $0x7, s16;
	v1 =	vmul.f32 $1.442695020e+00, v22;
	v0 =	vmul.f32 $1.442695020e+00, v18;
	v17 =	vld.idx.msk [tilespmem:v17+s2+$0x0], $0xffff  }
0x7b: {  	p0 =	slt.u32 s16, $0x15;
	v18 =	vmul.f32 $1.442695020e+00, v19;
	v12 =	vld.idx.msk [tilespmem:v12+s2+$0x0], $0xffff;
	(erf) = vpow2.f32 v33  }
0x7c: {  	v19 =	vmul.f32 $1.442695020e+00, v23;
	v7 =	vld.idx.msk [tilespmem:v7+s2+$0x0], $0xffff;
	(erf) = vpow2.f32 v21  }
0x7d: {  	v21 =	vmul.f32 $1.442695020e+00, v27;
	v2 =	vld.idx.msk [tilespmem:v2+s2+$0x0], $0xffff;
	(erf) = vpow2.f32 v18  }
0x7e: {  	v18 =	vmul.f32 $1.442695020e+00, v30;
	v3 =	vld.idx.msk [tilespmem:v3+s2+$0x0], $0xffff;
	(erf) = vpow2.f32 v19  }
0x7f: {  	v20 =	vmul.f32 $1.442695020e+00, v20;
	v19 =	vld.idx.msk [tilespmem:v28+s2+$0x0], $0xffff;
	(erf) = vpow2.f32 v21  }
0x80: {  	v17 =	vmul.f32 $1.442695020e+00, v17;
	v21 =	vld.idx.msk [tilespmem:v29+s2+$0x0], $0xffff;
	(erf) = vpow2.f32 v18  }
0x81: {  	v12 =	vmul.f32 $1.442695020e+00, v12;
	v18 =	vld.idx.msk [tilespmem:v31+s2+$0x0], $0xffff;
	(erf) = vpow2.f32 v20  }
0x82: {  	v7 =	vmul.f32 $1.442695020e+00, v7;
	v20 =	vld.idx.msk [tilespmem:v32+s2+$0x0], $0xffff;
	(erf) = vpow2.f32 v17  }
0x83: {  	v17 =	vmul.f32 $1.442695020e+00, v2;
	v22 =	vld.idx.msk [tilespmem:v24+s2+$0x0], $0xffff;
	(erf) = vpow2.f32 v12  }
0x84: {  	v12 =	vmul.f32 $1.442695020e+00, v3;
	v23 =	vld.idx.msk [tilespmem:v26+s2+$0x0], $0xffff;
	(erf) = vpow2.f32 v7;
	v2 =	vpop (erf)  }
0x85: {  	v19 =	vmul.f32 $1.442695020e+00, v19;
	v24 =	vld.idx.msk [tilespmem:v25+s2+$0x0], $0xffff;
	(erf) = vpow2.f32 v17;
	v3 =	vpop (erf)  }
0x86: {  	v17 =	vmul.f32 $1.442695020e+00, v21;
	v25 =	vld.idx.msk [tilespmem:v5+s2+$0x0], $0xffff;
	(erf) = vpow2.f32 v12;
	v5 =	vpop (erf)  }
0x87: {  	v21 =	vmul.f32 $1.442695020e+00, v18;
	v18 =	vld.idx.msk [tilespmem:v16+s2+$0x0], $0xffff;
	(erf) = vpow2.f32 v19;
	v7 =	vpop (erf)  }
.Ltmp0:
0x88: {  	v26 =	vmul.f32 $1.442695020e+00, v20;
	v19 =	vld.idx.msk [tilespmem:v13+s2+$0x0], $0xffff;
	(erf) = vpow2.f32 v17;
	v12 =	vpop (erf);
	(pc) =	sbr.rel @p0 .LBB2_2-.Ltmp0, $4  }
0x89: {  	v22 =	vmul.f32 $1.442695020e+00, v22;
	v14 =	vld.idx.msk [tilespmem:v14+s2+$0x0], $0xffff;
	(erf) = vpow2.f32 v21;
	v13 =	vpop (erf)  }
0x8a: {  	v23 =	vmul.f32 $1.442695020e+00, v23;
	v20 =	vld.idx.msk [tilespmem:v15+s2+$0x0], $0xffff;
	(erf) = vpow2.f32 v26;
	v16 =	vpop (erf)  }
0x8b: {  	v21 =	vmul.f32 $1.442695020e+00, v24;
	v10 =	vld.idx.msk [tilespmem:v10+s2+$0x0], $0xffff;
	(erf) = vpow2.f32 v22;
	v17 =	vpop (erf)  }
0x8c: {  	s17 =	sadd.s32 $0x1C0, s17;
	v22 =	vmul.f32 $1.442695020e+00, v25;
	v11 =	vld.idx.msk [tilespmem:v11+s2+$0x0], $0xffff;
	(erf) = vpow2.f32 v23;
	v15 =	vpop (erf)  }
0x8d: {  	v18 =	vmul.f32 $1.442695020e+00, v18  }
0x8e: {  	v23 =	vpop (erf);
	(erf) = vpow2.f32 v21;
	v19 =	vmul.f32 $1.442695020e+00, v19  }
0x8f: {  	v21 =	vpop (erf);
	(erf) = vpow2.f32 v22;
	v14 =	vmul.f32 $1.442695020e+00, v14  }
0x90: {  	v22 =	vpop (erf);
	(erf) = vpow2.f32 v18;
	v18 =	vmul.f32 $1.442695020e+00, v20  }
0x91: {  	v20 =	vpop (erf);
	v10 =	vmul.f32 $1.442695020e+00, v10  }
0x92: {  	(erf) = vpow2.f32 v19;
	v19 =	vpop (erf);
	v11 =	vmul.f32 $1.442695020e+00, v11  }
0x93: {  	(erf) = vpow2.f32 v14;
	v14 =	vpop (erf)  }
0x94: {  	(erf) = vpow2.f32 v18;
	v6 =	vadd.f32 v19, v6;
	v18 =	vpop (erf)  }
0x95: {  	(erf) = vpow2.f32 v10;
	v8 =	vadd.f32 v14, v8;
	v9 =	vadd.f32 v18, v9;
	v10 =	vpop (erf)  }
0x96: {  	v4 =	vadd.f32 v20, v4;
	(erf) = vpow2.f32 v11;
	v6 =	vadd.f32 v22, v6;
	v11 =	vpop (erf)  }
0x97: {  	(erf) = vpow2.f32 v1;
	v1 =	vadd.f32 v10, v8;
	v8 =	vadd.f32 v11, v9  }
0x98: {  	v4 =	vadd.f32 v21, v4  }
0x99: {  	v9 =	vpop (erf)  }
0x9a: {  	(erf) = vpow2.f32 v0;
	v0 =	vadd.f32 v15, v4;
	v4 =	vadd.f32 v23, v6;
	v6 =	vpop (erf)  }
0x9b: {  	v1 =	vadd.f32 v9, v1;
	v6 =	vadd.f32 v6, v8;
	v8 =	vpop (erf)  }
0x9c: {  	v9 =	vpop (erf)  }
0x9d: {  	v1 =	vadd.f32 v8, v1;
	v6 =	vadd.f32 v9, v6;
	v8 =	vpop (erf)  }
0x9e: {  	v0 =	vadd.f32 v16, v0;
	v4 =	vadd.f32 v17, v4;
	v9 =	vpop (erf)  }
0x9f: {  	v6 =	vadd.f32 v9, v6  }
0xa0: {  	v0 =	vadd.f32 v12, v0;
	v4 =	vadd.f32 v13, v4  }
0xa1: {  	v1 =	vadd.f32 v8, v1;
	v8 =	vpop (erf)  }
0xa2: {  	v0 =	vadd.f32 v5, v0;
	v4 =	vadd.f32 v7, v4;
	v5 =	vpop (erf)  }
0xa3: {  	v1 =	vadd.f32 v8, v1;
	v5 =	vadd.f32 v5, v6;
	v6 =	vpop (erf)  }
0xa4: {  	v0 =	vadd.f32 v2, v0;
	v2 =	vadd.f32 v3, v4;
	v3 =	vpop (erf)  }
0xa5: {  	v1 =	vadd.f32 v6, v1;
	v3 =	vadd.f32 v3, v5;
	_ =	sdelay $0x1  }
0xa6: {  	v0 =	vadd.f32 v2, v0;
	v1 =	vadd.f32 v3, v1;
	_ =	sdelay $0x1  }
0xa7: {  	v0 =	vadd.f32 v1, v0;
	_ =	sdelay $0x1  }
0xa8: {  	s17 =	simm.s32 $0x48B0;
	[tilespmem:$0x5C80] =	vst v0;
	v0 =	vld [tilespmem:$0x5C10]  }
0xa9: {  	v1 =	vld [tilespmem:s17+$0xFFFFFFE0]  }
0xaa: {  	v2 =	vld [tilespmem:s17+$0xFFFFFFF0]  }
0xab: {  	v3 =	vld [tilespmem:s17+$0x0]  }
0xac: {  	v4 =	vld [tilespmem:s17+$0xFFFFFF90]  }
0xad: {  	v5 =	vld [tilespmem:s17+$0xFFFFFFA0]  }
0xae: {  	v6 =	vld [tilespmem:s17+$0xFFFFFFB0]  }
0xaf: {  	v8 =	vld [tilespmem:s17+$0xFFFFFFC0]  }
0xb0: {  	v7 =	vld [tilespmem:s17+$0xFFFFFF60]  }
0xb1: {  	v9 =	vld [tilespmem:s17+$0xFFFFFF70]  }
0xb2: {  	v10 =	vld [tilespmem:s17+$0xFFFFFF80]  }
0xb3: {  	v11 =	vld [tilespmem:s17+$0xFFFFFF10]  }
0xb4: {  	v12 =	vld [tilespmem:s17+$0xFFFFFF20]  }
0xb5: {  	v13 =	vld [tilespmem:s17+$0xFFFFFF30]  }
0xb6: {  	v14 =	vld [tilespmem:s17+$0xFFFFFF40]  }
0xb7: {  	v15 =	vld [tilespmem:s17+$0xFFFFFEE0]  }
0xb8: {  	v16 =	vld [tilespmem:s17+$0xFFFFFEF0]  }
0xb9: {  	v17 =	vld [tilespmem:s17+$0xFFFFFF00]  }
0xba: {  	v18 =	vld [tilespmem:s17+$0xFFFFFE90]  }
0xbb: {  	v19 =	vld [tilespmem:s17+$0xFFFFFEA0]  }
0xbc: {  	v20 =	vld [tilespmem:s17+$0xFFFFFEB0]  }
0xbd: {  	v21 =	vld [tilespmem:s17+$0xFFFFFEC0]  }
0xbe: {  	v22 =	vld [tilespmem:s17+$0xFFFFFE60]  }
0xbf: {  	s16 =	simm.s32 $0x0;
	v23 =	vld [tilespmem:s17+$0xFFFFFE70]  }
0xc0: {  	s18 =	sand.u32 $0x7C0, s16;
	v24 =	vld [tilespmem:s17+$0xFFFFFE80]  }
0xc1: {  	v25 =	vld [tilespmem:s18+$0x4880]  }
0xc2: {  	v26 =	vld [tilespmem:s18+$0x4800]  }
0xc3: {  	v27 =	vld [tilespmem:s18+$0x4780]  }
0xc4: {  	v28 =	vld [tilespmem:s18+$0x4700]  }
0xc5: {  	v1 =	vld.idx.msk [tilespmem:v1+s2+$0x0], $0xffff  }
0xc6: {  	v2 =	vld.idx.msk [tilespmem:v2+s2+$0x0], $0xffff  }
0xc7: {  	v3 =	vld.idx.msk [tilespmem:v3+s2+$0x0], $0xffff  }
0xc8: {  	v4 =	vld.idx.msk [tilespmem:v4+s2+$0x0], $0xffff  }
0xc9: {  	v5 =	vld.idx.msk [tilespmem:v5+s2+$0x0], $0xffff  }
0xca: {  	v0 =	vmul.f32 $1.442695020e+00, v0;
	v6 =	vld.idx.msk [tilespmem:v6+s2+$0x0], $0xffff  }
0xcb: {  	v7 =	vld.idx.msk [tilespmem:v7+s2+$0x0], $0xffff  }
0xcc: {  	(erf) = vpow2.f32 v0;
	v9 =	vld.idx.msk [tilespmem:v9+s2+$0x0], $0xffff;
	v1 =	vmul.f32 $1.442695020e+00, v1  }
0xcd: {  	v11 =	vld.idx.msk [tilespmem:v11+s2+$0x0], $0xffff;
	v2 =	vmul.f32 $1.442695020e+00, v2;
	v4 =	vmul.f32 $1.442695020e+00, v4  }
0xce: {  	v12 =	vld.idx.msk [tilespmem:v12+s2+$0x0], $0xffff;
	v0 =	vmul.f32 $1.442695020e+00, v3;
	v3 =	vmul.f32 $1.442695020e+00, v5  }
0xcf: {  	v15 =	vld.idx.msk [tilespmem:v15+s2+$0x0], $0xffff;
	v5 =	vmul.f32 $1.442695020e+00, v6;
	(erf) = vpow2.f32 v1  }
0xd0: {  	v1 =	vld.idx.msk [tilespmem:v16+s2+$0x0], $0xffff;
	(erf) = vpow2.f32 v2;
	v2 =	vmul.f32 $1.442695020e+00, v7  }
0xd1: {  	v6 =	vld.idx.msk [tilespmem:v18+s2+$0x0], $0xffff;
	(erf) = vpow2.f32 v4;
	v4 =	vmul.f32 $1.442695020e+00, v9  }
0xd2: {  	v7 =	vld.idx.msk [tilespmem:v19+s2+$0x0], $0xffff;
	(erf) = vpow2.f32 v3;
	v3 =	vmul.f32 $1.442695020e+00, v11  }
0xd3: {  	v9 =	vld.idx.msk [tilespmem:v22+s2+$0x0], $0xffff;
	(erf) = vpow2.f32 v2;
	v2 =	vmul.f32 $1.442695020e+00, v12  }
0xd4: {  	v11 =	vld.idx.msk [tilespmem:v23+s2+$0x0], $0xffff;
	(erf) = vpow2.f32 v4;
	v4 =	vmul.f32 $1.442695020e+00, v15  }
0xd5: {  	v12 =	vld.idx.msk [tilespmem:v28+s2+$0x0], $0xffff;
	v1 =	vmul.f32 $1.442695020e+00, v1;
	(erf) = vpow2.f32 v3  }
0xd6: {  	v18 =	vld.idx.msk [tilespmem:v14+s2+$0x0], $0xffff;
	(erf) = vpow2.f32 v2;
	v2 =	vmul.f32 $1.442695020e+00, v6  }
0xd7: {  	v16 =	vld.idx.msk [tilespmem:v21+s2+$0x0], $0xffff;
	(erf) = vpow2.f32 v4;
	v4 =	vmul.f32 $1.442695020e+00, v7  }
0xd8: {  	v15 =	vld.idx.msk [tilespmem:v24+s2+$0x0], $0xffff;
	v3 =	vpop (erf);
	v7 =	vmul.f32 $1.442695020e+00, v9  }
0xd9: {  	v6 =	vld.idx.msk [tilespmem:v20+s2+$0x0], $0xffff;
	v11 =	vmul.f32 $1.442695020e+00, v11;
	(erf) = vpow2.f32 v1;
	v1 =	vpop (erf)  }
0xda: {  	v19 =	vld.idx.msk [tilespmem:v26+s2+$0x0], $0xffff;
	v12 =	vmul.f32 $1.442695020e+00, v12;
	(erf) = vpow2.f32 v2;
	v2 =	vpop (erf)  }
0xdb: {  	v9 =	vld.idx.msk [tilespmem:v27+s2+$0x0], $0xffff;
	(erf) = vpow2.f32 v4;
	v4 =	vpop (erf)  }
0xdc: {  	v20 =	vld.idx.msk [tilespmem:v17+s2+$0x0], $0xffff;
	(erf) = vpow2.f32 v7;
	v7 =	vpop (erf)  }
0xdd: {  	v17 =	vld.idx.msk [tilespmem:v13+s2+$0x0], $0xffff;
	v15 =	vmul.f32 $1.442695020e+00, v15;
	(erf) = vpow2.f32 v11;
	v11 =	vpop (erf)  }
0xde: {  	v13 =	vld.idx.msk [tilespmem:v10+s2+$0x0], $0xffff;
	v22 =	vmul.f32 $1.442695020e+00, v6;
	(erf) = vpow2.f32 v12;
	v12 =	vpop (erf)  }
0xdf: {  	v23 =	vmul.f32 $1.442695020e+00, v16;
	v10 =	vld.idx.msk [tilespmem:v8+s2+$0x0], $0xffff;
	v8 =	vimm.f32 $0.0e+00;
	(erf) = vpow2.f32 v15;
	v14 =	vpop (erf)  }
0xe0: {  	v6 =	vimm.f32 $0.0e+00;
	v21 =	vmul.f32 $1.442695020e+00, v9;
	(erf) = vpow2.f32 v22;
	v16 =	vpop (erf)  }
0xe1: {  	s17 =	simm.s32 $0x0;
	s18 =	simm.s32 $0x4A70;
	v9 =	vimm.f32 $0.0e+00;
	v22 =	vmul.f32 $1.442695020e+00, v20;
	v20 =	vld.idx.msk [tilespmem:v25+s2+$0x0], $0xffff;
	(erf) = vpow2.f32 v23;
	v15 =	vpop (erf)  }
.LBB2_4:
0xe2: {  	v23 =	vld [tilespmem:s18+$0xFFFFFFE0];
	v17 =	vmul.f32 $1.442695020e+00, v17;
	(erf) = vpow2.f32 v21;
	v21 =	vpop (erf)  }
0xe3: {  	v18 =	vmul.f32 $1.442695020e+00, v18;
	v24 =	vld [tilespmem:s18+$0xFFFFFFF0];
	v25 =	vpop (erf);
	(erf) = vpow2.f32 v22  }
0xe4: {  	v19 =	vmul.f32 $1.442695020e+00, v19;
	v22 =	vld [tilespmem:s18+$0x0];
	v26 =	vpop (erf);
	(erf) = vpow2.f32 v17  }
0xe5: {  	v31 =	vmul.f32 $1.442695020e+00, v13;
	v17 =	vld [tilespmem:s18+$0xFFFFFF90];
	v27 =	vpop (erf);
	(erf) = vpow2.f32 v18  }
0xe6: {  	v28 =	vmul.f32 $1.442695020e+00, v10;
	v18 =	vld [tilespmem:s18+$0xFFFFFFA0];
	v29 =	vpop (erf);
	(erf) = vpow2.f32 v19  }
0xe7: {  	v20 =	vmul.f32 $1.442695020e+00, v20;
	v19 =	vld [tilespmem:s18+$0xFFFFFFB0];
	v30 =	vpop (erf);
	(erf) = vpow2.f32 v31  }
0xe8: {  	v6 =	vadd.f32 v27, v6;
	v10 =	vld [tilespmem:s18+$0xFFFFFFC0];
	v3 =	vadd.f32 v30, v3;
	v13 =	vpop (erf);
	(erf) = vpow2.f32 v5  }
0xe9: {  	v8 =	vadd.f32 v29, v8;
	v5 =	vld [tilespmem:s18+$0xFFFFFF60];
	v9 =	vadd.f32 v13, v9;
	v27 =	vpop (erf);
	(erf) = vpow2.f32 v28  }
0xea: {  	v6 =	vadd.f32 v26, v6;
	v28 =	vld [tilespmem:s18+$0xFFFFFF70];
	v3 =	vadd.f32 v25, v3;
	v25 =	vpop (erf);
	(erf) = vpow2.f32 v20  }
0xeb: {  	v8 =	vadd.f32 v27, v8;
	v13 =	vld [tilespmem:s18+$0xFFFFFF80];
	v9 =	vadd.f32 v25, v9;
	v20 =	vpop (erf);
	(erf) = vpow2.f32 v0  }
0xec: {  	v6 =	vadd.f32 v15, v6;
	v0 =	vld [tilespmem:s18+$0xFFFFFF10];
	v3 =	vadd.f32 v20, v3;
	v15 =	vpop (erf)  }
0xed: {  	v8 =	vadd.f32 v21, v8;
	v20 =	vld [tilespmem:s18+$0xFFFFFF20];
	v9 =	vadd.f32 v15, v9;
	v21 =	vpop (erf)  }
0xee: {  	v6 =	vadd.f32 v16, v6;
	v15 =	vld [tilespmem:s18+$0xFFFFFF30];
	v3 =	vadd.f32 v14, v3;
	v16 =	vpop (erf)  }
0xef: {  	v8 =	vadd.f32 v21, v8;
	v14 =	vld [tilespmem:s18+$0xFFFFFF40];
	v9 =	vadd.f32 v16, v9;
	v16 =	vpop (erf)  }
0xf0: {  	v25 =	vadd.f32 v11, v6;
	v21 =	vld [tilespmem:s18+$0xFFFFFEE0];
	v3 =	vadd.f32 v16, v3;
	v11 =	vpop (erf)  }
0xf1: {  	v8 =	vadd.f32 v12, v8;
	v16 =	vld [tilespmem:s18+$0xFFFFFEF0];
	v9 =	vadd.f32 v11, v9;
	v11 =	vpop (erf)  }
0xf2: {  	v12 =	vld [tilespmem:s18+$0xFFFFFF00];
	v3 =	vadd.f32 v4, v3;
	v4 =	vadd.f32 v7, v25;
	v6 =	vpop (erf)  }
0xf3: {  	v8 =	vadd.f32 v11, v8;
	v7 =	vld [tilespmem:s18+$0xFFFFFE90];
	v9 =	vadd.f32 v6, v9;
	v6 =	vpop (erf)  }
0xf4: {  	v11 =	vld [tilespmem:s18+$0xFFFFFEA0];
	v3 =	vadd.f32 v6, v3;
	v6 =	vadd.f32 v1, v4;
	v1 =	vpop (erf)  }
0xf5: {  	v8 =	vadd.f32 v2, v8;
	v4 =	vld [tilespmem:s18+$0xFFFFFEB0];
	v9 =	vadd.f32 v1, v9  }
0xf6: {  	v1 =	vld [tilespmem:s18+$0xFFFFFEC0]  }
0xf7: {  	v2 =	vld [tilespmem:s18+$0xFFFFFE60]  }
0xf8: {  	s16 =	sadd.s32 $0x1C0, s16;
	v25 =	vld [tilespmem:s18+$0xFFFFFE70]  }
0xf9: {  	s19 =	sand.u32 $0x7C0, s16;
	v26 =	vld [tilespmem:s18+$0xFFFFFE80]  }
0xfa: {  	v27 =	vld [tilespmem:s19+$0x4880]  }
0xfb: {  	v29 =	vld [tilespmem:s19+$0x4800]  }
0xfc: {  	v30 =	vld [tilespmem:s19+$0x4780]  }
0xfd: {  	v31 =	vld [tilespmem:s19+$0x4700]  }
0xfe: {  	v23 =	vld.idx.msk [tilespmem:v23+s2+$0x0], $0xffff  }
0xff: {  	v24 =	vld.idx.msk [tilespmem:v24+s2+$0x0], $0xffff  }
0x100: {  	v22 =	vld.idx.msk [tilespmem:v22+s2+$0x0], $0xffff  }
0x101: {  	v17 =	vld.idx.msk [tilespmem:v17+s2+$0x0], $0xffff  }
0x102: {  	v18 =	vld.idx.msk [tilespmem:v18+s2+$0x0], $0xffff  }
0x103: {  	v19 =	vld.idx.msk [tilespmem:v19+s2+$0x0], $0xffff  }
0x104: {  	v32 =	vld.idx.msk [tilespmem:v5+s2+$0x0], $0xffff  }
0x105: {  	v28 =	vld.idx.msk [tilespmem:v28+s2+$0x0], $0xffff  }
0x106: {  	s17 =	sadd.s32 $0x7, s17;
	v5 =	vmul.f32 $1.442695020e+00, v23;
	v23 =	vmul.f32 $1.442695020e+00, v24;
	v33 =	vld.idx.msk [tilespmem:v0+s2+$0x0], $0xffff  }
0x107: {  	p0 =	slt.u32 s17, $0x15;
	v17 =	vmul.f32 $1.442695020e+00, v17;
	v0 =	vmul.f32 $1.442695020e+00, v22;
	v20 =	vld.idx.msk [tilespmem:v20+s2+$0x0], $0xffff  }
0x108: {  	v18 =	vmul.f32 $1.442695020e+00, v18;
	v21 =	vld.idx.msk [tilespmem:v21+s2+$0x0], $0xffff;
	(erf) = vpow2.f32 v5  }
0x109: {  	v5 =	vmul.f32 $1.442695020e+00, v19;
	v16 =	vld.idx.msk [tilespmem:v16+s2+$0x0], $0xffff;
	(erf) = vpow2.f32 v23  }
0x10a: {  	v19 =	vmul.f32 $1.442695020e+00, v32;
	v7 =	vld.idx.msk [tilespmem:v7+s2+$0x0], $0xffff;
	(erf) = vpow2.f32 v17  }
0x10b: {  	v17 =	vmul.f32 $1.442695020e+00, v28;
	v11 =	vld.idx.msk [tilespmem:v11+s2+$0x0], $0xffff;
	(erf) = vpow2.f32 v18  }
0x10c: {  	v18 =	vmul.f32 $1.442695020e+00, v33;
	v2 =	vld.idx.msk [tilespmem:v2+s2+$0x0], $0xffff;
	(erf) = vpow2.f32 v19  }
0x10d: {  	v20 =	vmul.f32 $1.442695020e+00, v20;
	v19 =	vld.idx.msk [tilespmem:v25+s2+$0x0], $0xffff;
	(erf) = vpow2.f32 v17  }
0x10e: {  	v21 =	vmul.f32 $1.442695020e+00, v21;
	v17 =	vld.idx.msk [tilespmem:v31+s2+$0x0], $0xffff;
	(erf) = vpow2.f32 v18  }
0x10f: {  	v16 =	vmul.f32 $1.442695020e+00, v16;
	v18 =	vld.idx.msk [tilespmem:v26+s2+$0x0], $0xffff;
	(erf) = vpow2.f32 v20  }
0x110: {  	v7 =	vmul.f32 $1.442695020e+00, v7;
	v20 =	vld.idx.msk [tilespmem:v4+s2+$0x0], $0xffff;
	(erf) = vpow2.f32 v21  }
0x111: {  	v23 =	vmul.f32 $1.442695020e+00, v11;
	v21 =	vld.idx.msk [tilespmem:v1+s2+$0x0], $0xffff;
	(erf) = vpow2.f32 v16;
	v1 =	vpop (erf)  }
0x112: {  	v24 =	vmul.f32 $1.442695020e+00, v2;
	v16 =	vld.idx.msk [tilespmem:v30+s2+$0x0], $0xffff;
	(erf) = vpow2.f32 v7;
	v2 =	vpop (erf)  }
0x113: {  	v19 =	vmul.f32 $1.442695020e+00, v19;
	v22 =	vld.idx.msk [tilespmem:v12+s2+$0x0], $0xffff;
	(erf) = vpow2.f32 v23;
	v4 =	vpop (erf)  }
0x114: {  	v23 =	vmul.f32 $1.442695020e+00, v17;
	v17 =	vld.idx.msk [tilespmem:v15+s2+$0x0], $0xffff;
	(erf) = vpow2.f32 v24;
	v7 =	vpop (erf)  }
.Ltmp1:
0x115: {  	v15 =	vmul.f32 $1.442695020e+00, v18;
	v18 =	vld.idx.msk [tilespmem:v14+s2+$0x0], $0xffff;
	(erf) = vpow2.f32 v19;
	v11 =	vpop (erf);
	(pc) =	sbr.rel @p0 .LBB2_4-.Ltmp1, $4  }
0x116: {  	v20 =	vmul.f32 $1.442695020e+00, v20;
	v19 =	vld.idx.msk [tilespmem:v29+s2+$0x0], $0xffff;
	(erf) = vpow2.f32 v23;
	v12 =	vpop (erf)  }
0x117: {  	v23 =	vmul.f32 $1.442695020e+00, v21;
	v13 =	vld.idx.msk [tilespmem:v13+s2+$0x0], $0xffff;
	(erf) = vpow2.f32 v15;
	v14 =	vpop (erf)  }
0x118: {  	v21 =	vmul.f32 $1.442695020e+00, v16;
	v10 =	vld.idx.msk [tilespmem:v10+s2+$0x0], $0xffff;
	(erf) = vpow2.f32 v20;
	v16 =	vpop (erf)  }
0x119: {  	s18 =	sadd.s32 $0x1C0, s18;
	v22 =	vmul.f32 $1.442695020e+00, v22;
	v20 =	vld.idx.msk [tilespmem:v27+s2+$0x0], $0xffff;
	(erf) = vpow2.f32 v23;
	v15 =	vpop (erf)  }
0x11a: {  	v17 =	vmul.f32 $1.442695020e+00, v17  }
0x11b: {  	(erf) = vpow2.f32 v21;
	v21 =	vpop (erf);
	v18 =	vmul.f32 $1.442695020e+00, v18  }
0x11c: {  	v23 =	vpop (erf)  }
0x11d: {  	(erf) = vpow2.f32 v22;
	v22 =	vpop (erf);
	v13 =	vmul.f32 $1.442695020e+00, v13  }
0x11e: {  	v19 =	vmul.f32 $1.442695020e+00, v19;
	(erf) = vpow2.f32 v17;
	v17 =	vpop (erf)  }
0x11f: {  	(erf) = vpow2.f32 v18;
	v10 =	vmul.f32 $1.442695020e+00, v10;
	v18 =	vpop (erf)  }
0x120: {  	(erf) = vpow2.f32 v19;
	v19 =	vmul.f32 $1.442695020e+00, v20;
	v20 =	vpop (erf)  }
0x121: {  	(erf) = vpow2.f32 v13;
	v6 =	vadd.f32 v17, v6;
	v13 =	vpop (erf)  }
0x122: {  	(erf) = vpow2.f32 v5;
	v5 =	vadd.f32 v18, v8;
	v8 =	vadd.f32 v13, v9;
	v9 =	vpop (erf)  }
0x123: {  	v3 =	vadd.f32 v20, v3;
	v6 =	vadd.f32 v22, v6;
	(erf) = vpow2.f32 v10;
	v10 =	vpop (erf)  }
0x124: {  	v8 =	vadd.f32 v10, v8  }
0x125: {  	v3 =	vadd.f32 v23, v3  }
0x126: {  	(erf) = vpow2.f32 v19;
	v5 =	vadd.f32 v9, v5;
	v9 =	vpop (erf)  }
0x127: {  	(erf) = vpow2.f32 v0;
	v0 =	vadd.f32 v9, v3;
	v3 =	vadd.f32 v15, v6;
	v6 =	vpop (erf)  }
0x128: {  	v5 =	vadd.f32 v21, v5;
	v6 =	vadd.f32 v6, v8;
	v8 =	vpop (erf)  }
0x129: {  	v0 =	vadd.f32 v14, v0;
	v3 =	vadd.f32 v16, v3;
	v9 =	vpop (erf)  }
0x12a: {  	v5 =	vadd.f32 v8, v5;
	v6 =	vadd.f32 v9, v6;
	v8 =	vpop (erf)  }
0x12b: {  	v3 =	vadd.f32 v11, v3;
	v0 =	vadd.f32 v8, v0;
	v8 =	vpop (erf)  }
0x12c: {  	v6 =	vadd.f32 v8, v6  }
0x12d: {  	v5 =	vadd.f32 v12, v5;
	v3 =	vadd.f32 v7, v3  }
0x12e: {  	v8 =	vpop (erf)  }
0x12f: {  	v0 =	vadd.f32 v4, v0;
	v4 =	vpop (erf);
	v5 =	vadd.f32 v8, v5  }
0x130: {  	v4 =	vadd.f32 v4, v6;
	v6 =	vpop (erf)  }
0x131: {  	v1 =	vadd.f32 v1, v3;
	v2 =	vadd.f32 v2, v5;
	v3 =	vpop (erf)  }
0x132: {  	v0 =	vadd.f32 v6, v0;
	v3 =	vadd.f32 v3, v4;
	_ =	sdelay $0x1  }
0x133: {  	v0 =	vadd.f32 v1, v0;
	v1 =	vadd.f32 v3, v2;
	_ =	sdelay $0x1  }
0x134: {  	v0 =	vadd.f32 v1, v0;
	_ =	sdelay $0x1  }
0x135: {  	s17 =	simm.s32 $0x4FB0;
	[tilespmem:$0x5C90] =	vst v0;
	v0 =	vld [tilespmem:$0x5C20]  }
0x136: {  	v1 =	vld [tilespmem:s17+$0xFFFFFFE0]  }
0x137: {  	v2 =	vld [tilespmem:s17+$0xFFFFFFF0]  }
0x138: {  	v3 =	vld [tilespmem:s17+$0x0]  }
0x139: {  	v4 =	vld [tilespmem:s17+$0xFFFFFF90]  }
0x13a: {  	v5 =	vld [tilespmem:s17+$0xFFFFFFA0]  }
0x13b: {  	v6 =	vld [tilespmem:s17+$0xFFFFFFB0]  }
0x13c: {  	v8 =	vld [tilespmem:s17+$0xFFFFFFC0]  }
0x13d: {  	v7 =	vld [tilespmem:s17+$0xFFFFFF60]  }
0x13e: {  	v9 =	vld [tilespmem:s17+$0xFFFFFF70]  }
0x13f: {  	v10 =	vld [tilespmem:s17+$0xFFFFFF80]  }
0x140: {  	v11 =	vld [tilespmem:s17+$0xFFFFFF10]  }
0x141: {  	v12 =	vld [tilespmem:s17+$0xFFFFFF20]  }
0x142: {  	v13 =	vld [tilespmem:s17+$0xFFFFFF30]  }
0x143: {  	v14 =	vld [tilespmem:s17+$0xFFFFFF40]  }
0x144: {  	v15 =	vld [tilespmem:s17+$0xFFFFFEE0]  }
0x145: {  	v16 =	vld [tilespmem:s17+$0xFFFFFEF0]  }
0x146: {  	v17 =	vld [tilespmem:s17+$0xFFFFFF00]  }
0x147: {  	v18 =	vld [tilespmem:s17+$0xFFFFFE90]  }
0x148: {  	v19 =	vld [tilespmem:s17+$0xFFFFFEA0]  }
0x149: {  	v20 =	vld [tilespmem:s17+$0xFFFFFEB0]  }
0x14a: {  	v21 =	vld [tilespmem:s17+$0xFFFFFEC0]  }
0x14b: {  	v22 =	vld [tilespmem:s17+$0xFFFFFE60]  }
0x14c: {  	s16 =	simm.s32 $0x0;
	v23 =	vld [tilespmem:s17+$0xFFFFFE70]  }
0x14d: {  	s18 =	sand.u32 $0x7C0, s16;
	v24 =	vld [tilespmem:s17+$0xFFFFFE80]  }
0x14e: {  	v25 =	vld [tilespmem:s18+$0x4F80]  }
0x14f: {  	v26 =	vld [tilespmem:s18+$0x4F00]  }
0x150: {  	v27 =	vld [tilespmem:s18+$0x4E80]  }
0x151: {  	v28 =	vld [tilespmem:s18+$0x4E00]  }
0x152: {  	v1 =	vld.idx.msk [tilespmem:v1+s2+$0x0], $0xffff  }
0x153: {  	v2 =	vld.idx.msk [tilespmem:v2+s2+$0x0], $0xffff  }
0x154: {  	v3 =	vld.idx.msk [tilespmem:v3+s2+$0x0], $0xffff  }
0x155: {  	v4 =	vld.idx.msk [tilespmem:v4+s2+$0x0], $0xffff  }
0x156: {  	v5 =	vld.idx.msk [tilespmem:v5+s2+$0x0], $0xffff  }
0x157: {  	v0 =	vmul.f32 $1.442695020e+00, v0;
	v6 =	vld.idx.msk [tilespmem:v6+s2+$0x0], $0xffff  }
0x158: {  	v7 =	vld.idx.msk [tilespmem:v7+s2+$0x0], $0xffff  }
0x159: {  	(erf) = vpow2.f32 v0;
	v9 =	vld.idx.msk [tilespmem:v9+s2+$0x0], $0xffff;
	v1 =	vmul.f32 $1.442695020e+00, v1  }
0x15a: {  	v11 =	vld.idx.msk [tilespmem:v11+s2+$0x0], $0xffff;
	v2 =	vmul.f32 $1.442695020e+00, v2;
	v4 =	vmul.f32 $1.442695020e+00, v4  }
0x15b: {  	v12 =	vld.idx.msk [tilespmem:v12+s2+$0x0], $0xffff;
	v0 =	vmul.f32 $1.442695020e+00, v3;
	v3 =	vmul.f32 $1.442695020e+00, v5  }
0x15c: {  	v15 =	vld.idx.msk [tilespmem:v15+s2+$0x0], $0xffff;
	v5 =	vmul.f32 $1.442695020e+00, v6;
	(erf) = vpow2.f32 v1  }
0x15d: {  	v1 =	vld.idx.msk [tilespmem:v16+s2+$0x0], $0xffff;
	(erf) = vpow2.f32 v2;
	v2 =	vmul.f32 $1.442695020e+00, v7  }
0x15e: {  	v6 =	vld.idx.msk [tilespmem:v18+s2+$0x0], $0xffff;
	(erf) = vpow2.f32 v4;
	v4 =	vmul.f32 $1.442695020e+00, v9  }
0x15f: {  	v7 =	vld.idx.msk [tilespmem:v19+s2+$0x0], $0xffff;
	(erf) = vpow2.f32 v3;
	v3 =	vmul.f32 $1.442695020e+00, v11  }
0x160: {  	v9 =	vld.idx.msk [tilespmem:v22+s2+$0x0], $0xffff;
	(erf) = vpow2.f32 v2;
	v2 =	vmul.f32 $1.442695020e+00, v12  }
0x161: {  	v11 =	vld.idx.msk [tilespmem:v23+s2+$0x0], $0xffff;
	(erf) = vpow2.f32 v4;
	v4 =	vmul.f32 $1.442695020e+00, v15  }
0x162: {  	v12 =	vld.idx.msk [tilespmem:v28+s2+$0x0], $0xffff;
	v1 =	vmul.f32 $1.442695020e+00, v1;
	(erf) = vpow2.f32 v3  }
0x163: {  	v18 =	vld.idx.msk [tilespmem:v14+s2+$0x0], $0xffff;
	(erf) = vpow2.f32 v2;
	v2 =	vmul.f32 $1.442695020e+00, v6  }
0x164: {  	v16 =	vld.idx.msk [tilespmem:v21+s2+$0x0], $0xffff;
	(erf) = vpow2.f32 v4;
	v4 =	vmul.f32 $1.442695020e+00, v7  }
0x165: {  	v15 =	vld.idx.msk [tilespmem:v24+s2+$0x0], $0xffff;
	v3 =	vpop (erf);
	v7 =	vmul.f32 $1.442695020e+00, v9  }
0x166: {  	v6 =	vld.idx.msk [tilespmem:v20+s2+$0x0], $0xffff;
	v11 =	vmul.f32 $1.442695020e+00, v11;
	(erf) = vpow2.f32 v1;
	v1 =	vpop (erf)  }
0x167: {  	v19 =	vld.idx.msk [tilespmem:v26+s2+$0x0], $0xffff;
	v12 =	vmul.f32 $1.442695020e+00, v12;
	(erf) = vpow2.f32 v2;
	v2 =	vpop (erf)  }
0x168: {  	v9 =	vld.idx.msk [tilespmem:v27+s2+$0x0], $0xffff;
	(erf) = vpow2.f32 v4;
	v4 =	vpop (erf)  }
0x169: {  	v20 =	vld.idx.msk [tilespmem:v17+s2+$0x0], $0xffff;
	(erf) = vpow2.f32 v7;
	v7 =	vpop (erf)  }
0x16a: {  	v17 =	vld.idx.msk [tilespmem:v13+s2+$0x0], $0xffff;
	v15 =	vmul.f32 $1.442695020e+00, v15;
	(erf) = vpow2.f32 v11;
	v11 =	vpop (erf)  }
0x16b: {  	v13 =	vld.idx.msk [tilespmem:v10+s2+$0x0], $0xffff;
	v22 =	vmul.f32 $1.442695020e+00, v6;
	(erf) = vpow2.f32 v12;
	v12 =	vpop (erf)  }
0x16c: {  	v23 =	vmul.f32 $1.442695020e+00, v16;
	v10 =	vld.idx.msk [tilespmem:v8+s2+$0x0], $0xffff;
	v8 =	vimm.f32 $0.0e+00;
	(erf) = vpow2.f32 v15;
	v14 =	vpop (erf)  }
0x16d: {  	v6 =	vimm.f32 $0.0e+00;
	v21 =	vmul.f32 $1.442695020e+00, v9;
	(erf) = vpow2.f32 v22;
	v16 =	vpop (erf)  }
0x16e: {  	s17 =	simm.s32 $0x0;
	s18 =	simm.s32 $0x5170;
	v9 =	vimm.f32 $0.0e+00;
	v22 =	vmul.f32 $1.442695020e+00, v20;
	v20 =	vld.idx.msk [tilespmem:v25+s2+$0x0], $0xffff;
	(erf) = vpow2.f32 v23;
	v15 =	vpop (erf)  }
.LBB2_6:
0x16f: {  	v23 =	vld [tilespmem:s18+$0xFFFFFFE0];
	v17 =	vmul.f32 $1.442695020e+00, v17;
	(erf) = vpow2.f32 v21;
	v21 =	vpop (erf)  }
0x170: {  	v18 =	vmul.f32 $1.442695020e+00, v18;
	v24 =	vld [tilespmem:s18+$0xFFFFFFF0];
	v25 =	vpop (erf);
	(erf) = vpow2.f32 v22  }
0x171: {  	v19 =	vmul.f32 $1.442695020e+00, v19;
	v22 =	vld [tilespmem:s18+$0x0];
	v26 =	vpop (erf);
	(erf) = vpow2.f32 v17  }
0x172: {  	v31 =	vmul.f32 $1.442695020e+00, v13;
	v17 =	vld [tilespmem:s18+$0xFFFFFF90];
	v27 =	vpop (erf);
	(erf) = vpow2.f32 v18  }
0x173: {  	v28 =	vmul.f32 $1.442695020e+00, v10;
	v18 =	vld [tilespmem:s18+$0xFFFFFFA0];
	v29 =	vpop (erf);
	(erf) = vpow2.f32 v19  }
0x174: {  	v20 =	vmul.f32 $1.442695020e+00, v20;
	v19 =	vld [tilespmem:s18+$0xFFFFFFB0];
	v30 =	vpop (erf);
	(erf) = vpow2.f32 v31  }
0x175: {  	v6 =	vadd.f32 v27, v6;
	v10 =	vld [tilespmem:s18+$0xFFFFFFC0];
	v3 =	vadd.f32 v30, v3;
	v13 =	vpop (erf);
	(erf) = vpow2.f32 v5  }
0x176: {  	v8 =	vadd.f32 v29, v8;
	v5 =	vld [tilespmem:s18+$0xFFFFFF60];
	v9 =	vadd.f32 v13, v9;
	v27 =	vpop (erf);
	(erf) = vpow2.f32 v28  }
0x177: {  	v6 =	vadd.f32 v26, v6;
	v28 =	vld [tilespmem:s18+$0xFFFFFF70];
	v3 =	vadd.f32 v25, v3;
	v25 =	vpop (erf);
	(erf) = vpow2.f32 v20  }
0x178: {  	v8 =	vadd.f32 v27, v8;
	v13 =	vld [tilespmem:s18+$0xFFFFFF80];
	v9 =	vadd.f32 v25, v9;
	v20 =	vpop (erf);
	(erf) = vpow2.f32 v0  }
0x179: {  	v6 =	vadd.f32 v15, v6;
	v0 =	vld [tilespmem:s18+$0xFFFFFF10];
	v3 =	vadd.f32 v20, v3;
	v15 =	vpop (erf)  }
0x17a: {  	v8 =	vadd.f32 v21, v8;
	v20 =	vld [tilespmem:s18+$0xFFFFFF20];
	v9 =	vadd.f32 v15, v9;
	v21 =	vpop (erf)  }
0x17b: {  	v6 =	vadd.f32 v16, v6;
	v15 =	vld [tilespmem:s18+$0xFFFFFF30];
	v3 =	vadd.f32 v14, v3;
	v16 =	vpop (erf)  }
0x17c: {  	v8 =	vadd.f32 v21, v8;
	v14 =	vld [tilespmem:s18+$0xFFFFFF40];
	v9 =	vadd.f32 v16, v9;
	v16 =	vpop (erf)  }
0x17d: {  	v25 =	vadd.f32 v11, v6;
	v21 =	vld [tilespmem:s18+$0xFFFFFEE0];
	v3 =	vadd.f32 v16, v3;
	v11 =	vpop (erf)  }
0x17e: {  	v8 =	vadd.f32 v12, v8;
	v16 =	vld [tilespmem:s18+$0xFFFFFEF0];
	v9 =	vadd.f32 v11, v9;
	v11 =	vpop (erf)  }
0x17f: {  	v12 =	vld [tilespmem:s18+$0xFFFFFF00];
	v3 =	vadd.f32 v4, v3;
	v4 =	vadd.f32 v7, v25;
	v6 =	vpop (erf)  }
0x180: {  	v8 =	vadd.f32 v11, v8;
	v7 =	vld [tilespmem:s18+$0xFFFFFE90];
	v9 =	vadd.f32 v6, v9;
	v6 =	vpop (erf)  }
0x181: {  	v11 =	vld [tilespmem:s18+$0xFFFFFEA0];
	v3 =	vadd.f32 v6, v3;
	v6 =	vadd.f32 v1, v4;
	v1 =	vpop (erf)  }
0x182: {  	v8 =	vadd.f32 v2, v8;
	v4 =	vld [tilespmem:s18+$0xFFFFFEB0];
	v9 =	vadd.f32 v1, v9  }
0x183: {  	v1 =	vld [tilespmem:s18+$0xFFFFFEC0]  }
0x184: {  	v2 =	vld [tilespmem:s18+$0xFFFFFE60]  }
0x185: {  	s16 =	sadd.s32 $0x1C0, s16;
	v25 =	vld [tilespmem:s18+$0xFFFFFE70]  }
0x186: {  	s19 =	sand.u32 $0x7C0, s16;
	v26 =	vld [tilespmem:s18+$0xFFFFFE80]  }
0x187: {  	v27 =	vld [tilespmem:s19+$0x4F80]  }
0x188: {  	v29 =	vld [tilespmem:s19+$0x4F00]  }
0x189: {  	v30 =	vld [tilespmem:s19+$0x4E80]  }
0x18a: {  	v31 =	vld [tilespmem:s19+$0x4E00]  }
0x18b: {  	v23 =	vld.idx.msk [tilespmem:v23+s2+$0x0], $0xffff  }
0x18c: {  	v24 =	vld.idx.msk [tilespmem:v24+s2+$0x0], $0xffff  }
0x18d: {  	v22 =	vld.idx.msk [tilespmem:v22+s2+$0x0], $0xffff  }
0x18e: {  	v17 =	vld.idx.msk [tilespmem:v17+s2+$0x0], $0xffff  }
0x18f: {  	v18 =	vld.idx.msk [tilespmem:v18+s2+$0x0], $0xffff  }
0x190: {  	v19 =	vld.idx.msk [tilespmem:v19+s2+$0x0], $0xffff  }
0x191: {  	v32 =	vld.idx.msk [tilespmem:v5+s2+$0x0], $0xffff  }
0x192: {  	v28 =	vld.idx.msk [tilespmem:v28+s2+$0x0], $0xffff  }
0x193: {  	s17 =	sadd.s32 $0x7, s17;
	v5 =	vmul.f32 $1.442695020e+00, v23;
	v23 =	vmul.f32 $1.442695020e+00, v24;
	v33 =	vld.idx.msk [tilespmem:v0+s2+$0x0], $0xffff  }
0x194: {  	p0 =	slt.u32 s17, $0x15;
	v17 =	vmul.f32 $1.442695020e+00, v17;
	v0 =	vmul.f32 $1.442695020e+00, v22;
	v20 =	vld.idx.msk [tilespmem:v20+s2+$0x0], $0xffff  }
0x195: {  	v18 =	vmul.f32 $1.442695020e+00, v18;
	v21 =	vld.idx.msk [tilespmem:v21+s2+$0x0], $0xffff;
	(erf) = vpow2.f32 v5  }
0x196: {  	v5 =	vmul.f32 $1.442695020e+00, v19;
	v16 =	vld.idx.msk [tilespmem:v16+s2+$0x0], $0xffff;
	(erf) = vpow2.f32 v23  }
0x197: {  	v19 =	vmul.f32 $1.442695020e+00, v32;
	v7 =	vld.idx.msk [tilespmem:v7+s2+$0x0], $0xffff;
	(erf) = vpow2.f32 v17  }
0x198: {  	v17 =	vmul.f32 $1.442695020e+00, v28;
	v11 =	vld.idx.msk [tilespmem:v11+s2+$0x0], $0xffff;
	(erf) = vpow2.f32 v18  }
0x199: {  	v18 =	vmul.f32 $1.442695020e+00, v33;
	v2 =	vld.idx.msk [tilespmem:v2+s2+$0x0], $0xffff;
	(erf) = vpow2.f32 v19  }
0x19a: {  	v20 =	vmul.f32 $1.442695020e+00, v20;
	v19 =	vld.idx.msk [tilespmem:v25+s2+$0x0], $0xffff;
	(erf) = vpow2.f32 v17  }
0x19b: {  	v21 =	vmul.f32 $1.442695020e+00, v21;
	v17 =	vld.idx.msk [tilespmem:v31+s2+$0x0], $0xffff;
	(erf) = vpow2.f32 v18  }
0x19c: {  	v16 =	vmul.f32 $1.442695020e+00, v16;
	v18 =	vld.idx.msk [tilespmem:v26+s2+$0x0], $0xffff;
	(erf) = vpow2.f32 v20  }
0x19d: {  	v7 =	vmul.f32 $1.442695020e+00, v7;
	v20 =	vld.idx.msk [tilespmem:v4+s2+$0x0], $0xffff;
	(erf) = vpow2.f32 v21  }
0x19e: {  	v23 =	vmul.f32 $1.442695020e+00, v11;
	v21 =	vld.idx.msk [tilespmem:v1+s2+$0x0], $0xffff;
	(erf) = vpow2.f32 v16;
	v1 =	vpop (erf)  }
0x19f: {  	v24 =	vmul.f32 $1.442695020e+00, v2;
	v16 =	vld.idx.msk [tilespmem:v30+s2+$0x0], $0xffff;
	(erf) = vpow2.f32 v7;
	v2 =	vpop (erf)  }
0x1a0: {  	v19 =	vmul.f32 $1.442695020e+00, v19;
	v22 =	vld.idx.msk [tilespmem:v12+s2+$0x0], $0xffff;
	(erf) = vpow2.f32 v23;
	v4 =	vpop (erf)  }
0x1a1: {  	v23 =	vmul.f32 $1.442695020e+00, v17;
	v17 =	vld.idx.msk [tilespmem:v15+s2+$0x0], $0xffff;
	(erf) = vpow2.f32 v24;
	v7 =	vpop (erf)  }
.Ltmp2:
0x1a2: {  	v15 =	vmul.f32 $1.442695020e+00, v18;
	v18 =	vld.idx.msk [tilespmem:v14+s2+$0x0], $0xffff;
	(erf) = vpow2.f32 v19;
	v11 =	vpop (erf);
	(pc) =	sbr.rel @p0 .LBB2_6-.Ltmp2, $4  }
0x1a3: {  	v20 =	vmul.f32 $1.442695020e+00, v20;
	v19 =	vld.idx.msk [tilespmem:v29+s2+$0x0], $0xffff;
	(erf) = vpow2.f32 v23;
	v12 =	vpop (erf)  }
0x1a4: {  	v23 =	vmul.f32 $1.442695020e+00, v21;
	v13 =	vld.idx.msk [tilespmem:v13+s2+$0x0], $0xffff;
	(erf) = vpow2.f32 v15;
	v14 =	vpop (erf)  }
0x1a5: {  	v21 =	vmul.f32 $1.442695020e+00, v16;
	v10 =	vld.idx.msk [tilespmem:v10+s2+$0x0], $0xffff;
	(erf) = vpow2.f32 v20;
	v16 =	vpop (erf)  }
0x1a6: {  	s18 =	sadd.s32 $0x1C0, s18;
	v22 =	vmul.f32 $1.442695020e+00, v22;
	v20 =	vld.idx.msk [tilespmem:v27+s2+$0x0], $0xffff;
	(erf) = vpow2.f32 v23;
	v15 =	vpop (erf)  }
0x1a7: {  	v17 =	vmul.f32 $1.442695020e+00, v17  }
0x1a8: {  	(erf) = vpow2.f32 v21;
	v21 =	vpop (erf);
	v18 =	vmul.f32 $1.442695020e+00, v18  }
0x1a9: {  	v23 =	vpop (erf)  }
0x1aa: {  	(erf) = vpow2.f32 v22;
	v22 =	vpop (erf);
	v13 =	vmul.f32 $1.442695020e+00, v13  }
0x1ab: {  	v19 =	vmul.f32 $1.442695020e+00, v19;
	(erf) = vpow2.f32 v17;
	v17 =	vpop (erf)  }
0x1ac: {  	(erf) = vpow2.f32 v18;
	v10 =	vmul.f32 $1.442695020e+00, v10;
	v18 =	vpop (erf)  }
0x1ad: {  	(erf) = vpow2.f32 v19;
	v19 =	vmul.f32 $1.442695020e+00, v20;
	v20 =	vpop (erf)  }
0x1ae: {  	(erf) = vpow2.f32 v13;
	v6 =	vadd.f32 v17, v6;
	v13 =	vpop (erf)  }
0x1af: {  	(erf) = vpow2.f32 v5;
	v5 =	vadd.f32 v18, v8;
	v8 =	vadd.f32 v13, v9;
	v9 =	vpop (erf)  }
0x1b0: {  	v3 =	vadd.f32 v20, v3;
	v6 =	vadd.f32 v22, v6;
	(erf) = vpow2.f32 v10;
	v10 =	vpop (erf)  }
0x1b1: {  	v8 =	vadd.f32 v10, v8  }
0x1b2: {  	v3 =	vadd.f32 v23, v3  }
0x1b3: {  	(erf) = vpow2.f32 v19;
	v5 =	vadd.f32 v9, v5;
	v9 =	vpop (erf)  }
0x1b4: {  	(erf) = vpow2.f32 v0;
	v0 =	vadd.f32 v9, v3;
	v3 =	vadd.f32 v15, v6;
	v6 =	vpop (erf)  }
0x1b5: {  	v5 =	vadd.f32 v21, v5;
	v6 =	vadd.f32 v6, v8;
	v8 =	vpop (erf)  }
0x1b6: {  	v0 =	vadd.f32 v14, v0;
	v3 =	vadd.f32 v16, v3;
	v9 =	vpop (erf)  }
0x1b7: {  	v5 =	vadd.f32 v8, v5;
	v6 =	vadd.f32 v9, v6;
	v8 =	vpop (erf)  }
0x1b8: {  	v3 =	vadd.f32 v11, v3;
	v0 =	vadd.f32 v8, v0;
	v8 =	vpop (erf)  }
0x1b9: {  	v6 =	vadd.f32 v8, v6  }
0x1ba: {  	v5 =	vadd.f32 v12, v5;
	v3 =	vadd.f32 v7, v3  }
0x1bb: {  	v8 =	vpop (erf)  }
0x1bc: {  	v0 =	vadd.f32 v4, v0;
	v4 =	vpop (erf);
	v5 =	vadd.f32 v8, v5  }
0x1bd: {  	v4 =	vadd.f32 v4, v6;
	v6 =	vpop (erf)  }
0x1be: {  	v1 =	vadd.f32 v1, v3;
	v2 =	vadd.f32 v2, v5;
	v3 =	vpop (erf)  }
0x1bf: {  	v0 =	vadd.f32 v6, v0;
	v3 =	vadd.f32 v3, v4;
	_ =	sdelay $0x1  }
0x1c0: {  	v0 =	vadd.f32 v1, v0;
	v1 =	vadd.f32 v3, v2;
	_ =	sdelay $0x1  }
0x1c1: {  	v0 =	vadd.f32 v1, v0;
	_ =	sdelay $0x1  }
0x1c2: {  	s17 =	simm.s32 $0x56B0;
	[tilespmem:$0x5CA0] =	vst v0;
	v0 =	vld [tilespmem:$0x5C30]  }
0x1c3: {  	v1 =	vld [tilespmem:s17+$0xFFFFFFE0]  }
0x1c4: {  	v2 =	vld [tilespmem:s17+$0xFFFFFFF0]  }
0x1c5: {  	v3 =	vld [tilespmem:s17+$0x0]  }
0x1c6: {  	v4 =	vld [tilespmem:s17+$0xFFFFFF90]  }
0x1c7: {  	v5 =	vld [tilespmem:s17+$0xFFFFFFA0]  }
0x1c8: {  	v6 =	vld [tilespmem:s17+$0xFFFFFFB0]  }
0x1c9: {  	v8 =	vld [tilespmem:s17+$0xFFFFFFC0]  }
0x1ca: {  	v7 =	vld [tilespmem:s17+$0xFFFFFF60]  }
0x1cb: {  	v9 =	vld [tilespmem:s17+$0xFFFFFF70]  }
0x1cc: {  	v10 =	vld [tilespmem:s17+$0xFFFFFF80]  }
0x1cd: {  	v11 =	vld [tilespmem:s17+$0xFFFFFF10]  }
0x1ce: {  	v12 =	vld [tilespmem:s17+$0xFFFFFF20]  }
0x1cf: {  	v13 =	vld [tilespmem:s17+$0xFFFFFF30]  }
0x1d0: {  	v14 =	vld [tilespmem:s17+$0xFFFFFF40]  }
0x1d1: {  	v15 =	vld [tilespmem:s17+$0xFFFFFEE0]  }
0x1d2: {  	v16 =	vld [tilespmem:s17+$0xFFFFFEF0]  }
0x1d3: {  	v17 =	vld [tilespmem:s17+$0xFFFFFF00]  }
0x1d4: {  	v18 =	vld [tilespmem:s17+$0xFFFFFE90]  }
0x1d5: {  	v19 =	vld [tilespmem:s17+$0xFFFFFEA0]  }
0x1d6: {  	v20 =	vld [tilespmem:s17+$0xFFFFFEB0]  }
0x1d7: {  	v21 =	vld [tilespmem:s17+$0xFFFFFEC0]  }
0x1d8: {  	v22 =	vld [tilespmem:s17+$0xFFFFFE60]  }
0x1d9: {  	s16 =	simm.s32 $0x0;
	v23 =	vld [tilespmem:s17+$0xFFFFFE70]  }
0x1da: {  	s18 =	sand.u32 $0x7C0, s16;
	v24 =	vld [tilespmem:s17+$0xFFFFFE80]  }
0x1db: {  	v25 =	vld [tilespmem:s18+$0x5680]  }
0x1dc: {  	v26 =	vld [tilespmem:s18+$0x5600]  }
0x1dd: {  	v27 =	vld [tilespmem:s18+$0x5580]  }
0x1de: {  	v28 =	vld [tilespmem:s18+$0x5500]  }
0x1df: {  	v1 =	vld.idx.msk [tilespmem:v1+s2+$0x0], $0xffff  }
0x1e0: {  	v2 =	vld.idx.msk [tilespmem:v2+s2+$0x0], $0xffff  }
0x1e1: {  	v3 =	vld.idx.msk [tilespmem:v3+s2+$0x0], $0xffff  }
0x1e2: {  	v4 =	vld.idx.msk [tilespmem:v4+s2+$0x0], $0xffff  }
0x1e3: {  	v5 =	vld.idx.msk [tilespmem:v5+s2+$0x0], $0xffff  }
0x1e4: {  	v0 =	vmul.f32 $1.442695020e+00, v0;
	v6 =	vld.idx.msk [tilespmem:v6+s2+$0x0], $0xffff  }
0x1e5: {  	v7 =	vld.idx.msk [tilespmem:v7+s2+$0x0], $0xffff  }
0x1e6: {  	(erf) = vpow2.f32 v0;
	v9 =	vld.idx.msk [tilespmem:v9+s2+$0x0], $0xffff;
	v1 =	vmul.f32 $1.442695020e+00, v1  }
0x1e7: {  	v11 =	vld.idx.msk [tilespmem:v11+s2+$0x0], $0xffff;
	v2 =	vmul.f32 $1.442695020e+00, v2;
	v4 =	vmul.f32 $1.442695020e+00, v4  }
0x1e8: {  	v12 =	vld.idx.msk [tilespmem:v12+s2+$0x0], $0xffff;
	v0 =	vmul.f32 $1.442695020e+00, v3;
	v3 =	vmul.f32 $1.442695020e+00, v5  }
0x1e9: {  	v15 =	vld.idx.msk [tilespmem:v15+s2+$0x0], $0xffff;
	v5 =	vmul.f32 $1.442695020e+00, v6;
	(erf) = vpow2.f32 v1  }
0x1ea: {  	v1 =	vld.idx.msk [tilespmem:v16+s2+$0x0], $0xffff;
	(erf) = vpow2.f32 v2;
	v2 =	vmul.f32 $1.442695020e+00, v7  }
0x1eb: {  	v6 =	vld.idx.msk [tilespmem:v18+s2+$0x0], $0xffff;
	(erf) = vpow2.f32 v4;
	v4 =	vmul.f32 $1.442695020e+00, v9  }
0x1ec: {  	v7 =	vld.idx.msk [tilespmem:v19+s2+$0x0], $0xffff;
	(erf) = vpow2.f32 v3;
	v3 =	vmul.f32 $1.442695020e+00, v11  }
0x1ed: {  	v9 =	vld.idx.msk [tilespmem:v22+s2+$0x0], $0xffff;
	(erf) = vpow2.f32 v2;
	v2 =	vmul.f32 $1.442695020e+00, v12  }
0x1ee: {  	v11 =	vld.idx.msk [tilespmem:v23+s2+$0x0], $0xffff;
	(erf) = vpow2.f32 v4;
	v4 =	vmul.f32 $1.442695020e+00, v15  }
0x1ef: {  	v12 =	vld.idx.msk [tilespmem:v28+s2+$0x0], $0xffff;
	v1 =	vmul.f32 $1.442695020e+00, v1;
	(erf) = vpow2.f32 v3  }
0x1f0: {  	v18 =	vld.idx.msk [tilespmem:v14+s2+$0x0], $0xffff;
	(erf) = vpow2.f32 v2;
	v2 =	vmul.f32 $1.442695020e+00, v6  }
0x1f1: {  	v16 =	vld.idx.msk [tilespmem:v21+s2+$0x0], $0xffff;
	(erf) = vpow2.f32 v4;
	v4 =	vmul.f32 $1.442695020e+00, v7  }
0x1f2: {  	v15 =	vld.idx.msk [tilespmem:v24+s2+$0x0], $0xffff;
	v3 =	vpop (erf);
	v7 =	vmul.f32 $1.442695020e+00, v9  }
0x1f3: {  	v6 =	vld.idx.msk [tilespmem:v20+s2+$0x0], $0xffff;
	v11 =	vmul.f32 $1.442695020e+00, v11;
	(erf) = vpow2.f32 v1;
	v1 =	vpop (erf)  }
0x1f4: {  	v19 =	vld.idx.msk [tilespmem:v26+s2+$0x0], $0xffff;
	v12 =	vmul.f32 $1.442695020e+00, v12;
	(erf) = vpow2.f32 v2;
	v2 =	vpop (erf)  }
0x1f5: {  	v9 =	vld.idx.msk [tilespmem:v27+s2+$0x0], $0xffff;
	(erf) = vpow2.f32 v4;
	v4 =	vpop (erf)  }
0x1f6: {  	v20 =	vld.idx.msk [tilespmem:v17+s2+$0x0], $0xffff;
	(erf) = vpow2.f32 v7;
	v7 =	vpop (erf)  }
0x1f7: {  	v17 =	vld.idx.msk [tilespmem:v13+s2+$0x0], $0xffff;
	v15 =	vmul.f32 $1.442695020e+00, v15;
	(erf) = vpow2.f32 v11;
	v11 =	vpop (erf)  }
0x1f8: {  	v13 =	vld.idx.msk [tilespmem:v10+s2+$0x0], $0xffff;
	v22 =	vmul.f32 $1.442695020e+00, v6;
	(erf) = vpow2.f32 v12;
	v12 =	vpop (erf)  }
0x1f9: {  	v23 =	vmul.f32 $1.442695020e+00, v16;
	v10 =	vld.idx.msk [tilespmem:v8+s2+$0x0], $0xffff;
	v8 =	vimm.f32 $0.0e+00;
	(erf) = vpow2.f32 v15;
	v14 =	vpop (erf)  }
0x1fa: {  	v6 =	vimm.f32 $0.0e+00;
	v21 =	vmul.f32 $1.442695020e+00, v9;
	(erf) = vpow2.f32 v22;
	v16 =	vpop (erf)  }
0x1fb: {  	s17 =	simm.s32 $0x0;
	s18 =	simm.s32 $0x5870;
	v9 =	vimm.f32 $0.0e+00;
	v22 =	vmul.f32 $1.442695020e+00, v20;
	v20 =	vld.idx.msk [tilespmem:v25+s2+$0x0], $0xffff;
	(erf) = vpow2.f32 v23;
	v15 =	vpop (erf)  }
.LBB2_8:
0x1fc: {  	v23 =	vld [tilespmem:s18+$0xFFFFFFE0];
	v17 =	vmul.f32 $1.442695020e+00, v17;
	(erf) = vpow2.f32 v21;
	v21 =	vpop (erf)  }
0x1fd: {  	v18 =	vmul.f32 $1.442695020e+00, v18;
	v24 =	vld [tilespmem:s18+$0xFFFFFFF0];
	v25 =	vpop (erf);
	(erf) = vpow2.f32 v22  }
0x1fe: {  	v19 =	vmul.f32 $1.442695020e+00, v19;
	v22 =	vld [tilespmem:s18+$0x0];
	v26 =	vpop (erf);
	(erf) = vpow2.f32 v17  }
0x1ff: {  	v31 =	vmul.f32 $1.442695020e+00, v13;
	v17 =	vld [tilespmem:s18+$0xFFFFFF90];
	v27 =	vpop (erf);
	(erf) = vpow2.f32 v18  }
0x200: {  	v28 =	vmul.f32 $1.442695020e+00, v10;
	v18 =	vld [tilespmem:s18+$0xFFFFFFA0];
	v29 =	vpop (erf);
	(erf) = vpow2.f32 v19  }
0x201: {  	v20 =	vmul.f32 $1.442695020e+00, v20;
	v19 =	vld [tilespmem:s18+$0xFFFFFFB0];
	v30 =	vpop (erf);
	(erf) = vpow2.f32 v31  }
0x202: {  	v6 =	vadd.f32 v27, v6;
	v10 =	vld [tilespmem:s18+$0xFFFFFFC0];
	v3 =	vadd.f32 v30, v3;
	v13 =	vpop (erf);
	(erf) = vpow2.f32 v5  }
0x203: {  	v8 =	vadd.f32 v29, v8;
	v5 =	vld [tilespmem:s18+$0xFFFFFF60];
	v9 =	vadd.f32 v13, v9;
	v27 =	vpop (erf);
	(erf) = vpow2.f32 v28  }
0x204: {  	v6 =	vadd.f32 v26, v6;
	v28 =	vld [tilespmem:s18+$0xFFFFFF70];
	v3 =	vadd.f32 v25, v3;
	v25 =	vpop (erf);
	(erf) = vpow2.f32 v20  }
0x205: {  	v8 =	vadd.f32 v27, v8;
	v13 =	vld [tilespmem:s18+$0xFFFFFF80];
	v9 =	vadd.f32 v25, v9;
	v20 =	vpop (erf);
	(erf) = vpow2.f32 v0  }
0x206: {  	v6 =	vadd.f32 v15, v6;
	v0 =	vld [tilespmem:s18+$0xFFFFFF10];
	v3 =	vadd.f32 v20, v3;
	v15 =	vpop (erf)  }
0x207: {  	v8 =	vadd.f32 v21, v8;
	v20 =	vld [tilespmem:s18+$0xFFFFFF20];
	v9 =	vadd.f32 v15, v9;
	v21 =	vpop (erf)  }
0x208: {  	v6 =	vadd.f32 v16, v6;
	v15 =	vld [tilespmem:s18+$0xFFFFFF30];
	v3 =	vadd.f32 v14, v3;
	v16 =	vpop (erf)  }
0x209: {  	v8 =	vadd.f32 v21, v8;
	v14 =	vld [tilespmem:s18+$0xFFFFFF40];
	v9 =	vadd.f32 v16, v9;
	v16 =	vpop (erf)  }
0x20a: {  	v25 =	vadd.f32 v11, v6;
	v21 =	vld [tilespmem:s18+$0xFFFFFEE0];
	v3 =	vadd.f32 v16, v3;
	v11 =	vpop (erf)  }
0x20b: {  	v8 =	vadd.f32 v12, v8;
	v16 =	vld [tilespmem:s18+$0xFFFFFEF0];
	v9 =	vadd.f32 v11, v9;
	v11 =	vpop (erf)  }
0x20c: {  	v12 =	vld [tilespmem:s18+$0xFFFFFF00];
	v3 =	vadd.f32 v4, v3;
	v4 =	vadd.f32 v7, v25;
	v6 =	vpop (erf)  }
0x20d: {  	v8 =	vadd.f32 v11, v8;
	v7 =	vld [tilespmem:s18+$0xFFFFFE90];
	v9 =	vadd.f32 v6, v9;
	v6 =	vpop (erf)  }
0x20e: {  	v11 =	vld [tilespmem:s18+$0xFFFFFEA0];
	v3 =	vadd.f32 v6, v3;
	v6 =	vadd.f32 v1, v4;
	v1 =	vpop (erf)  }
0x20f: {  	v8 =	vadd.f32 v2, v8;
	v4 =	vld [tilespmem:s18+$0xFFFFFEB0];
	v9 =	vadd.f32 v1, v9  }
0x210: {  	v1 =	vld [tilespmem:s18+$0xFFFFFEC0]  }
0x211: {  	v2 =	vld [tilespmem:s18+$0xFFFFFE60]  }
0x212: {  	s16 =	sadd.s32 $0x1C0, s16;
	v25 =	vld [tilespmem:s18+$0xFFFFFE70]  }
0x213: {  	s19 =	sand.u32 $0x7C0, s16;
	v26 =	vld [tilespmem:s18+$0xFFFFFE80]  }
0x214: {  	v27 =	vld [tilespmem:s19+$0x5680]  }
0x215: {  	v29 =	vld [tilespmem:s19+$0x5600]  }
0x216: {  	v30 =	vld [tilespmem:s19+$0x5580]  }
0x217: {  	v31 =	vld [tilespmem:s19+$0x5500]  }
0x218: {  	v23 =	vld.idx.msk [tilespmem:v23+s2+$0x0], $0xffff  }
0x219: {  	v24 =	vld.idx.msk [tilespmem:v24+s2+$0x0], $0xffff  }
0x21a: {  	v22 =	vld.idx.msk [tilespmem:v22+s2+$0x0], $0xffff  }
0x21b: {  	v17 =	vld.idx.msk [tilespmem:v17+s2+$0x0], $0xffff  }
0x21c: {  	v18 =	vld.idx.msk [tilespmem:v18+s2+$0x0], $0xffff  }
0x21d: {  	v19 =	vld.idx.msk [tilespmem:v19+s2+$0x0], $0xffff  }
0x21e: {  	v32 =	vld.idx.msk [tilespmem:v5+s2+$0x0], $0xffff  }
0x21f: {  	v28 =	vld.idx.msk [tilespmem:v28+s2+$0x0], $0xffff  }
0x220: {  	s17 =	sadd.s32 $0x7, s17;
	v5 =	vmul.f32 $1.442695020e+00, v23;
	v23 =	vmul.f32 $1.442695020e+00, v24;
	v33 =	vld.idx.msk [tilespmem:v0+s2+$0x0], $0xffff  }
0x221: {  	p0 =	slt.u32 s17, $0x15;
	v17 =	vmul.f32 $1.442695020e+00, v17;
	v0 =	vmul.f32 $1.442695020e+00, v22;
	v20 =	vld.idx.msk [tilespmem:v20+s2+$0x0], $0xffff  }
0x222: {  	v18 =	vmul.f32 $1.442695020e+00, v18;
	v21 =	vld.idx.msk [tilespmem:v21+s2+$0x0], $0xffff;
	(erf) = vpow2.f32 v5  }
0x223: {  	v5 =	vmul.f32 $1.442695020e+00, v19;
	v16 =	vld.idx.msk [tilespmem:v16+s2+$0x0], $0xffff;
	(erf) = vpow2.f32 v23  }
0x224: {  	v19 =	vmul.f32 $1.442695020e+00, v32;
	v7 =	vld.idx.msk [tilespmem:v7+s2+$0x0], $0xffff;
	(erf) = vpow2.f32 v17  }
0x225: {  	v17 =	vmul.f32 $1.442695020e+00, v28;
	v11 =	vld.idx.msk [tilespmem:v11+s2+$0x0], $0xffff;
	(erf) = vpow2.f32 v18  }
0x226: {  	v18 =	vmul.f32 $1.442695020e+00, v33;
	v2 =	vld.idx.msk [tilespmem:v2+s2+$0x0], $0xffff;
	(erf) = vpow2.f32 v19  }
0x227: {  	v20 =	vmul.f32 $1.442695020e+00, v20;
	v19 =	vld.idx.msk [tilespmem:v25+s2+$0x0], $0xffff;
	(erf) = vpow2.f32 v17  }
0x228: {  	v21 =	vmul.f32 $1.442695020e+00, v21;
	v17 =	vld.idx.msk [tilespmem:v31+s2+$0x0], $0xffff;
	(erf) = vpow2.f32 v18  }
0x229: {  	v16 =	vmul.f32 $1.442695020e+00, v16;
	v18 =	vld.idx.msk [tilespmem:v26+s2+$0x0], $0xffff;
	(erf) = vpow2.f32 v20  }
0x22a: {  	v7 =	vmul.f32 $1.442695020e+00, v7;
	v20 =	vld.idx.msk [tilespmem:v4+s2+$0x0], $0xffff;
	(erf) = vpow2.f32 v21  }
0x22b: {  	v23 =	vmul.f32 $1.442695020e+00, v11;
	v21 =	vld.idx.msk [tilespmem:v1+s2+$0x0], $0xffff;
	(erf) = vpow2.f32 v16;
	v1 =	vpop (erf)  }
0x22c: {  	v24 =	vmul.f32 $1.442695020e+00, v2;
	v16 =	vld.idx.msk [tilespmem:v30+s2+$0x0], $0xffff;
	(erf) = vpow2.f32 v7;
	v2 =	vpop (erf)  }
0x22d: {  	v19 =	vmul.f32 $1.442695020e+00, v19;
	v22 =	vld.idx.msk [tilespmem:v12+s2+$0x0], $0xffff;
	(erf) = vpow2.f32 v23;
	v4 =	vpop (erf)  }
0x22e: {  	v23 =	vmul.f32 $1.442695020e+00, v17;
	v17 =	vld.idx.msk [tilespmem:v15+s2+$0x0], $0xffff;
	(erf) = vpow2.f32 v24;
	v7 =	vpop (erf)  }
.Ltmp3:
0x22f: {  	v15 =	vmul.f32 $1.442695020e+00, v18;
	v18 =	vld.idx.msk [tilespmem:v14+s2+$0x0], $0xffff;
	(erf) = vpow2.f32 v19;
	v11 =	vpop (erf);
	(pc) =	sbr.rel @p0 .LBB2_8-.Ltmp3, $4  }
0x230: {  	v20 =	vmul.f32 $1.442695020e+00, v20;
	v19 =	vld.idx.msk [tilespmem:v29+s2+$0x0], $0xffff;
	(erf) = vpow2.f32 v23;
	v12 =	vpop (erf)  }
0x231: {  	v23 =	vmul.f32 $1.442695020e+00, v21;
	v13 =	vld.idx.msk [tilespmem:v13+s2+$0x0], $0xffff;
	(erf) = vpow2.f32 v15;
	v14 =	vpop (erf)  }
0x232: {  	v21 =	vmul.f32 $1.442695020e+00, v16;
	v10 =	vld.idx.msk [tilespmem:v10+s2+$0x0], $0xffff;
	(erf) = vpow2.f32 v20;
	v16 =	vpop (erf)  }
0x233: {  	s18 =	sadd.s32 $0x1C0, s18;
	v22 =	vmul.f32 $1.442695020e+00, v22;
	v20 =	vld.idx.msk [tilespmem:v27+s2+$0x0], $0xffff;
	(erf) = vpow2.f32 v23;
	v15 =	vpop (erf)  }
0x234: {  	v17 =	vmul.f32 $1.442695020e+00, v17;
	(erf) = vpow2.f32 v21;
	v40 =	vpop (erf)  }
0x235: {  	v18 =	vmul.f32 $1.442695020e+00, v18;
	v23 =	vpop (erf);
	(erf) = vpow2.f32 v22  }
0x236: {  	v19 =	vmul.f32 $1.442695020e+00, v19;
	v41 =	vpop (erf);
	(erf) = vpow2.f32 v17  }
0x237: {  	v13 =	vmul.f32 $1.442695020e+00, v13;
	v42 =	vpop (erf);
	(erf) = vpow2.f32 v18  }
0x238: {  	v10 =	vmul.f32 $1.442695020e+00, v10;
	v43 =	vpop (erf);
	(erf) = vpow2.f32 v19  }
0x239: {  	v44 =	vmul.f32 $1.442695020e+00, v20;
	v45 =	vpop (erf);
	(erf) = vpow2.f32 v13  }
0x23a: {  	v6 =	vadd.f32 v42, v6;
	v3 =	vadd.f32 v45, v3;
	v46 =	vpop (erf);
	(erf) = vpow2.f32 v5  }
0x23b: {  	v47 =	vadd.f32 v43, v8;
	v48 =	vadd.f32 v46, v9;
	v49 =	vpop (erf);
	(erf) = vpow2.f32 v10  }
0x23c: {  	v6 =	vadd.f32 v41, v6;
	v3 =	vadd.f32 v23, v3;
	v50 =	vpop (erf);
	(erf) = vpow2.f32 v44  }
0x23d: {  	v5 =	vadd.f32 v49, v47;
	v8 =	vadd.f32 v50, v48;
	v51 =	vpop (erf);
	(erf) = vpow2.f32 v0  }
0x23e: {  	v53 =	vadd.f32 v15, v6;
	v52 =	vadd.f32 v51, v3;
	v54 =	vpop (erf)  }
0x23f: {  	v5 =	vadd.f32 v40, v5;
	v6 =	vadd.f32 v54, v8;
	v55 =	vpop (erf)  }
0x240: {  	v3 =	vadd.f32 v16, v53;
	v0 =	vadd.f32 v14, v52;
	v56 =	vpop (erf)  }
0x241: {  	v5 =	vadd.f32 v55, v5;
	v6 =	vadd.f32 v56, v6;
	v57 =	vpop (erf)  }
0x242: {  	v3 =	vadd.f32 v11, v3;
	v0 =	vadd.f32 v57, v0;
	v58 =	vpop (erf)  }
0x243: {  	v5 =	vadd.f32 v12, v5;
	v6 =	vadd.f32 v58, v6;
	v59 =	vpop (erf)  }
0x244: {  	v3 =	vadd.f32 v7, v3;
	v0 =	vadd.f32 v4, v0;
	v60 =	vpop (erf)  }
0x245: {  	v5 =	vadd.f32 v59, v5;
	v4 =	vadd.f32 v60, v6;
	v61 =	vpop (erf)  }
0x246: {  	v1 =	vadd.f32 v1, v3;
	v0 =	vadd.f32 v61, v0;
	v62 =	vpop (erf)  }
0x247: {  	v2 =	vadd.f32 v2, v5;
	v3 =	vadd.f32 v62, v4;
	_ =	sdelay $0x1  }
0x248: {  	v0 =	vadd.f32 v1, v0;
	v63 =	vadd.f32 v3, v2;
	_ =	sdelay $0x1  }
0x249: {  	s15 =	sadd.s32 $0x1, s15;
	v0 =	vadd.f32 v63, v0  }
0x24a: {  	p0 =	sne.s32 s15, s7  }
.Ltmp4:
0x24b: {  	[tilespmem:$0x5CB0] =	vst v0;
	(pc) =	sbr.rel @p0 .LBB2_1-.Ltmp4, $4  }
0x24c: {  	[hbm4b:s6+s2] =	stream.linear.scatter [tilespmem:s13], [sflag:$0x2], $0x40, $0x38;
	[tilespmem:$0x5D00] =	vst v63  }
0x24d: {  	_ =	swait.ge [sflag:s14], $0x40  }
0x24e: {  	[sflag:s14] =	ssyncset.done $0x0  }
0x24f: {  	[sflag:s14] =	ssyncadd.s32 $0xFFFFFFC0  }
0x250: {  	_ =	sfence.sel $0x180000  }
0x251: {  	[bflag:$0x0] =	sbarrier.arrive $0xFFFF  }
0x252: {  	p0 =	sne.s32 s0, $0x0;
	_ =	strace $0x90000047  }
0x253: {  	s0 =	sadd.s32 @!p0 $0x100000, s1;
	[bflag:$0x2] =	sbarrier.arrive $0xFFFF  }
0x254: {  	[sflag:s0] =	ssyncadd.tile.s32 @!p0 $0x1;
	_ =	shalt  }
.Lfunc_end2:
_tile_overlayer_lowered:
.L_overlay_start_2:
0x255: {  	(tag) =	ssettag $0x2  }
0x256: {  	s0 =	rddreg [dreg:$0x0];
	s2 =	stileid.u32  }
0x257: {  	s1 =	rddreg [dreg:$0x1];
	p0 =	sne.s32 s2, $0x0  }
0x258: {  	s3 =	rddreg [dreg:$0x2];
	[bflag:$0x3] =	sbarrier.arrive $0xFFFF;
	s2 =	simm.s32 @!p0 $0x1C02  }
0x259: {  	[timem:s3], [sflag:s2] =	dma.local @!p0 [hbm:s0], s1  }
0x25a: {  	s0 =	simm.s32 @!p0 $0x2  }
0x25b: {  	_ =	swait.ge @!p0 [sflag:s0], s1  }
0x25c: {  	s1 =	ssub.s32 @!p0 $0x0, s1;
	[sflag:s0] =	ssyncset.done @!p0 $0x0  }
0x25d: {  	[sflag:s0] =	ssyncadd.s32 @!p0 s1  }
0x25e: {  	[bflag:$0x3] =	sbarrier.arrive $0xFFFF  }
0x25f: {  	_ =	shalt  }

</sc_bundles>
